<compile_context>
chip_gen: v7x
topology: tpu7x:2x2x1
jax: 0.10.2.dev20260603
libtpu: 0.0.44.dev20260713+nightly
codegen_flags: <defaults>
</compile_context>

<pallas_src>
import functools

import jax
import jax.numpy as jnp
from jax import lax
from jax.experimental import pallas as pl
from jax.experimental.pallas import tpu as pltpu
from jax.experimental.pallas import tpu_sc as plsc

_NC = 2
_NS = 16
_NW = _NC * _NS
_LN = 16
_CH = 128
_BLK = 8
_HW = 16
_BR = 1000


def _sc_mesh():
    return plsc.VectorSubcoreMesh(
        core_axis_name="c", subcore_axis_name="s",
        num_cores=_NC, num_subcores=_NS)


def _pad_rows(n):
    q = _NS * 8
    return (n + q - 1) // q * q


def _nch(e):
    ew = e // _NW
    return (ew + _CH - 1) // _CH


@functools.lru_cache(maxsize=None)
def _deg_kernel(n, e):
    nch = _nch(e)
    npad = _pad_rows(n)
    rpt = npad // _NS
    zb = 128
    nzc = rpt // zb

    def body(cols_hbm, out_hbm, cols_v, ones_v, zero_v, hist):
        c = lax.axis_index("c")
        s = lax.axis_index("s")
        wid = c * _NS + s
        pltpu.sync_copy(cols_hbm.at[wid], cols_v)
        one = jnp.full((_LN,), 1.0, jnp.float32)
        zero = jnp.zeros((_LN,), jnp.float32)

        def fill(r, _):
            ones_v[r, :] = one
            return 0
        lax.fori_loop(0, _CH, fill, 0)

        def zfill(r, _):
            zero_v[r, :] = zero
            return 0
        lax.fori_loop(0, zb, zfill, 0)
        for b in range(nzc):
            pltpu.sync_copy(zero_v, hist.at[pl.ds(s * rpt + b * zb, zb)])
        plsc.subcore_barrier()

        def chunk(j, _):
            pltpu.sync_copy(ones_v, hist.at[cols_v.at[j]], add=True)
            return 0
        lax.fori_loop(0, nch, chunk, 0)
        plsc.subcore_barrier()
        pltpu.sync_copy(hist.at[pl.ds(s * rpt, rpt)],
                        out_hbm.at[c, pl.ds(s * rpt, rpt)])

    return pl.kernel(
        body,
        out_type=jax.ShapeDtypeStruct((_NC, npad, _HW), jnp.float32),
        mesh=_sc_mesh(),
        scratch_types=[
            pltpu.VMEM((nch, _CH), jnp.int32),
            pltpu.VMEM((_CH, _HW), jnp.float32),
            pltpu.VMEM((zb, _HW), jnp.float32),
            pltpu.VMEM_SHARED((npad, _HW), jnp.float32),
        ],
    )


@functools.lru_cache(maxsize=None)
def _scatter_kernel(n, d, e):
    nch = _nch(e)
    nblk = nch // _BLK
    npad = _pad_rows(n)
    rpt = npad // _NS
    nzc = rpt // _CH

    def body(g_hbm, rows_hbm, cols_hbm, out_hbm,
             rows_v, cols_v, bufa, bufb, acc, sema, semb):
        c = lax.axis_index("c")
        s = lax.axis_index("s")
        wid = c * _NS + s
        zero = jnp.zeros((_LN,), jnp.float32)

        def fill(r, _):
            for g in range(d // _LN):
                bufa[r, pl.ds(g * _LN, _LN)] = zero
            return 0
        lax.fori_loop(0, _CH, fill, 0)
        for b in range(nzc):
            pltpu.sync_copy(bufa, acc.at[pl.ds(s * rpt + b * _CH, _CH)])
        plsc.subcore_barrier()

        def block(bb, _):
            pltpu.sync_copy(rows_hbm.at[wid, pl.ds(bb * _BLK, _BLK)], rows_v)
            pltpu.sync_copy(cols_hbm.at[wid, pl.ds(bb * _BLK, _BLK)], cols_v)
            cps = [None, None]
            cps[0] = pltpu.async_copy(g_hbm.at[rows_v.at[0]], bufa, sema)
            for k in range(_BLK):
                cur = bufa if k % 2 == 0 else bufb
                if k + 1 < _BLK:
                    nxt, nsem = (bufb, semb) if k % 2 == 0 else (bufa, sema)
                    cps[1] = pltpu.async_copy(
                        g_hbm.at[rows_v.at[k + 1]], nxt, nsem)
                cps[0].wait()
                cps[0] = cps[1]
                pltpu.sync_copy(cur, acc.at[cols_v.at[k]], add=True)
            return 0
        lax.fori_loop(0, nblk, block, 0)
        plsc.subcore_barrier()
        pltpu.sync_copy(acc.at[pl.ds(s * rpt, rpt)],
                        out_hbm.at[c, pl.ds(s * rpt, rpt)])

    return pl.kernel(
        body,
        out_type=jax.ShapeDtypeStruct((_NC, npad, d), jnp.float32),
        mesh=_sc_mesh(),
        scratch_types=[
            pltpu.VMEM((_BLK, _CH), jnp.int32),
            pltpu.VMEM((_BLK, _CH), jnp.int32),
            pltpu.VMEM((_CH, d), jnp.float32),
            pltpu.VMEM((_CH, d), jnp.float32),
            pltpu.VMEM_SHARED((npad, d), jnp.float32),
            pltpu.SemaphoreType.DMA,
            pltpu.SemaphoreType.DMA,
        ],
    )


def _dvec(hist_ref):
    deg = hist_ref[0, :, 0:1] + hist_ref[1, :, 0:1] + 1.0
    return lax.rsqrt(deg)


def _matmul_t(a, w):
    return lax.dot_general(a, w, (((1,), (1,)), ((), ())),
                           preferred_element_type=jnp.float32,
                           precision=lax.Precision.HIGHEST)


def _ln_gelu(z, gam, bet):
    mu = jnp.mean(z, axis=-1, keepdims=True)
    zc = z - mu
    var = jnp.mean(zc * zc, axis=-1, keepdims=True)
    zn = zc * lax.rsqrt(var + 1e-5) * gam + bet
    return 0.5 * zn * (1.0 + lax.erf(zn * 0.7071067811865476))


def _tc1_body(x_ref, w1_ref, hist_ref, o_ref):
    dv = _dvec(hist_ref)
    o_ref[...] = dv * _matmul_t(x_ref[...], w1_ref[...])


def _tc2_body(acc_ref, g_ref, hist_ref, b_ref, gam_ref, bet_ref, w2_ref, o_ref):
    dv = _dvec(hist_ref)
    z = dv * (acc_ref[0] + acc_ref[1] + g_ref[...]) + b_ref[...]
    a = _ln_gelu(z, gam_ref[...], bet_ref[...])
    o_ref[...] = dv * _matmul_t(a, w2_ref[...])


def _tc3_body(acc_ref, g_ref, hist_ref, b_ref, gam_ref, bet_ref, x_ref, o_ref):
    dv = _dvec(hist_ref)
    z = dv * (acc_ref[0] + acc_ref[1] + g_ref[...]) + b_ref[...]
    o_ref[...] = _ln_gelu(z, gam_ref[...], bet_ref[...]) + x_ref[...]


def _row_spec(d):
    return pl.BlockSpec((_BR, d), lambda i: (i, 0))


def _full_spec(shape):
    nd = len(shape)
    return pl.BlockSpec(shape, lambda i, _n=nd: (0,) * _n)


def _part_spec(d):
    return pl.BlockSpec((_NC, _BR, d), lambda i: (0, i, 0))


@functools.lru_cache(maxsize=None)
def _tc1_call(n, d):
    return pl.pallas_call(
        _tc1_body,
        grid=(n // _BR,),
        in_specs=[_row_spec(d), _full_spec((d, d)), _part_spec(_HW)],
        out_specs=_row_spec(d),
        out_shape=jax.ShapeDtypeStruct((n, d), jnp.float32),
    )


@functools.lru_cache(maxsize=None)
def _tc2_call(n, d):
    return pl.pallas_call(
        _tc2_body,
        grid=(n // _BR,),
        in_specs=[_part_spec(d), _row_spec(d), _part_spec(_HW),
                  _full_spec((1, d)), _full_spec((1, d)), _full_spec((1, d)),
                  _full_spec((d, d))],
        out_specs=_row_spec(d),
        out_shape=jax.ShapeDtypeStruct((n, d), jnp.float32),
    )


@functools.lru_cache(maxsize=None)
def _tc3_call(n, d):
    return pl.pallas_call(
        _tc3_body,
        grid=(n // _BR,),
        in_specs=[_part_spec(d), _row_spec(d), _part_spec(_HW),
                  _full_spec((1, d)), _full_spec((1, d)), _full_spec((1, d)),
                  _row_spec(d)],
        out_specs=_row_spec(d),
        out_shape=jax.ShapeDtypeStruct((n, d), jnp.float32),
    )


def _pad_edges(edge_index, n, e):
    nch = _nch(e)
    npad = _pad_rows(n)
    ew = e // _NW
    padcnt = nch * _CH - ew
    rows2 = edge_index[0].reshape(_NW, ew)
    cols2 = edge_index[1].reshape(_NW, ew)
    if padcnt:
        prow = jnp.zeros((_NW, padcnt), jnp.int32)
        pcol = jnp.broadcast_to(
            n + (jnp.arange(padcnt, dtype=jnp.int32) % (npad - n)),
            (_NW, padcnt))
        rows2 = jnp.concatenate([rows2, prow], axis=1)
        cols2 = jnp.concatenate([cols2, pcol], axis=1)
    return (rows2.reshape(_NW, nch, _CH), cols2.reshape(_NW, nch, _CH))


def kernel(x, edge_index, W1, b1, g1, beta1, W2, b2, g2, beta2):
    n, d = x.shape
    e = edge_index.shape[1]
    rows3, cols3 = _pad_edges(edge_index, n, e)

    hist = _deg_kernel(n, e)(cols3)

    b1r = b1.reshape(1, d)
    gam1 = g1.reshape(1, d)
    bet1 = beta1.reshape(1, d)
    b2r = b2.reshape(1, d)
    gam2 = g2.reshape(1, d)
    bet2 = beta2.reshape(1, d)

    scat = _scatter_kernel(n, d, e)
    g1m = _tc1_call(n, d)(x, W1, hist)
    acc1 = scat(g1m, rows3, cols3)
    g2m = _tc2_call(n, d)(acc1, g1m, hist, b1r, gam1, bet1, W2)
    acc2 = scat(g2m, rows3, cols3)
    out = _tc3_call(n, d)(acc2, g2m, hist, b2r, gam2, bet2, x)
    return out

# --- scband reference (transcript-rebuilt; emitter-appended) ---
"""Pipeline reference for scband-residual-gnnblock-54176717472256 (READ-ONLY COPY).

The authoritative reference and input builder live on the scoring server;
editing this copy changes nothing except your own understanding.
"""

import jax, jax.numpy as jnp
import numpy as np

N = 10000
D = 128
E = 320000

def setup_inputs(seed: int = 0) -> dict:
    key = jax.random.key(seed)
    ks = jax.random.split(key, 10)
    x = jax.random.normal(ks[0], (N, D), dtype=jnp.float32)
    edge_index = jax.random.randint(ks[1], (2, E), 0, N, dtype=jnp.int32)
    s = 1.0 / np.sqrt(D)
    W1 = jax.random.uniform(ks[2], (D, D), dtype=jnp.float32, minval=-s, maxval=s)
    b1 = jnp.zeros((D,), dtype=jnp.float32)
    g1 = jnp.ones((D,), dtype=jnp.float32)
    beta1 = jnp.zeros((D,), dtype=jnp.float32)
    W2 = jax.random.uniform(ks[3], (D, D), dtype=jnp.float32, minval=-s, maxval=s)
    b2 = jnp.zeros((D,), dtype=jnp.float32)
    g2 = jnp.ones((D,), dtype=jnp.float32)
    beta2 = jnp.zeros((D,), dtype=jnp.float32)
    return {"x": x, "edge_index": edge_index, "W1": W1, "b1": b1, "g1": g1, "beta1": beta1, "W2": W2, "b2": b2, "g2": g2, "beta2": beta2}

def _gcn_layer(x, edge_index, W, b):
    # x = self.lin(x)
    h = x @ W.T
    # add self loops
    loop = jnp.arange(N, dtype=edge_index.dtype)
    row = jnp.concatenate([edge_index[0], loop])
    col = jnp.concatenate([edge_index[1], loop])
    # symmetric normalization: deg computed on col (target)
    deg = jnp.zeros((N,), dtype=h.dtype).at[col].add(1.0)
    deg_inv_sqrt = jnp.where(deg > 0, deg ** -0.5, 0.0)
    edge_weight = deg_inv_sqrt[row] * deg_inv_sqrt[col]
    # propagate aggr='add': messages from source (row) aggregated at target (col)
    msg = edge_weight[:, None] * h[row]
    out = jnp.zeros((N, h.shape[1]), dtype=h.dtype).at[col].add(msg)
    return out + b

def _layer_norm(x, g, beta, eps=1e-5):
    mu = jnp.mean(x, axis=-1, keepdims=True)
    var = jnp.var(x, axis=-1, keepdims=True)
    return (x - mu) / jnp.sqrt(var + eps) * g + beta

def reference(x, edge_index, W1, b1, g1, beta1, W2, b2, g2, beta2):
    # ResidualGNNBlock forward (eval mode: dropout is identity)
    identity = x
    h = _gcn_layer(x, edge_index, W1, b1)
    h = _layer_norm(h, g1, beta1)
    h = jax.nn.gelu(h, approximate=False)
    h = _gcn_layer(h, edge_index, W2, b2)
    h = _layer_norm(h, g2, beta2)
    h = jax.nn.gelu(h, approximate=False)
    return h + identity

if __name__ == "__main__":
    import jax
    _d = setup_inputs()
    print(jax.jit(kernel)(*tuple(_d.values())))

</pallas_src>

<mosaic_0001>
#map = affine_map<(d0, d1) -> (0, 0, 0)>
module attributes {stable_mosaic.version = 14 : i64} {
  func.func @body(%arg0: i32, %arg1: i32, %arg2: memref<32x79x128xi32, #tpu.memory_space<hbm>>, %arg3: memref<2x10112x16xf32, #tpu.memory_space<hbm>>, %arg4: memref<79x128xi32, #tpu.memory_space<vmem>>, %arg5: memref<128x16xf32, #tpu.memory_space<vmem>>, %arg6: memref<128x16xf32, #tpu.memory_space<vmem>>, %arg7: memref<10112x16xf32, #tpu.memory_space<vmem_shared>>) attributes {dimension_semantics = [#tpu.dimension_semantics<core_parallel>, #tpu.dimension_semantics<subcore_parallel>], iteration_bounds = array<i64: 2, 16>, scalar_prefetch = 0 : i64, scratch_operands = 4 : i64, tpu.core_type = #tpu.core_type<sc_vector_subcore>, window_params = [{transform_indices = #map}, {transform_indices = #map}]} {
    %mul3A = arith.constant 16 : i32
    %mul3A_0 = arith.muli %arg0, %mul3A : i32
    %add3A = arith.addi %mul3A_0, %arg1 : i32
    "tpu.region"() ({
      %run_scoped3A = tpu.sem_alloc : memref<!tpu.dma_semaphore, #tpu.memory_space<semaphore_mem>>
      %dma_start3A = arith.constant 0 : i32
      %dma_start3A_45 = arith.constant 0 : i32
      %dma_start3A_46 = tpu.memref_slice %arg2[%add3A, %dma_start3A, %dma_start3A_45] : memref<32x79x128xi32, #tpu.memory_space<hbm>> -> memref<1x79x128xi32, #tpu.memory_space<hbm>>
      %dma_start3A_47 = tpu.memref_squeeze %dma_start3A_46 : memref<1x79x128xi32, #tpu.memory_space<hbm>> -> memref<79x128xi32, #tpu.memory_space<hbm>>
      %dma_start3A_48 = arith.constant 0 : i32
      %dma_start3A_49 = arith.constant 0 : i32
      %dma_start3A_50 = tpu.memref_slice %arg2[%add3A, %dma_start3A_48, %dma_start3A_49] : memref<32x79x128xi32, #tpu.memory_space<hbm>> -> memref<1x79x128xi32, #tpu.memory_space<hbm>>
      %dma_start3A_51 = tpu.memref_squeeze %dma_start3A_50 : memref<1x79x128xi32, #tpu.memory_space<hbm>> -> memref<79x128xi32, #tpu.memory_space<hbm>>
      tpu.enqueue_dma source(%dma_start3A_51 : memref<79x128xi32, #tpu.memory_space<hbm>>) target(%arg4 : memref<79x128xi32, #tpu.memory_space<vmem>>) target_semaphore(%run_scoped3A : memref<!tpu.dma_semaphore, #tpu.memory_space<semaphore_mem>>)
      %dma_wait3A = arith.constant 0 : i32
      %dma_wait3A_52 = arith.constant 0 : i32
      %dma_wait3A_53 = tpu.memref_slice %arg2[%add3A, %dma_wait3A, %dma_wait3A_52] : memref<32x79x128xi32, #tpu.memory_space<hbm>> -> memref<1x79x128xi32, #tpu.memory_space<hbm>>
      %dma_wait3A_54 = tpu.memref_squeeze %dma_wait3A_53 : memref<1x79x128xi32, #tpu.memory_space<hbm>> -> memref<79x128xi32, #tpu.memory_space<hbm>>
      %dma_wait3A_55 = arith.constant 0 : i32
      %dma_wait3A_56 = arith.constant 0 : i32
      %dma_wait3A_57 = tpu.memref_slice %arg2[%add3A, %dma_wait3A_55, %dma_wait3A_56] : memref<32x79x128xi32, #tpu.memory_space<hbm>> -> memref<1x79x128xi32, #tpu.memory_space<hbm>>
      %dma_wait3A_58 = tpu.memref_squeeze %dma_wait3A_57 : memref<1x79x128xi32, #tpu.memory_space<hbm>> -> memref<79x128xi32, #tpu.memory_space<hbm>>
      tpu.wait_dma2 semaphore(%run_scoped3A : memref<!tpu.dma_semaphore, #tpu.memory_space<semaphore_mem>>) src(%dma_wait3A_58 : memref<79x128xi32, #tpu.memory_space<hbm>>) dst(%arg4 : memref<79x128xi32, #tpu.memory_space<vmem>>)
      tpu.yield
    }) : () -> ()
    %broadcast_in_dim3A = arith.constant 1.000000e+00 : f32
    %broadcast_in_dim3A_1 = vector.broadcast %broadcast_in_dim3A : f32 to vector<16xf32>
    %broadcast_in_dim3A_2 = arith.constant 0.000000e+00 : f32
    %broadcast_in_dim3A_3 = vector.broadcast %broadcast_in_dim3A_2 : f32 to vector<16xf32>
    %scan3A = arith.constant 0 : i32
    %scan3A_4 = arith.constant 0 : i32
    %scan3A_5 = arith.constant 128 : i32
    %scan3A_6 = arith.addi %scan3A_4, %scan3A_5 : i32
    %scan3A_7 = arith.constant 1 : i32
    %scan3A_8 = scf.for %scan3A_45 = %scan3A_4 to %scan3A_6 step %scan3A_7 iter_args(%scan3A_46 = %scan3A) -> (i32)  : i32 {
      %swap3A = arith.index_cast %scan3A_45 : i32 to index
      %swap3A_47 = arith.constant 0 : index
      %swap3A_48 = tpu.vector_load %arg5[%swap3A, %swap3A_47] {strides = array<i32>} : memref<128x16xf32, #tpu.memory_space<vmem>>, vector<1x16xf32>,
      %swap3A_49 = vector.shape_cast %swap3A_48 : vector<1x16xf32> to vector<16xf32>
      %swap3A_50 = vector.shape_cast %broadcast_in_dim3A_1 : vector<16xf32> to vector<1x16xf32>
      tpu.vector_store %arg5[%swap3A, %swap3A_47], %swap3A_50 {strides = array<i32>} : memref<128x16xf32, #tpu.memory_space<vmem>>, vector<1x16xf32>,
      %scan3A_51 = arith.constant 0 : i32
      scf.yield %scan3A_51 : i32
    }
    %scan3A_9 = arith.constant 128 : i32
    %scan3A_10 = arith.constant 0 : i32
    %scan3A_11 = arith.constant 0 : i32
    %scan3A_12 = arith.constant 128 : i32
    %scan3A_13 = arith.addi %scan3A_11, %scan3A_12 : i32
    %scan3A_14 = arith.constant 1 : i32
    %scan3A_15 = scf.for %scan3A_45 = %scan3A_11 to %scan3A_13 step %scan3A_14 iter_args(%scan3A_46 = %scan3A_10) -> (i32)  : i32 {
      %swap3A = arith.index_cast %scan3A_45 : i32 to index
      %swap3A_47 = arith.constant 0 : index
      %swap3A_48 = tpu.vector_load %arg6[%swap3A, %swap3A_47] {strides = array<i32>} : memref<128x16xf32, #tpu.memory_space<vmem>>, vector<1x16xf32>,
      %swap3A_49 = vector.shape_cast %swap3A_48 : vector<1x16xf32> to vector<16xf32>
      %swap3A_50 = vector.shape_cast %broadcast_in_dim3A_3 : vector<16xf32> to vector<1x16xf32>
      tpu.vector_store %arg6[%swap3A, %swap3A_47], %swap3A_50 {strides = array<i32>} : memref<128x16xf32, #tpu.memory_space<vmem>>, vector<1x16xf32>,
      %scan3A_51 = arith.constant 0 : i32
      scf.yield %scan3A_51 : i32
    }
    %scan3A_16 = arith.constant 128 : i32
    %mul3A_17 = arith.constant 632 : i32
    %mul3A_18 = arith.muli %arg1, %mul3A_17 : i32
    %add3A_19 = arith.constant 0 : i32
    %add3A_20 = arith.addi %mul3A_18, %add3A_19 : i32
    "tpu.region"() ({
      %run_scoped3A = tpu.sem_alloc : memref<!tpu.dma_semaphore, #tpu.memory_space<semaphore_mem>>
      %dma_start3A = arith.constant 0 : i32
      %dma_start3A_45 = tpu.memref_slice %arg7[%add3A_20, %dma_start3A] : memref<10112x16xf32, #tpu.memory_space<vmem_shared>> -> memref<128x16xf32, #tpu.memory_space<vmem_shared>>
      %dma_start3A_46 = arith.constant 0 : i32
      %dma_start3A_47 = tpu.memref_slice %arg7[%add3A_20, %dma_start3A_46] : memref<10112x16xf32, #tpu.memory_space<vmem_shared>> -> memref<128x16xf32, #tpu.memory_space<vmem_shared>>
      tpu.enqueue_dma source(%arg6 : memref<128x16xf32, #tpu.memory_space<vmem>>) target(%dma_start3A_47 : memref<128x16xf32, #tpu.memory_space<vmem_shared>>) target_semaphore(%run_scoped3A : memref<!tpu.dma_semaphore, #tpu.memory_space<semaphore_mem>>)
      %dma_wait3A = arith.constant 0 : i32
      %dma_wait3A_48 = tpu.memref_slice %arg7[%add3A_20, %dma_wait3A] : memref<10112x16xf32, #tpu.memory_space<vmem_shared>> -> memref<128x16xf32, #tpu.memory_space<vmem_shared>>
      %dma_wait3A_49 = arith.constant 0 : i32
      %dma_wait3A_50 = tpu.memref_slice %arg7[%add3A_20, %dma_wait3A_49] : memref<10112x16xf32, #tpu.memory_space<vmem_shared>> -> memref<128x16xf32, #tpu.memory_space<vmem_shared>>
      tpu.wait_dma2 semaphore(%run_scoped3A : memref<!tpu.dma_semaphore, #tpu.memory_space<semaphore_mem>>) src(%arg6 : memref<128x16xf32, #tpu.memory_space<vmem>>) dst(%dma_wait3A_50 : memref<128x16xf32, #tpu.memory_space<vmem_shared>>)
      tpu.yield
    }) : () -> ()
    %mul3A_21 = arith.constant 632 : i32
    %mul3A_22 = arith.muli %arg1, %mul3A_21 : i32
    %add3A_23 = arith.constant 128 : i32
    %add3A_24 = arith.addi %mul3A_22, %add3A_23 : i32
    "tpu.region"() ({
      %run_scoped3A = tpu.sem_alloc : memref<!tpu.dma_semaphore, #tpu.memory_space<semaphore_mem>>
      %dma_start3A = arith.constant 0 : i32
      %dma_start3A_45 = tpu.memref_slice %arg7[%add3A_24, %dma_start3A] : memref<10112x16xf32, #tpu.memory_space<vmem_shared>> -> memref<128x16xf32, #tpu.memory_space<vmem_shared>>
      %dma_start3A_46 = arith.constant 0 : i32
      %dma_start3A_47 = tpu.memref_slice %arg7[%add3A_24, %dma_start3A_46] : memref<10112x16xf32, #tpu.memory_space<vmem_shared>> -> memref<128x16xf32, #tpu.memory_space<vmem_shared>>
      tpu.enqueue_dma source(%arg6 : memref<128x16xf32, #tpu.memory_space<vmem>>) target(%dma_start3A_47 : memref<128x16xf32, #tpu.memory_space<vmem_shared>>) target_semaphore(%run_scoped3A : memref<!tpu.dma_semaphore, #tpu.memory_space<semaphore_mem>>)
      %dma_wait3A = arith.constant 0 : i32
      %dma_wait3A_48 = tpu.memref_slice %arg7[%add3A_24, %dma_wait3A] : memref<10112x16xf32, #tpu.memory_space<vmem_shared>> -> memref<128x16xf32, #tpu.memory_space<vmem_shared>>
      %dma_wait3A_49 = arith.constant 0 : i32
      %dma_wait3A_50 = tpu.memref_slice %arg7[%add3A_24, %dma_wait3A_49] : memref<10112x16xf32, #tpu.memory_space<vmem_shared>> -> memref<128x16xf32, #tpu.memory_space<vmem_shared>>
      tpu.wait_dma2 semaphore(%run_scoped3A : memref<!tpu.dma_semaphore, #tpu.memory_space<semaphore_mem>>) src(%arg6 : memref<128x16xf32, #tpu.memory_space<vmem>>) dst(%dma_wait3A_50 : memref<128x16xf32, #tpu.memory_space<vmem_shared>>)
      tpu.yield
    }) : () -> ()
    %mul3A_25 = arith.constant 632 : i32
    %mul3A_26 = arith.muli %arg1, %mul3A_25 : i32
    %add3A_27 = arith.constant 256 : i32
    %add3A_28 = arith.addi %mul3A_26, %add3A_27 : i32
    "tpu.region"() ({
      %run_scoped3A = tpu.sem_alloc : memref<!tpu.dma_semaphore, #tpu.memory_space<semaphore_mem>>
      %dma_start3A = arith.constant 0 : i32
      %dma_start3A_45 = tpu.memref_slice %arg7[%add3A_28, %dma_start3A] : memref<10112x16xf32, #tpu.memory_space<vmem_shared>> -> memref<128x16xf32, #tpu.memory_space<vmem_shared>>
      %dma_start3A_46 = arith.constant 0 : i32
      %dma_start3A_47 = tpu.memref_slice %arg7[%add3A_28, %dma_start3A_46] : memref<10112x16xf32, #tpu.memory_space<vmem_shared>> -> memref<128x16xf32, #tpu.memory_space<vmem_shared>>
      tpu.enqueue_dma source(%arg6 : memref<128x16xf32, #tpu.memory_space<vmem>>) target(%dma_start3A_47 : memref<128x16xf32, #tpu.memory_space<vmem_shared>>) target_semaphore(%run_scoped3A : memref<!tpu.dma_semaphore, #tpu.memory_space<semaphore_mem>>)
      %dma_wait3A = arith.constant 0 : i32
      %dma_wait3A_48 = tpu.memref_slice %arg7[%add3A_28, %dma_wait3A] : memref<10112x16xf32, #tpu.memory_space<vmem_shared>> -> memref<128x16xf32, #tpu.memory_space<vmem_shared>>
      %dma_wait3A_49 = arith.constant 0 : i32
      %dma_wait3A_50 = tpu.memref_slice %arg7[%add3A_28, %dma_wait3A_49] : memref<10112x16xf32, #tpu.memory_space<vmem_shared>> -> memref<128x16xf32, #tpu.memory_space<vmem_shared>>
      tpu.wait_dma2 semaphore(%run_scoped3A : memref<!tpu.dma_semaphore, #tpu.memory_space<semaphore_mem>>) src(%arg6 : memref<128x16xf32, #tpu.memory_space<vmem>>) dst(%dma_wait3A_50 : memref<128x16xf32, #tpu.memory_space<vmem_shared>>)
      tpu.yield
    }) : () -> ()
    %mul3A_29 = arith.constant 632 : i32
    %mul3A_30 = arith.muli %arg1, %mul3A_29 : i32
    %add3A_31 = arith.constant 384 : i32
    %add3A_32 = arith.addi %mul3A_30, %add3A_31 : i32
    "tpu.region"() ({
      %run_scoped3A = tpu.sem_alloc : memref<!tpu.dma_semaphore, #tpu.memory_space<semaphore_mem>>
      %dma_start3A = arith.constant 0 : i32
      %dma_start3A_45 = tpu.memref_slice %arg7[%add3A_32, %dma_start3A] : memref<10112x16xf32, #tpu.memory_space<vmem_shared>> -> memref<128x16xf32, #tpu.memory_space<vmem_shared>>
      %dma_start3A_46 = arith.constant 0 : i32
      %dma_start3A_47 = tpu.memref_slice %arg7[%add3A_32, %dma_start3A_46] : memref<10112x16xf32, #tpu.memory_space<vmem_shared>> -> memref<128x16xf32, #tpu.memory_space<vmem_shared>>
      tpu.enqueue_dma source(%arg6 : memref<128x16xf32, #tpu.memory_space<vmem>>) target(%dma_start3A_47 : memref<128x16xf32, #tpu.memory_space<vmem_shared>>) target_semaphore(%run_scoped3A : memref<!tpu.dma_semaphore, #tpu.memory_space<semaphore_mem>>)
      %dma_wait3A = arith.constant 0 : i32
      %dma_wait3A_48 = tpu.memref_slice %arg7[%add3A_32, %dma_wait3A] : memref<10112x16xf32, #tpu.memory_space<vmem_shared>> -> memref<128x16xf32, #tpu.memory_space<vmem_shared>>
      %dma_wait3A_49 = arith.constant 0 : i32
      %dma_wait3A_50 = tpu.memref_slice %arg7[%add3A_32, %dma_wait3A_49] : memref<10112x16xf32, #tpu.memory_space<vmem_shared>> -> memref<128x16xf32, #tpu.memory_space<vmem_shared>>
      tpu.wait_dma2 semaphore(%run_scoped3A : memref<!tpu.dma_semaphore, #tpu.memory_space<semaphore_mem>>) src(%arg6 : memref<128x16xf32, #tpu.memory_space<vmem>>) dst(%dma_wait3A_50 : memref<128x16xf32, #tpu.memory_space<vmem_shared>>)
      tpu.yield
    }) : () -> ()
    %barrier3A = arith.constant 0 : index
    tpu.barrier barrier_id(%barrier3A)
    %scan3A_33 = arith.constant 0 : i32
    %scan3A_34 = arith.constant 0 : i32
    %scan3A_35 = arith.constant 79 : i32
    %scan3A_36 = arith.addi %scan3A_34, %scan3A_35 : i32
    %scan3A_37 = arith.constant 1 : i32
    %scan3A_38 = scf.for %scan3A_45 = %scan3A_34 to %scan3A_36 step %scan3A_37 iter_args(%scan3A_46 = %scan3A_33) -> (i32)  : i32 {
      "tpu.region"() ({
        %run_scoped3A = tpu.sem_alloc : memref<!tpu.dma_semaphore, #tpu.memory_space<semaphore_mem>>
        %dma_start3A = arith.constant 0 : i32
        %dma_start3A_48 = tpu.memref_slice %arg4[%scan3A_45, %dma_start3A] : memref<79x128xi32, #tpu.memory_space<vmem>> -> memref<1x128xi32, #tpu.memory_space<vmem>>
        %dma_start3A_49 = tpu.memref_squeeze %dma_start3A_48 : memref<1x128xi32, #tpu.memory_space<vmem>> -> memref<128xi32, #tpu.memory_space<vmem>>
        %dma_start3A_50 = arith.constant 0 : i32
        %dma_start3A_51 = arith.constant 0 : i32
        %dma_start3A_52 = tpu.memref_slice %arg7[%dma_start3A_50, %dma_start3A_51] : memref<10112x16xf32, #tpu.memory_space<vmem_shared>> -> memref<10112x16xf32, #tpu.memory_space<vmem_shared>>
        tpu.enqueue_indirect_dma source(%arg5 : memref<128x16xf32, #tpu.memory_space<vmem>>) target(%dma_start3A_52 : memref<10112x16xf32, #tpu.memory_space<vmem_shared>>) offsets(%dma_start3A_49 : memref<128xi32, #tpu.memory_space<vmem>>) semaphore(%run_scoped3A : memref<!tpu.dma_semaphore, #tpu.memory_space<semaphore_mem>>) {add = true}
        %dma_wait3A = arith.constant 0 : i32
        %dma_wait3A_53 = tpu.memref_slice %arg4[%scan3A_45, %dma_wait3A] : memref<79x128xi32, #tpu.memory_space<vmem>> -> memref<1x128xi32, #tpu.memory_space<vmem>>
        %dma_wait3A_54 = tpu.memref_squeeze %dma_wait3A_53 : memref<1x128xi32, #tpu.memory_space<vmem>> -> memref<128xi32, #tpu.memory_space<vmem>>
        %dma_wait3A_55 = arith.constant 0 : i32
        %dma_wait3A_56 = arith.constant 0 : i32
        %dma_wait3A_57 = tpu.memref_slice %arg7[%dma_wait3A_55, %dma_wait3A_56] : memref<10112x16xf32, #tpu.memory_space<vmem_shared>> -> memref<10112x16xf32, #tpu.memory_space<vmem_shared>>
        tpu.wait_indirect_dma semaphore(%run_scoped3A : memref<!tpu.dma_semaphore, #tpu.memory_space<semaphore_mem>>) src(%arg5 : memref<128x16xf32, #tpu.memory_space<vmem>>) dst(%dma_wait3A_57 : memref<10112x16xf32, #tpu.memory_space<vmem_shared>>)
        tpu.yield
      }) : () -> ()
      %scan3A_47 = arith.constant 0 : i32
      scf.yield %scan3A_47 : i32
    }
    %scan3A_39 = arith.constant 79 : i32
    %barrier3A_40 = arith.constant 0 : index
    tpu.barrier barrier_id(%barrier3A_40)
    %mul3A_41 = arith.constant 632 : i32
    %mul3A_42 = arith.muli %arg1, %mul3A_41 : i32
    %mul3A_43 = arith.constant 632 : i32
    %mul3A_44 = arith.muli %arg1, %mul3A_43 : i32
    "tpu.region"() ({
      %run_scoped3A = tpu.sem_alloc : memref<!tpu.dma_semaphore, #tpu.memory_space<semaphore_mem>>
      %dma_start3A = arith.constant 0 : i32
      %dma_start3A_45 = tpu.memref_slice %arg3[%arg0, %mul3A_44, %dma_start3A] : memref<2x10112x16xf32, #tpu.memory_space<hbm>> -> memref<1x632x16xf32, #tpu.memory_space<hbm>>
      %dma_start3A_46 = tpu.memref_squeeze %dma_start3A_45 : memref<1x632x16xf32, #tpu.memory_space<hbm>> -> memref<632x16xf32, #tpu.memory_space<hbm>>
      %dma_start3A_47 = arith.constant 0 : i32
      %dma_start3A_48 = tpu.memref_slice %arg7[%mul3A_42, %dma_start3A_47] : memref<10112x16xf32, #tpu.memory_space<vmem_shared>> -> memref<632x16xf32, #tpu.memory_space<vmem_shared>>
      tpu.enqueue_dma source(%dma_start3A_48 : memref<632x16xf32, #tpu.memory_space<vmem_shared>>) target(%dma_start3A_46 : memref<632x16xf32, #tpu.memory_space<hbm>>) target_semaphore(%run_scoped3A : memref<!tpu.dma_semaphore, #tpu.memory_space<semaphore_mem>>)
      %dma_wait3A = arith.constant 0 : i32
      %dma_wait3A_49 = tpu.memref_slice %arg3[%arg0, %mul3A_44, %dma_wait3A] : memref<2x10112x16xf32, #tpu.memory_space<hbm>> -> memref<1x632x16xf32, #tpu.memory_space<hbm>>
      %dma_wait3A_50 = tpu.memref_squeeze %dma_wait3A_49 : memref<1x632x16xf32, #tpu.memory_space<hbm>> -> memref<632x16xf32, #tpu.memory_space<hbm>>
      %dma_wait3A_51 = arith.constant 0 : i32
      %dma_wait3A_52 = tpu.memref_slice %arg7[%mul3A_42, %dma_wait3A_51] : memref<10112x16xf32, #tpu.memory_space<vmem_shared>> -> memref<632x16xf32, #tpu.memory_space<vmem_shared>>
      tpu.wait_dma2 semaphore(%run_scoped3A : memref<!tpu.dma_semaphore, #tpu.memory_space<semaphore_mem>>) src(%dma_wait3A_52 : memref<632x16xf32, #tpu.memory_space<vmem_shared>>) dst(%dma_wait3A_50 : memref<632x16xf32, #tpu.memory_space<hbm>>)
      tpu.yield
    }) : () -> ()
    return
  }
}

#map = affine_map<(d0, d1) -> (0, 0)>
#map1 = affine_map<(d0, d1) -> (0, 0, 0)>
module attributes {stable_mosaic.version = 14 : i64} {
  func.func @body(%arg0: i32, %arg1: i32, %arg2: memref<10000x128xf32, #tpu.memory_space<hbm>>, %arg3: memref<32x79x128xi32, #tpu.memory_space<hbm>>, %arg4: memref<32x79x128xi32, #tpu.memory_space<hbm>>, %arg5: memref<2x10112x128xf32, #tpu.memory_space<hbm>>, %arg6: memref<8x128xi32, #tpu.memory_space<vmem>>, %arg7: memref<8x128xi32, #tpu.memory_space<vmem>>, %arg8: memref<128x128xf32, #tpu.memory_space<vmem>>, %arg9: memref<128x128xf32, #tpu.memory_space<vmem>>, %arg10: memref<10112x128xf32, #tpu.memory_space<vmem_shared>>, %arg11: memref<!tpu.dma_semaphore, #tpu.memory_space<semaphore_mem>>, %arg12: memref<!tpu.dma_semaphore, #tpu.memory_space<semaphore_mem>>) attributes {dimension_semantics = [#tpu.dimension_semantics<core_parallel>, #tpu.dimension_semantics<subcore_parallel>], iteration_bounds = array<i64: 2, 16>, scalar_prefetch = 0 : i64, scratch_operands = 7 : i64, tpu.core_type = #tpu.core_type<sc_vector_subcore>, window_params = [{transform_indices = #map}, {transform_indices = #map1}, {transform_indices = #map1}, {transform_indices = #map1}]} {
    %mul3A = arith.constant 16 : i32
    %mul3A_0 = arith.muli %arg0, %mul3A : i32
    %add3A = arith.addi %mul3A_0, %arg1 : i32
    %broadcast_in_dim3A = arith.constant 0.000000e+00 : f32
    %broadcast_in_dim3A_1 = vector.broadcast %broadcast_in_dim3A : f32 to vector<16xf32>
    %scan3A = arith.constant 0 : i32
    %scan3A_2 = arith.constant 0 : i32
    %scan3A_3 = arith.constant 128 : i32
    %scan3A_4 = arith.addi %scan3A_2, %scan3A_3 : i32
    %scan3A_5 = arith.constant 1 : i32
    %scan3A_6 = scf.for %scan3A_36 = %scan3A_2 to %scan3A_4 step %scan3A_5 iter_args(%scan3A_37 = %scan3A) -> (i32)  : i32 {
      %swap3A = arith.index_cast %scan3A_36 : i32 to index
      %swap3A_38 = arith.constant 0 : index
      %swap3A_39 = tpu.vector_load %arg8[%swap3A, %swap3A_38] {strides = array<i32>} : memref<128x128xf32, #tpu.memory_space<vmem>>, vector<1x16xf32>,
      %swap3A_40 = vector.shape_cast %swap3A_39 : vector<1x16xf32> to vector<16xf32>
      %swap3A_41 = vector.shape_cast %broadcast_in_dim3A_1 : vector<16xf32> to vector<1x16xf32>
      tpu.vector_store %arg8[%swap3A, %swap3A_38], %swap3A_41 {strides = array<i32>} : memref<128x128xf32, #tpu.memory_space<vmem>>, vector<1x16xf32>,
      %swap3A_42 = arith.index_cast %scan3A_36 : i32 to index
      %swap3A_43 = arith.constant 16 : index
      %swap3A_44 = tpu.vector_load %arg8[%swap3A_42, %swap3A_43] {strides = array<i32>} : memref<128x128xf32, #tpu.memory_space<vmem>>, vector<1x16xf32>,
      %swap3A_45 = vector.shape_cast %swap3A_44 : vector<1x16xf32> to vector<16xf32>
      %swap3A_46 = vector.shape_cast %broadcast_in_dim3A_1 : vector<16xf32> to vector<1x16xf32>
      tpu.vector_store %arg8[%swap3A_42, %swap3A_43], %swap3A_46 {strides = array<i32>} : memref<128x128xf32, #tpu.memory_space<vmem>>, vector<1x16xf32>,
      %swap3A_47 = arith.index_cast %scan3A_36 : i32 to index
      %swap3A_48 = arith.constant 32 : index
      %swap3A_49 = tpu.vector_load %arg8[%swap3A_47, %swap3A_48] {strides = array<i32>} : memref<128x128xf32, #tpu.memory_space<vmem>>, vector<1x16xf32>,
      %swap3A_50 = vector.shape_cast %swap3A_49 : vector<1x16xf32> to vector<16xf32>
      %swap3A_51 = vector.shape_cast %broadcast_in_dim3A_1 : vector<16xf32> to vector<1x16xf32>
      tpu.vector_store %arg8[%swap3A_47, %swap3A_48], %swap3A_51 {strides = array<i32>} : memref<128x128xf32, #tpu.memory_space<vmem>>, vector<1x16xf32>,
      %swap3A_52 = arith.index_cast %scan3A_36 : i32 to index
      %swap3A_53 = arith.constant 48 : index
      %swap3A_54 = tpu.vector_load %arg8[%swap3A_52, %swap3A_53] {strides = array<i32>} : memref<128x128xf32, #tpu.memory_space<vmem>>, vector<1x16xf32>,
      %swap3A_55 = vector.shape_cast %swap3A_54 : vector<1x16xf32> to vector<16xf32>
      %swap3A_56 = vector.shape_cast %broadcast_in_dim3A_1 : vector<16xf32> to vector<1x16xf32>
      tpu.vector_store %arg8[%swap3A_52, %swap3A_53], %swap3A_56 {strides = array<i32>} : memref<128x128xf32, #tpu.memory_space<vmem>>, vector<1x16xf32>,
      %swap3A_57 = arith.index_cast %scan3A_36 : i32 to index
      %swap3A_58 = arith.constant 64 : index
      %swap3A_59 = tpu.vector_load %arg8[%swap3A_57, %swap3A_58] {strides = array<i32>} : memref<128x128xf32, #tpu.memory_space<vmem>>, vector<1x16xf32>,
      %swap3A_60 = vector.shape_cast %swap3A_59 : vector<1x16xf32> to vector<16xf32>
      %swap3A_61 = vector.shape_cast %broadcast_in_dim3A_1 : vector<16xf32> to vector<1x16xf32>
      tpu.vector_store %arg8[%swap3A_57, %swap3A_58], %swap3A_61 {strides = array<i32>} : memref<128x128xf32, #tpu.memory_space<vmem>>, vector<1x16xf32>,
      %swap3A_62 = arith.index_cast %scan3A_36 : i32 to index
      %swap3A_63 = arith.constant 80 : index
      %swap3A_64 = tpu.vector_load %arg8[%swap3A_62, %swap3A_63] {strides = array<i32>} : memref<128x128xf32, #tpu.memory_space<vmem>>, vector<1x16xf32>,
      %swap3A_65 = vector.shape_cast %swap3A_64 : vector<1x16xf32> to vector<16xf32>
      %swap3A_66 = vector.shape_cast %broadcast_in_dim3A_1 : vector<16xf32> to vector<1x16xf32>
      tpu.vector_store %arg8[%swap3A_62, %swap3A_63], %swap3A_66 {strides = array<i32>} : memref<128x128xf32, #tpu.memory_space<vmem>>, vector<1x16xf32>,
      %swap3A_67 = arith.index_cast %scan3A_36 : i32 to index
      %swap3A_68 = arith.constant 96 : index
      %swap3A_69 = tpu.vector_load %arg8[%swap3A_67, %swap3A_68] {strides = array<i32>} : memref<128x128xf32, #tpu.memory_space<vmem>>, vector<1x16xf32>,
      %swap3A_70 = vector.shape_cast %swap3A_69 : vector<1x16xf32> to vector<16xf32>
      %swap3A_71 = vector.shape_cast %broadcast_in_dim3A_1 : vector<16xf32> to vector<1x16xf32>
      tpu.vector_store %arg8[%swap3A_67, %swap3A_68], %swap3A_71 {strides = array<i32>} : memref<128x128xf32, #tpu.memory_space<vmem>>, vector<1x16xf32>,
      %swap3A_72 = arith.index_cast %scan3A_36 : i32 to index
      %swap3A_73 = arith.constant 112 : index
      %swap3A_74 = tpu.vector_load %arg8[%swap3A_72, %swap3A_73] {strides = array<i32>} : memref<128x128xf32, #tpu.memory_space<vmem>>, vector<1x16xf32>,
      %swap3A_75 = vector.shape_cast %swap3A_74 : vector<1x16xf32> to vector<16xf32>
      %swap3A_76 = vector.shape_cast %broadcast_in_dim3A_1 : vector<16xf32> to vector<1x16xf32>
      tpu.vector_store %arg8[%swap3A_72, %swap3A_73], %swap3A_76 {strides = array<i32>} : memref<128x128xf32, #tpu.memory_space<vmem>>, vector<1x16xf32>,
      %scan3A_77 = arith.constant 0 : i32
      scf.yield %scan3A_77 : i32
    }
    %scan3A_7 = arith.constant 128 : i32
    %mul3A_8 = arith.constant 632 : i32
    %mul3A_9 = arith.muli %arg1, %mul3A_8 : i32
    %add3A_10 = arith.constant 0 : i32
    %add3A_11 = arith.addi %mul3A_9, %add3A_10 : i32
    "tpu.region"() ({
      %run_scoped3A = tpu.sem_alloc : memref<!tpu.dma_semaphore, #tpu.memory_space<semaphore_mem>>
      %dma_start3A = arith.constant 0 : i32
      %dma_start3A_36 = tpu.memref_slice %arg10[%add3A_11, %dma_start3A] : memref<10112x128xf32, #tpu.memory_space<vmem_shared>> -> memref<128x128xf32, #tpu.memory_space<vmem_shared>>
      %dma_start3A_37 = arith.constant 0 : i32
      %dma_start3A_38 = tpu.memref_slice %arg10[%add3A_11, %dma_start3A_37] : memref<10112x128xf32, #tpu.memory_space<vmem_shared>> -> memref<128x128xf32, #tpu.memory_space<vmem_shared>>
      tpu.enqueue_dma source(%arg8 : memref<128x128xf32, #tpu.memory_space<vmem>>) target(%dma_start3A_38 : memref<128x128xf32, #tpu.memory_space<vmem_shared>>) target_semaphore(%run_scoped3A : memref<!tpu.dma_semaphore, #tpu.memory_space<semaphore_mem>>)
      %dma_wait3A = arith.constant 0 : i32
      %dma_wait3A_39 = tpu.memref_slice %arg10[%add3A_11, %dma_wait3A] : memref<10112x128xf32, #tpu.memory_space<vmem_shared>> -> memref<128x128xf32, #tpu.memory_space<vmem_shared>>
      %dma_wait3A_40 = arith.constant 0 : i32
      %dma_wait3A_41 = tpu.memref_slice %arg10[%add3A_11, %dma_wait3A_40] : memref<10112x128xf32, #tpu.memory_space<vmem_shared>> -> memref<128x128xf32, #tpu.memory_space<vmem_shared>>
      tpu.wait_dma2 semaphore(%run_scoped3A : memref<!tpu.dma_semaphore, #tpu.memory_space<semaphore_mem>>) src(%arg8 : memref<128x128xf32, #tpu.memory_space<vmem>>) dst(%dma_wait3A_41 : memref<128x128xf32, #tpu.memory_space<vmem_shared>>)
      tpu.yield
    }) : () -> ()
    %mul3A_12 = arith.constant 632 : i32
    %mul3A_13 = arith.muli %arg1, %mul3A_12 : i32
    %add3A_14 = arith.constant 128 : i32
    %add3A_15 = arith.addi %mul3A_13, %add3A_14 : i32
    "tpu.region"() ({
      %run_scoped3A = tpu.sem_alloc : memref<!tpu.dma_semaphore, #tpu.memory_space<semaphore_mem>>
      %dma_start3A = arith.constant 0 : i32
      %dma_start3A_36 = tpu.memref_slice %arg10[%add3A_15, %dma_start3A] : memref<10112x128xf32, #tpu.memory_space<vmem_shared>> -> memref<128x128xf32, #tpu.memory_space<vmem_shared>>
      %dma_start3A_37 = arith.constant 0 : i32
      %dma_start3A_38 = tpu.memref_slice %arg10[%add3A_15, %dma_start3A_37] : memref<10112x128xf32, #tpu.memory_space<vmem_shared>> -> memref<128x128xf32, #tpu.memory_space<vmem_shared>>
      tpu.enqueue_dma source(%arg8 : memref<128x128xf32, #tpu.memory_space<vmem>>) target(%dma_start3A_38 : memref<128x128xf32, #tpu.memory_space<vmem_shared>>) target_semaphore(%run_scoped3A : memref<!tpu.dma_semaphore, #tpu.memory_space<semaphore_mem>>)
      %dma_wait3A = arith.constant 0 : i32
      %dma_wait3A_39 = tpu.memref_slice %arg10[%add3A_15, %dma_wait3A] : memref<10112x128xf32, #tpu.memory_space<vmem_shared>> -> memref<128x128xf32, #tpu.memory_space<vmem_shared>>
      %dma_wait3A_40 = arith.constant 0 : i32
      %dma_wait3A_41 = tpu.memref_slice %arg10[%add3A_15, %dma_wait3A_40] : memref<10112x128xf32, #tpu.memory_space<vmem_shared>> -> memref<128x128xf32, #tpu.memory_space<vmem_shared>>
      tpu.wait_dma2 semaphore(%run_scoped3A : memref<!tpu.dma_semaphore, #tpu.memory_space<semaphore_mem>>) src(%arg8 : memref<128x128xf32, #tpu.memory_space<vmem>>) dst(%dma_wait3A_41 : memref<128x128xf32, #tpu.memory_space<vmem_shared>>)
      tpu.yield
    }) : () -> ()
    %mul3A_16 = arith.constant 632 : i32
    %mul3A_17 = arith.muli %arg1, %mul3A_16 : i32
    %add3A_18 = arith.constant 256 : i32
    %add3A_19 = arith.addi %mul3A_17, %add3A_18 : i32
    "tpu.region"() ({
      %run_scoped3A = tpu.sem_alloc : memref<!tpu.dma_semaphore, #tpu.memory_space<semaphore_mem>>
      %dma_start3A = arith.constant 0 : i32
      %dma_start3A_36 = tpu.memref_slice %arg10[%add3A_19, %dma_start3A] : memref<10112x128xf32, #tpu.memory_space<vmem_shared>> -> memref<128x128xf32, #tpu.memory_space<vmem_shared>>
      %dma_start3A_37 = arith.constant 0 : i32
      %dma_start3A_38 = tpu.memref_slice %arg10[%add3A_19, %dma_start3A_37] : memref<10112x128xf32, #tpu.memory_space<vmem_shared>> -> memref<128x128xf32, #tpu.memory_space<vmem_shared>>
      tpu.enqueue_dma source(%arg8 : memref<128x128xf32, #tpu.memory_space<vmem>>) target(%dma_start3A_38 : memref<128x128xf32, #tpu.memory_space<vmem_shared>>) target_semaphore(%run_scoped3A : memref<!tpu.dma_semaphore, #tpu.memory_space<semaphore_mem>>)
      %dma_wait3A = arith.constant 0 : i32
      %dma_wait3A_39 = tpu.memref_slice %arg10[%add3A_19, %dma_wait3A] : memref<10112x128xf32, #tpu.memory_space<vmem_shared>> -> memref<128x128xf32, #tpu.memory_space<vmem_shared>>
      %dma_wait3A_40 = arith.constant 0 : i32
      %dma_wait3A_41 = tpu.memref_slice %arg10[%add3A_19, %dma_wait3A_40] : memref<10112x128xf32, #tpu.memory_space<vmem_shared>> -> memref<128x128xf32, #tpu.memory_space<vmem_shared>>
      tpu.wait_dma2 semaphore(%run_scoped3A : memref<!tpu.dma_semaphore, #tpu.memory_space<semaphore_mem>>) src(%arg8 : memref<128x128xf32, #tpu.memory_space<vmem>>) dst(%dma_wait3A_41 : memref<128x128xf32, #tpu.memory_space<vmem_shared>>)
      tpu.yield
    }) : () -> ()
    %mul3A_20 = arith.constant 632 : i32
    %mul3A_21 = arith.muli %arg1, %mul3A_20 : i32
    %add3A_22 = arith.constant 384 : i32
    %add3A_23 = arith.addi %mul3A_21, %add3A_22 : i32
    "tpu.region"() ({
      %run_scoped3A = tpu.sem_alloc : memref<!tpu.dma_semaphore, #tpu.memory_space<semaphore_mem>>
      %dma_start3A = arith.constant 0 : i32
      %dma_start3A_36 = tpu.memref_slice %arg10[%add3A_23, %dma_start3A] : memref<10112x128xf32, #tpu.memory_space<vmem_shared>> -> memref<128x128xf32, #tpu.memory_space<vmem_shared>>
      %dma_start3A_37 = arith.constant 0 : i32
      %dma_start3A_38 = tpu.memref_slice %arg10[%add3A_23, %dma_start3A_37] : memref<10112x128xf32, #tpu.memory_space<vmem_shared>> -> memref<128x128xf32, #tpu.memory_space<vmem_shared>>
      tpu.enqueue_dma source(%arg8 : memref<128x128xf32, #tpu.memory_space<vmem>>) target(%dma_start3A_38 : memref<128x128xf32, #tpu.memory_space<vmem_shared>>) target_semaphore(%run_scoped3A : memref<!tpu.dma_semaphore, #tpu.memory_space<semaphore_mem>>)
      %dma_wait3A = arith.constant 0 : i32
      %dma_wait3A_39 = tpu.memref_slice %arg10[%add3A_23, %dma_wait3A] : memref<10112x128xf32, #tpu.memory_space<vmem_shared>> -> memref<128x128xf32, #tpu.memory_space<vmem_shared>>
      %dma_wait3A_40 = arith.constant 0 : i32
      %dma_wait3A_41 = tpu.memref_slice %arg10[%add3A_23, %dma_wait3A_40] : memref<10112x128xf32, #tpu.memory_space<vmem_shared>> -> memref<128x128xf32, #tpu.memory_space<vmem_shared>>
      tpu.wait_dma2 semaphore(%run_scoped3A : memref<!tpu.dma_semaphore, #tpu.memory_space<semaphore_mem>>) src(%arg8 : memref<128x128xf32, #tpu.memory_space<vmem>>) dst(%dma_wait3A_41 : memref<128x128xf32, #tpu.memory_space<vmem_shared>>)
      tpu.yield
    }) : () -> ()
    %barrier3A = arith.constant 0 : index
    tpu.barrier barrier_id(%barrier3A)
    %scan3A_24 = arith.constant 0 : i32
    %scan3A_25 = arith.constant 0 : i32
    %scan3A_26 = arith.constant 9 : i32
    %scan3A_27 = arith.addi %scan3A_25, %scan3A_26 : i32
    %scan3A_28 = arith.constant 1 : i32
    %scan3A_29 = scf.for %scan3A_36 = %scan3A_25 to %scan3A_27 step %scan3A_28 iter_args(%scan3A_37 = %scan3A_24) -> (i32)  : i32 {
      %mul3A_38 = arith.constant 8 : i32
      %mul3A_39 = arith.muli %scan3A_36, %mul3A_38 : i32
      "tpu.region"() ({
        %run_scoped3A_160 = tpu.sem_alloc : memref<!tpu.dma_semaphore, #tpu.memory_space<semaphore_mem>>
        %dma_start3A_161 = arith.constant 0 : i32
        %dma_start3A_162 = tpu.memref_slice %arg3[%add3A, %mul3A_39, %dma_start3A_161] : memref<32x79x128xi32, #tpu.memory_space<hbm>> -> memref<1x8x128xi32, #tpu.memory_space<hbm>>
        %dma_start3A_163 = tpu.memref_squeeze %dma_start3A_162 : memref<1x8x128xi32, #tpu.memory_space<hbm>> -> memref<8x128xi32, #tpu.memory_space<hbm>>
        %dma_start3A_164 = arith.constant 0 : i32
        %dma_start3A_165 = tpu.memref_slice %arg3[%add3A, %mul3A_39, %dma_start3A_164] : memref<32x79x128xi32, #tpu.memory_space<hbm>> -> memref<1x8x128xi32, #tpu.memory_space<hbm>>
        %dma_start3A_166 = tpu.memref_squeeze %dma_start3A_165 : memref<1x8x128xi32, #tpu.memory_space<hbm>> -> memref<8x128xi32, #tpu.memory_space<hbm>>
        tpu.enqueue_dma source(%dma_start3A_166 : memref<8x128xi32, #tpu.memory_space<hbm>>) target(%arg6 : memref<8x128xi32, #tpu.memory_space<vmem>>) target_semaphore(%run_scoped3A_160 : memref<!tpu.dma_semaphore, #tpu.memory_space<semaphore_mem>>)
        %dma_wait3A_167 = arith.constant 0 : i32
        %dma_wait3A_168 = tpu.memref_slice %arg3[%add3A, %mul3A_39, %dma_wait3A_167] : memref<32x79x128xi32, #tpu.memory_space<hbm>> -> memref<1x8x128xi32, #tpu.memory_space<hbm>>
        %dma_wait3A_169 = tpu.memref_squeeze %dma_wait3A_168 : memref<1x8x128xi32, #tpu.memory_space<hbm>> -> memref<8x128xi32, #tpu.memory_space<hbm>>
        %dma_wait3A_170 = arith.constant 0 : i32
        %dma_wait3A_171 = tpu.memref_slice %arg3[%add3A, %mul3A_39, %dma_wait3A_170] : memref<32x79x128xi32, #tpu.memory_space<hbm>> -> memref<1x8x128xi32, #tpu.memory_space<hbm>>
        %dma_wait3A_172 = tpu.memref_squeeze %dma_wait3A_171 : memref<1x8x128xi32, #tpu.memory_space<hbm>> -> memref<8x128xi32, #tpu.memory_space<hbm>>
        tpu.wait_dma2 semaphore(%run_scoped3A_160 : memref<!tpu.dma_semaphore, #tpu.memory_space<semaphore_mem>>) src(%dma_wait3A_172 : memref<8x128xi32, #tpu.memory_space<hbm>>) dst(%arg6 : memref<8x128xi32, #tpu.memory_space<vmem>>)
        tpu.yield
      }) : () -> ()
      %mul3A_40 = arith.constant 8 : i32
      %mul3A_41 = arith.muli %scan3A_36, %mul3A_40 : i32
      "tpu.region"() ({
        %run_scoped3A_160 = tpu.sem_alloc : memref<!tpu.dma_semaphore, #tpu.memory_space<semaphore_mem>>
        %dma_start3A_161 = arith.constant 0 : i32
        %dma_start3A_162 = tpu.memref_slice %arg4[%add3A, %mul3A_41, %dma_start3A_161] : memref<32x79x128xi32, #tpu.memory_space<hbm>> -> memref<1x8x128xi32, #tpu.memory_space<hbm>>
        %dma_start3A_163 = tpu.memref_squeeze %dma_start3A_162 : memref<1x8x128xi32, #tpu.memory_space<hbm>> -> memref<8x128xi32, #tpu.memory_space<hbm>>
        %dma_start3A_164 = arith.constant 0 : i32
        %dma_start3A_165 = tpu.memref_slice %arg4[%add3A, %mul3A_41, %dma_start3A_164] : memref<32x79x128xi32, #tpu.memory_space<hbm>> -> memref<1x8x128xi32, #tpu.memory_space<hbm>>
        %dma_start3A_166 = tpu.memref_squeeze %dma_start3A_165 : memref<1x8x128xi32, #tpu.memory_space<hbm>> -> memref<8x128xi32, #tpu.memory_space<hbm>>
        tpu.enqueue_dma source(%dma_start3A_166 : memref<8x128xi32, #tpu.memory_space<hbm>>) target(%arg7 : memref<8x128xi32, #tpu.memory_space<vmem>>) target_semaphore(%run_scoped3A_160 : memref<!tpu.dma_semaphore, #tpu.memory_space<semaphore_mem>>)
        %dma_wait3A_167 = arith.constant 0 : i32
        %dma_wait3A_168 = tpu.memref_slice %arg4[%add3A, %mul3A_41, %dma_wait3A_167] : memref<32x79x128xi32, #tpu.memory_space<hbm>> -> memref<1x8x128xi32, #tpu.memory_space<hbm>>
        %dma_wait3A_169 = tpu.memref_squeeze %dma_wait3A_168 : memref<1x8x128xi32, #tpu.memory_space<hbm>> -> memref<8x128xi32, #tpu.memory_space<hbm>>
        %dma_wait3A_170 = arith.constant 0 : i32
        %dma_wait3A_171 = tpu.memref_slice %arg4[%add3A, %mul3A_41, %dma_wait3A_170] : memref<32x79x128xi32, #tpu.memory_space<hbm>> -> memref<1x8x128xi32, #tpu.memory_space<hbm>>
        %dma_wait3A_172 = tpu.memref_squeeze %dma_wait3A_171 : memref<1x8x128xi32, #tpu.memory_space<hbm>> -> memref<8x128xi32, #tpu.memory_space<hbm>>
        tpu.wait_dma2 semaphore(%run_scoped3A_160 : memref<!tpu.dma_semaphore, #tpu.memory_space<semaphore_mem>>) src(%dma_wait3A_172 : memref<8x128xi32, #tpu.memory_space<hbm>>) dst(%arg7 : memref<8x128xi32, #tpu.memory_space<vmem>>)
        tpu.yield
      }) : () -> ()
      %dma_start3A = arith.constant 0 : i32
      %dma_start3A_42 = arith.constant 0 : i32
      %dma_start3A_43 = tpu.memref_slice %arg6[%dma_start3A, %dma_start3A_42] : memref<8x128xi32, #tpu.memory_space<vmem>> -> memref<1x128xi32, #tpu.memory_space<vmem>>
      %dma_start3A_44 = tpu.memref_squeeze %dma_start3A_43 : memref<1x128xi32, #tpu.memory_space<vmem>> -> memref<128xi32, #tpu.memory_space<vmem>>
      %dma_start3A_45 = arith.constant 0 : i32
      %dma_start3A_46 = arith.constant 0 : i32
      %dma_start3A_47 = tpu.memref_slice %arg2[%dma_start3A_45, %dma_start3A_46] : memref<10000x128xf32, #tpu.memory_space<hbm>> -> memref<10000x128xf32, #tpu.memory_space<hbm>>
      tpu.enqueue_indirect_dma source(%dma_start3A_47 : memref<10000x128xf32, #tpu.memory_space<hbm>>) target(%arg8 : memref<128x128xf32, #tpu.memory_space<vmem>>) offsets(%dma_start3A_44 : memref<128xi32, #tpu.memory_space<vmem>>) semaphore(%arg11 : memref<!tpu.dma_semaphore, #tpu.memory_space<semaphore_mem>>)
      %dma_start3A_48 = arith.constant 1 : i32
      %dma_start3A_49 = arith.constant 0 : i32
      %dma_start3A_50 = tpu.memref_slice %arg6[%dma_start3A_48, %dma_start3A_49] : memref<8x128xi32, #tpu.memory_space<vmem>> -> memref<1x128xi32, #tpu.memory_space<vmem>>
      %dma_start3A_51 = tpu.memref_squeeze %dma_start3A_50 : memref<1x128xi32, #tpu.memory_space<vmem>> -> memref<128xi32, #tpu.memory_space<vmem>>
      %dma_start3A_52 = arith.constant 0 : i32
      %dma_start3A_53 = arith.constant 0 : i32
      %dma_start3A_54 = tpu.memref_slice %arg2[%dma_start3A_52, %dma_start3A_53] : memref<10000x128xf32, #tpu.memory_space<hbm>> -> memref<10000x128xf32, #tpu.memory_space<hbm>>
      tpu.enqueue_indirect_dma source(%dma_start3A_54 : memref<10000x128xf32, #tpu.memory_space<hbm>>) target(%arg9 : memref<128x128xf32, #tpu.memory_space<vmem>>) offsets(%dma_start3A_51 : memref<128xi32, #tpu.memory_space<vmem>>) semaphore(%arg12 : memref<!tpu.dma_semaphore, #tpu.memory_space<semaphore_mem>>)
      %dma_wait3A = arith.constant 0 : i32
      %dma_wait3A_55 = arith.constant 0 : i32
      %dma_wait3A_56 = tpu.memref_slice %arg6[%dma_wait3A, %dma_wait3A_55] : memref<8x128xi32, #tpu.memory_space<vmem>> -> memref<1x128xi32, #tpu.memory_space<vmem>>
      %dma_wait3A_57 = tpu.memref_squeeze %dma_wait3A_56 : memref<1x128xi32, #tpu.memory_space<vmem>> -> memref<128xi32, #tpu.memory_space<vmem>>
      %dma_wait3A_58 = arith.constant 0 : i32
      %dma_wait3A_59 = arith.constant 0 : i32
      %dma_wait3A_60 = tpu.memref_slice %arg2[%dma_wait3A_58, %dma_wait3A_59] : memref<10000x128xf32, #tpu.memory_space<hbm>> -> memref<10000x128xf32, #tpu.memory_space<hbm>>
      tpu.wait_indirect_dma semaphore(%arg11 : memref<!tpu.dma_semaphore, #tpu.memory_space<semaphore_mem>>) src(%dma_wait3A_60 : memref<10000x128xf32, #tpu.memory_space<hbm>>) dst(%arg8 : memref<128x128xf32, #tpu.memory_space<vmem>>)
      %run_scoped3A = arith.constant 0 : i32
      "tpu.region"() ({
        %run_scoped3A_160 = tpu.sem_alloc : memref<!tpu.dma_semaphore, #tpu.memory_space<semaphore_mem>>
        %dma_start3A_161 = arith.constant 0 : i32
        %dma_start3A_162 = tpu.memref_slice %arg7[%run_scoped3A, %dma_start3A_161] : memref<8x128xi32, #tpu.memory_space<vmem>> -> memref<1x128xi32, #tpu.memory_space<vmem>>
        %dma_start3A_163 = tpu.memref_squeeze %dma_start3A_162 : memref<1x128xi32, #tpu.memory_space<vmem>> -> memref<128xi32, #tpu.memory_space<vmem>>
        %dma_start3A_164 = arith.constant 0 : i32
        %dma_start3A_165 = arith.constant 0 : i32
        %dma_start3A_166 = tpu.memref_slice %arg10[%dma_start3A_164, %dma_start3A_165] : memref<10112x128xf32, #tpu.memory_space<vmem_shared>> -> memref<10112x128xf32, #tpu.memory_space<vmem_shared>>
        tpu.enqueue_indirect_dma source(%arg8 : memref<128x128xf32, #tpu.memory_space<vmem>>) target(%dma_start3A_166 : memref<10112x128xf32, #tpu.memory_space<vmem_shared>>) offsets(%dma_start3A_163 : memref<128xi32, #tpu.memory_space<vmem>>) semaphore(%run_scoped3A_160 : memref<!tpu.dma_semaphore, #tpu.memory_space<semaphore_mem>>) {add = true}
        %dma_wait3A_167 = arith.constant 0 : i32
        %dma_wait3A_168 = tpu.memref_slice %arg7[%run_scoped3A, %dma_wait3A_167] : memref<8x128xi32, #tpu.memory_space<vmem>> -> memref<1x128xi32, #tpu.memory_space<vmem>>
        %dma_wait3A_169 = tpu.memref_squeeze %dma_wait3A_168 : memref<1x128xi32, #tpu.memory_space<vmem>> -> memref<128xi32, #tpu.memory_space<vmem>>
        %dma_wait3A_170 = arith.constant 0 : i32
        %dma_wait3A_171 = arith.constant 0 : i32
        %dma_wait3A_172 = tpu.memref_slice %arg10[%dma_wait3A_170, %dma_wait3A_171] : memref<10112x128xf32, #tpu.memory_space<vmem_shared>> -> memref<10112x128xf32, #tpu.memory_space<vmem_shared>>
        tpu.wait_indirect_dma semaphore(%run_scoped3A_160 : memref<!tpu.dma_semaphore, #tpu.memory_space<semaphore_mem>>) src(%arg8 : memref<128x128xf32, #tpu.memory_space<vmem>>) dst(%dma_wait3A_172 : memref<10112x128xf32, #tpu.memory_space<vmem_shared>>)
        tpu.yield
      }) : () -> ()
      %dma_start3A_61 = arith.constant 2 : i32
      %dma_start3A_62 = arith.constant 0 : i32
      %dma_start3A_63 = tpu.memref_slice %arg6[%dma_start3A_61, %dma_start3A_62] : memref<8x128xi32, #tpu.memory_space<vmem>> -> memref<1x128xi32, #tpu.memory_space<vmem>>
      %dma_start3A_64 = tpu.memref_squeeze %dma_start3A_63 : memref<1x128xi32, #tpu.memory_space<vmem>> -> memref<128xi32, #tpu.memory_space<vmem>>
      %dma_start3A_65 = arith.constant 0 : i32
      %dma_start3A_66 = arith.constant 0 : i32
      %dma_start3A_67 = tpu.memref_slice %arg2[%dma_start3A_65, %dma_start3A_66] : memref<10000x128xf32, #tpu.memory_space<hbm>> -> memref<10000x128xf32, #tpu.memory_space<hbm>>
      tpu.enqueue_indirect_dma source(%dma_start3A_67 : memref<10000x128xf32, #tpu.memory_space<hbm>>) target(%arg8 : memref<128x128xf32, #tpu.memory_space<vmem>>) offsets(%dma_start3A_64 : memref<128xi32, #tpu.memory_space<vmem>>) semaphore(%arg11 : memref<!tpu.dma_semaphore, #tpu.memory_space<semaphore_mem>>)
      %dma_wait3A_68 = arith.constant 1 : i32
      %dma_wait3A_69 = arith.constant 0 : i32
      %dma_wait3A_70 = tpu.memref_slice %arg6[%dma_wait3A_68, %dma_wait3A_69] : memref<8x128xi32, #tpu.memory_space<vmem>> -> memref<1x128xi32, #tpu.memory_space<vmem>>
      %dma_wait3A_71 = tpu.memref_squeeze %dma_wait3A_70 : memref<1x128xi32, #tpu.memory_space<vmem>> -> memref<128xi32, #tpu.memory_space<vmem>>
      %dma_wait3A_72 = arith.constant 0 : i32
      %dma_wait3A_73 = arith.constant 0 : i32
      %dma_wait3A_74 = tpu.memref_slice %arg2[%dma_wait3A_72, %dma_wait3A_73] : memref<10000x128xf32, #tpu.memory_space<hbm>> -> memref<10000x128xf32, #tpu.memory_space<hbm>>
      tpu.wait_indirect_dma semaphore(%arg12 : memref<!tpu.dma_semaphore, #tpu.memory_space<semaphore_mem>>) src(%dma_wait3A_74 : memref<10000x128xf32, #tpu.memory_space<hbm>>) dst(%arg9 : memref<128x128xf32, #tpu.memory_space<vmem>>)
      %run_scoped3A_75 = arith.constant 1 : i32
      "tpu.region"() ({
        %run_scoped3A_160 = tpu.sem_alloc : memref<!tpu.dma_semaphore, #tpu.memory_space<semaphore_mem>>
        %dma_start3A_161 = arith.constant 0 : i32
        %dma_start3A_162 = tpu.memref_slice %arg7[%run_scoped3A_75, %dma_start3A_161] : memref<8x128xi32, #tpu.memory_space<vmem>> -> memref<1x128xi32, #tpu.memory_space<vmem>>
        %dma_start3A_163 = tpu.memref_squeeze %dma_start3A_162 : memref<1x128xi32, #tpu.memory_space<vmem>> -> memref<128xi32, #tpu.memory_space<vmem>>
        %dma_start3A_164 = arith.constant 0 : i32
        %dma_start3A_165 = arith.constant 0 : i32
        %dma_start3A_166 = tpu.memref_slice %arg10[%dma_start3A_164, %dma_start3A_165] : memref<10112x128xf32, #tpu.memory_space<vmem_shared>> -> memref<10112x128xf32, #tpu.memory_space<vmem_shared>>
        tpu.enqueue_indirect_dma source(%arg9 : memref<128x128xf32, #tpu.memory_space<vmem>>) target(%dma_start3A_166 : memref<10112x128xf32, #tpu.memory_space<vmem_shared>>) offsets(%dma_start3A_163 : memref<128xi32, #tpu.memory_space<vmem>>) semaphore(%run_scoped3A_160 : memref<!tpu.dma_semaphore, #tpu.memory_space<semaphore_mem>>) {add = true}
        %dma_wait3A_167 = arith.constant 0 : i32
        %dma_wait3A_168 = tpu.memref_slice %arg7[%run_scoped3A_75, %dma_wait3A_167] : memref<8x128xi32, #tpu.memory_space<vmem>> -> memref<1x128xi32, #tpu.memory_space<vmem>>
        %dma_wait3A_169 = tpu.memref_squeeze %dma_wait3A_168 : memref<1x128xi32, #tpu.memory_space<vmem>> -> memref<128xi32, #tpu.memory_space<vmem>>
        %dma_wait3A_170 = arith.constant 0 : i32
        %dma_wait3A_171 = arith.constant 0 : i32
        %dma_wait3A_172 = tpu.memref_slice %arg10[%dma_wait3A_170, %dma_wait3A_171] : memref<10112x128xf32, #tpu.memory_space<vmem_shared>> -> memref<10112x128xf32, #tpu.memory_space<vmem_shared>>
        tpu.wait_indirect_dma semaphore(%run_scoped3A_160 : memref<!tpu.dma_semaphore, #tpu.memory_space<semaphore_mem>>) src(%arg9 : memref<128x128xf32, #tpu.memory_space<vmem>>) dst(%dma_wait3A_172 : memref<10112x128xf32, #tpu.memory_space<vmem_shared>>)
        tpu.yield
      }) : () -> ()
      %dma_start3A_76 = arith.constant 3 : i32
      %dma_start3A_77 = arith.constant 0 : i32
      %dma_start3A_78 = tpu.memref_slice %arg6[%dma_start3A_76, %dma_start3A_77] : memref<8x128xi32, #tpu.memory_space<vmem>> -> memref<1x128xi32, #tpu.memory_space<vmem>>
      %dma_start3A_79 = tpu.memref_squeeze %dma_start3A_78 : memref<1x128xi32, #tpu.memory_space<vmem>> -> memref<128xi32, #tpu.memory_space<vmem>>
      %dma_start3A_80 = arith.constant 0 : i32
      %dma_start3A_81 = arith.constant 0 : i32
      %dma_start3A_82 = tpu.memref_slice %arg2[%dma_start3A_80, %dma_start3A_81] : memref<10000x128xf32, #tpu.memory_space<hbm>> -> memref<10000x128xf32, #tpu.memory_space<hbm>>
      tpu.enqueue_indirect_dma source(%dma_start3A_82 : memref<10000x128xf32, #tpu.memory_space<hbm>>) target(%arg9 : memref<128x128xf32, #tpu.memory_space<vmem>>) offsets(%dma_start3A_79 : memref<128xi32, #tpu.memory_space<vmem>>) semaphore(%arg12 : memref<!tpu.dma_semaphore, #tpu.memory_space<semaphore_mem>>)
      %dma_wait3A_83 = arith.constant 2 : i32
      %dma_wait3A_84 = arith.constant 0 : i32
      %dma_wait3A_85 = tpu.memref_slice %arg6[%dma_wait3A_83, %dma_wait3A_84] : memref<8x128xi32, #tpu.memory_space<vmem>> -> memref<1x128xi32, #tpu.memory_space<vmem>>
      %dma_wait3A_86 = tpu.memref_squeeze %dma_wait3A_85 : memref<1x128xi32, #tpu.memory_space<vmem>> -> memref<128xi32, #tpu.memory_space<vmem>>
      %dma_wait3A_87 = arith.constant 0 : i32
      %dma_wait3A_88 = arith.constant 0 : i32
      %dma_wait3A_89 = tpu.memref_slice %arg2[%dma_wait3A_87, %dma_wait3A_88] : memref<10000x128xf32, #tpu.memory_space<hbm>> -> memref<10000x128xf32, #tpu.memory_space<hbm>>
      tpu.wait_indirect_dma semaphore(%arg11 : memref<!tpu.dma_semaphore, #tpu.memory_space<semaphore_mem>>) src(%dma_wait3A_89 : memref<10000x128xf32, #tpu.memory_space<hbm>>) dst(%arg8 : memref<128x128xf32, #tpu.memory_space<vmem>>)
      %run_scoped3A_90 = arith.constant 2 : i32
      "tpu.region"() ({
        %run_scoped3A_160 = tpu.sem_alloc : memref<!tpu.dma_semaphore, #tpu.memory_space<semaphore_mem>>
        %dma_start3A_161 = arith.constant 0 : i32
        %dma_start3A_162 = tpu.memref_slice %arg7[%run_scoped3A_90, %dma_start3A_161] : memref<8x128xi32, #tpu.memory_space<vmem>> -> memref<1x128xi32, #tpu.memory_space<vmem>>
        %dma_start3A_163 = tpu.memref_squeeze %dma_start3A_162 : memref<1x128xi32, #tpu.memory_space<vmem>> -> memref<128xi32, #tpu.memory_space<vmem>>
        %dma_start3A_164 = arith.constant 0 : i32
        %dma_start3A_165 = arith.constant 0 : i32
        %dma_start3A_166 = tpu.memref_slice %arg10[%dma_start3A_164, %dma_start3A_165] : memref<10112x128xf32, #tpu.memory_space<vmem_shared>> -> memref<10112x128xf32, #tpu.memory_space<vmem_shared>>
        tpu.enqueue_indirect_dma source(%arg8 : memref<128x128xf32, #tpu.memory_space<vmem>>) target(%dma_start3A_166 : memref<10112x128xf32, #tpu.memory_space<vmem_shared>>) offsets(%dma_start3A_163 : memref<128xi32, #tpu.memory_space<vmem>>) semaphore(%run_scoped3A_160 : memref<!tpu.dma_semaphore, #tpu.memory_space<semaphore_mem>>) {add = true}
        %dma_wait3A_167 = arith.constant 0 : i32
        %dma_wait3A_168 = tpu.memref_slice %arg7[%run_scoped3A_90, %dma_wait3A_167] : memref<8x128xi32, #tpu.memory_space<vmem>> -> memref<1x128xi32, #tpu.memory_space<vmem>>
        %dma_wait3A_169 = tpu.memref_squeeze %dma_wait3A_168 : memref<1x128xi32, #tpu.memory_space<vmem>> -> memref<128xi32, #tpu.memory_space<vmem>>
        %dma_wait3A_170 = arith.constant 0 : i32
        %dma_wait3A_171 = arith.constant 0 : i32
        %dma_wait3A_172 = tpu.memref_slice %arg10[%dma_wait3A_170, %dma_wait3A_171] : memref<10112x128xf32, #tpu.memory_space<vmem_shared>> -> memref<10112x128xf32, #tpu.memory_space<vmem_shared>>
        tpu.wait_indirect_dma semaphore(%run_scoped3A_160 : memref<!tpu.dma_semaphore, #tpu.memory_space<semaphore_mem>>) src(%arg8 : memref<128x128xf32, #tpu.memory_space<vmem>>) dst(%dma_wait3A_172 : memref<10112x128xf32, #tpu.memory_space<vmem_shared>>)
        tpu.yield
      }) : () -> ()
      %dma_start3A_91 = arith.constant 4 : i32
      %dma_start3A_92 = arith.constant 0 : i32
      %dma_start3A_93 = tpu.memref_slice %arg6[%dma_start3A_91, %dma_start3A_92] : memref<8x128xi32, #tpu.memory_space<vmem>> -> memref<1x128xi32, #tpu.memory_space<vmem>>
      %dma_start3A_94 = tpu.memref_squeeze %dma_start3A_93 : memref<1x128xi32, #tpu.memory_space<vmem>> -> memref<128xi32, #tpu.memory_space<vmem>>
      %dma_start3A_95 = arith.constant 0 : i32
      %dma_start3A_96 = arith.constant 0 : i32
      %dma_start3A_97 = tpu.memref_slice %arg2[%dma_start3A_95, %dma_start3A_96] : memref<10000x128xf32, #tpu.memory_space<hbm>> -> memref<10000x128xf32, #tpu.memory_space<hbm>>
      tpu.enqueue_indirect_dma source(%dma_start3A_97 : memref<10000x128xf32, #tpu.memory_space<hbm>>) target(%arg8 : memref<128x128xf32, #tpu.memory_space<vmem>>) offsets(%dma_start3A_94 : memref<128xi32, #tpu.memory_space<vmem>>) semaphore(%arg11 : memref<!tpu.dma_semaphore, #tpu.memory_space<semaphore_mem>>)
      %dma_wait3A_98 = arith.constant 3 : i32
      %dma_wait3A_99 = arith.constant 0 : i32
      %dma_wait3A_100 = tpu.memref_slice %arg6[%dma_wait3A_98, %dma_wait3A_99] : memref<8x128xi32, #tpu.memory_space<vmem>> -> memref<1x128xi32, #tpu.memory_space<vmem>>
      %dma_wait3A_101 = tpu.memref_squeeze %dma_wait3A_100 : memref<1x128xi32, #tpu.memory_space<vmem>> -> memref<128xi32, #tpu.memory_space<vmem>>
      %dma_wait3A_102 = arith.constant 0 : i32
      %dma_wait3A_103 = arith.constant 0 : i32
      %dma_wait3A_104 = tpu.memref_slice %arg2[%dma_wait3A_102, %dma_wait3A_103] : memref<10000x128xf32, #tpu.memory_space<hbm>> -> memref<10000x128xf32, #tpu.memory_space<hbm>>
      tpu.wait_indirect_dma semaphore(%arg12 : memref<!tpu.dma_semaphore, #tpu.memory_space<semaphore_mem>>) src(%dma_wait3A_104 : memref<10000x128xf32, #tpu.memory_space<hbm>>) dst(%arg9 : memref<128x128xf32, #tpu.memory_space<vmem>>)
      %run_scoped3A_105 = arith.constant 3 : i32
      "tpu.region"() ({
        %run_scoped3A_160 = tpu.sem_alloc : memref<!tpu.dma_semaphore, #tpu.memory_space<semaphore_mem>>
        %dma_start3A_161 = arith.constant 0 : i32
        %dma_start3A_162 = tpu.memref_slice %arg7[%run_scoped3A_105, %dma_start3A_161] : memref<8x128xi32, #tpu.memory_space<vmem>> -> memref<1x128xi32, #tpu.memory_space<vmem>>
        %dma_start3A_163 = tpu.memref_squeeze %dma_start3A_162 : memref<1x128xi32, #tpu.memory_space<vmem>> -> memref<128xi32, #tpu.memory_space<vmem>>
        %dma_start3A_164 = arith.constant 0 : i32
        %dma_start3A_165 = arith.constant 0 : i32
        %dma_start3A_166 = tpu.memref_slice %arg10[%dma_start3A_164, %dma_start3A_165] : memref<10112x128xf32, #tpu.memory_space<vmem_shared>> -> memref<10112x128xf32, #tpu.memory_space<vmem_shared>>
        tpu.enqueue_indirect_dma source(%arg9 : memref<128x128xf32, #tpu.memory_space<vmem>>) target(%dma_start3A_166 : memref<10112x128xf32, #tpu.memory_space<vmem_shared>>) offsets(%dma_start3A_163 : memref<128xi32, #tpu.memory_space<vmem>>) semaphore(%run_scoped3A_160 : memref<!tpu.dma_semaphore, #tpu.memory_space<semaphore_mem>>) {add = true}
        %dma_wait3A_167 = arith.constant 0 : i32
        %dma_wait3A_168 = tpu.memref_slice %arg7[%run_scoped3A_105, %dma_wait3A_167] : memref<8x128xi32, #tpu.memory_space<vmem>> -> memref<1x128xi32, #tpu.memory_space<vmem>>
        %dma_wait3A_169 = tpu.memref_squeeze %dma_wait3A_168 : memref<1x128xi32, #tpu.memory_space<vmem>> -> memref<128xi32, #tpu.memory_space<vmem>>
        %dma_wait3A_170 = arith.constant 0 : i32
        %dma_wait3A_171 = arith.constant 0 : i32
        %dma_wait3A_172 = tpu.memref_slice %arg10[%dma_wait3A_170, %dma_wait3A_171] : memref<10112x128xf32, #tpu.memory_space<vmem_shared>> -> memref<10112x128xf32, #tpu.memory_space<vmem_shared>>
        tpu.wait_indirect_dma semaphore(%run_scoped3A_160 : memref<!tpu.dma_semaphore, #tpu.memory_space<semaphore_mem>>) src(%arg9 : memref<128x128xf32, #tpu.memory_space<vmem>>) dst(%dma_wait3A_172 : memref<10112x128xf32, #tpu.memory_space<vmem_shared>>)
        tpu.yield
      }) : () -> ()
      %dma_start3A_106 = arith.constant 5 : i32
      %dma_start3A_107 = arith.constant 0 : i32
      %dma_start3A_108 = tpu.memref_slice %arg6[%dma_start3A_106, %dma_start3A_107] : memref<8x128xi32, #tpu.memory_space<vmem>> -> memref<1x128xi32, #tpu.memory_space<vmem>>
      %dma_start3A_109 = tpu.memref_squeeze %dma_start3A_108 : memref<1x128xi32, #tpu.memory_space<vmem>> -> memref<128xi32, #tpu.memory_space<vmem>>
      %dma_start3A_110 = arith.constant 0 : i32
      %dma_start3A_111 = arith.constant 0 : i32
      %dma_start3A_112 = tpu.memref_slice %arg2[%dma_start3A_110, %dma_start3A_111] : memref<10000x128xf32, #tpu.memory_space<hbm>> -> memref<10000x128xf32, #tpu.memory_space<hbm>>
      tpu.enqueue_indirect_dma source(%dma_start3A_112 : memref<10000x128xf32, #tpu.memory_space<hbm>>) target(%arg9 : memref<128x128xf32, #tpu.memory_space<vmem>>) offsets(%dma_start3A_109 : memref<128xi32, #tpu.memory_space<vmem>>) semaphore(%arg12 : memref<!tpu.dma_semaphore, #tpu.memory_space<semaphore_mem>>)
      %dma_wait3A_113 = arith.constant 4 : i32
      %dma_wait3A_114 = arith.constant 0 : i32
      %dma_wait3A_115 = tpu.memref_slice %arg6[%dma_wait3A_113, %dma_wait3A_114] : memref<8x128xi32, #tpu.memory_space<vmem>> -> memref<1x128xi32, #tpu.memory_space<vmem>>
      %dma_wait3A_116 = tpu.memref_squeeze %dma_wait3A_115 : memref<1x128xi32, #tpu.memory_space<vmem>> -> memref<128xi32, #tpu.memory_space<vmem>>
      %dma_wait3A_117 = arith.constant 0 : i32
      %dma_wait3A_118 = arith.constant 0 : i32
      %dma_wait3A_119 = tpu.memref_slice %arg2[%dma_wait3A_117, %dma_wait3A_118] : memref<10000x128xf32, #tpu.memory_space<hbm>> -> memref<10000x128xf32, #tpu.memory_space<hbm>>
      tpu.wait_indirect_dma semaphore(%arg11 : memref<!tpu.dma_semaphore, #tpu.memory_space<semaphore_mem>>) src(%dma_wait3A_119 : memref<10000x128xf32, #tpu.memory_space<hbm>>) dst(%arg8 : memref<128x128xf32, #tpu.memory_space<vmem>>)
      %run_scoped3A_120 = arith.constant 4 : i32
      "tpu.region"() ({
        %run_scoped3A_160 = tpu.sem_alloc : memref<!tpu.dma_semaphore, #tpu.memory_space<semaphore_mem>>
        %dma_start3A_161 = arith.constant 0 : i32
        %dma_start3A_162 = tpu.memref_slice %arg7[%run_scoped3A_120, %dma_start3A_161] : memref<8x128xi32, #tpu.memory_space<vmem>> -> memref<1x128xi32, #tpu.memory_space<vmem>>
        %dma_start3A_163 = tpu.memref_squeeze %dma_start3A_162 : memref<1x128xi32, #tpu.memory_space<vmem>> -> memref<128xi32, #tpu.memory_space<vmem>>
        %dma_start3A_164 = arith.constant 0 : i32
        %dma_start3A_165 = arith.constant 0 : i32
        %dma_start3A_166 = tpu.memref_slice %arg10[%dma_start3A_164, %dma_start3A_165] : memref<10112x128xf32, #tpu.memory_space<vmem_shared>> -> memref<10112x128xf32, #tpu.memory_space<vmem_shared>>
        tpu.enqueue_indirect_dma source(%arg8 : memref<128x128xf32, #tpu.memory_space<vmem>>) target(%dma_start3A_166 : memref<10112x128xf32, #tpu.memory_space<vmem_shared>>) offsets(%dma_start3A_163 : memref<128xi32, #tpu.memory_space<vmem>>) semaphore(%run_scoped3A_160 : memref<!tpu.dma_semaphore, #tpu.memory_space<semaphore_mem>>) {add = true}
        %dma_wait3A_167 = arith.constant 0 : i32
        %dma_wait3A_168 = tpu.memref_slice %arg7[%run_scoped3A_120, %dma_wait3A_167] : memref<8x128xi32, #tpu.memory_space<vmem>> -> memref<1x128xi32, #tpu.memory_space<vmem>>
        %dma_wait3A_169 = tpu.memref_squeeze %dma_wait3A_168 : memref<1x128xi32, #tpu.memory_space<vmem>> -> memref<128xi32, #tpu.memory_space<vmem>>
        %dma_wait3A_170 = arith.constant 0 : i32
        %dma_wait3A_171 = arith.constant 0 : i32
        %dma_wait3A_172 = tpu.memref_slice %arg10[%dma_wait3A_170, %dma_wait3A_171] : memref<10112x128xf32, #tpu.memory_space<vmem_shared>> -> memref<10112x128xf32, #tpu.memory_space<vmem_shared>>
        tpu.wait_indirect_dma semaphore(%run_scoped3A_160 : memref<!tpu.dma_semaphore, #tpu.memory_space<semaphore_mem>>) src(%arg8 : memref<128x128xf32, #tpu.memory_space<vmem>>) dst(%dma_wait3A_172 : memref<10112x128xf32, #tpu.memory_space<vmem_shared>>)
        tpu.yield
      }) : () -> ()
      %dma_start3A_121 = arith.constant 6 : i32
      %dma_start3A_122 = arith.constant 0 : i32
      %dma_start3A_123 = tpu.memref_slice %arg6[%dma_start3A_121, %dma_start3A_122] : memref<8x128xi32, #tpu.memory_space<vmem>> -> memref<1x128xi32, #tpu.memory_space<vmem>>
      %dma_start3A_124 = tpu.memref_squeeze %dma_start3A_123 : memref<1x128xi32, #tpu.memory_space<vmem>> -> memref<128xi32, #tpu.memory_space<vmem>>
      %dma_start3A_125 = arith.constant 0 : i32
      %dma_start3A_126 = arith.constant 0 : i32
      %dma_start3A_127 = tpu.memref_slice %arg2[%dma_start3A_125, %dma_start3A_126] : memref<10000x128xf32, #tpu.memory_space<hbm>> -> memref<10000x128xf32, #tpu.memory_space<hbm>>
      tpu.enqueue_indirect_dma source(%dma_start3A_127 : memref<10000x128xf32, #tpu.memory_space<hbm>>) target(%arg8 : memref<128x128xf32, #tpu.memory_space<vmem>>) offsets(%dma_start3A_124 : memref<128xi32, #tpu.memory_space<vmem>>) semaphore(%arg11 : memref<!tpu.dma_semaphore, #tpu.memory_space<semaphore_mem>>)
      %dma_wait3A_128 = arith.constant 5 : i32
      %dma_wait3A_129 = arith.constant 0 : i32
      %dma_wait3A_130 = tpu.memref_slice %arg6[%dma_wait3A_128, %dma_wait3A_129] : memref<8x128xi32, #tpu.memory_space<vmem>> -> memref<1x128xi32, #tpu.memory_space<vmem>>
      %dma_wait3A_131 = tpu.memref_squeeze %dma_wait3A_130 : memref<1x128xi32, #tpu.memory_space<vmem>> -> memref<128xi32, #tpu.memory_space<vmem>>
      %dma_wait3A_132 = arith.constant 0 : i32
      %dma_wait3A_133 = arith.constant 0 : i32
      %dma_wait3A_134 = tpu.memref_slice %arg2[%dma_wait3A_132, %dma_wait3A_133] : memref<10000x128xf32, #tpu.memory_space<hbm>> -> memref<10000x128xf32, #tpu.memory_space<hbm>>
      tpu.wait_indirect_dma semaphore(%arg12 : memref<!tpu.dma_semaphore, #tpu.memory_space<semaphore_mem>>) src(%dma_wait3A_134 : memref<10000x128xf32, #tpu.memory_space<hbm>>) dst(%arg9 : memref<128x128xf32, #tpu.memory_space<vmem>>)
      %run_scoped3A_135 = arith.constant 5 : i32
      "tpu.region"() ({
        %run_scoped3A_160 = tpu.sem_alloc : memref<!tpu.dma_semaphore, #tpu.memory_space<semaphore_mem>>
        %dma_start3A_161 = arith.constant 0 : i32
        %dma_start3A_162 = tpu.memref_slice %arg7[%run_scoped3A_135, %dma_start3A_161] : memref<8x128xi32, #tpu.memory_space<vmem>> -> memref<1x128xi32, #tpu.memory_space<vmem>>
        %dma_start3A_163 = tpu.memref_squeeze %dma_start3A_162 : memref<1x128xi32, #tpu.memory_space<vmem>> -> memref<128xi32, #tpu.memory_space<vmem>>
        %dma_start3A_164 = arith.constant 0 : i32
        %dma_start3A_165 = arith.constant 0 : i32
        %dma_start3A_166 = tpu.memref_slice %arg10[%dma_start3A_164, %dma_start3A_165] : memref<10112x128xf32, #tpu.memory_space<vmem_shared>> -> memref<10112x128xf32, #tpu.memory_space<vmem_shared>>
        tpu.enqueue_indirect_dma source(%arg9 : memref<128x128xf32, #tpu.memory_space<vmem>>) target(%dma_start3A_166 : memref<10112x128xf32, #tpu.memory_space<vmem_shared>>) offsets(%dma_start3A_163 : memref<128xi32, #tpu.memory_space<vmem>>) semaphore(%run_scoped3A_160 : memref<!tpu.dma_semaphore, #tpu.memory_space<semaphore_mem>>) {add = true}
        %dma_wait3A_167 = arith.constant 0 : i32
        %dma_wait3A_168 = tpu.memref_slice %arg7[%run_scoped3A_135, %dma_wait3A_167] : memref<8x128xi32, #tpu.memory_space<vmem>> -> memref<1x128xi32, #tpu.memory_space<vmem>>
        %dma_wait3A_169 = tpu.memref_squeeze %dma_wait3A_168 : memref<1x128xi32, #tpu.memory_space<vmem>> -> memref<128xi32, #tpu.memory_space<vmem>>
        %dma_wait3A_170 = arith.constant 0 : i32
        %dma_wait3A_171 = arith.constant 0 : i32
        %dma_wait3A_172 = tpu.memref_slice %arg10[%dma_wait3A_170, %dma_wait3A_171] : memref<10112x128xf32, #tpu.memory_space<vmem_shared>> -> memref<10112x128xf32, #tpu.memory_space<vmem_shared>>
        tpu.wait_indirect_dma semaphore(%run_scoped3A_160 : memref<!tpu.dma_semaphore, #tpu.memory_space<semaphore_mem>>) src(%arg9 : memref<128x128xf32, #tpu.memory_space<vmem>>) dst(%dma_wait3A_172 : memref<10112x128xf32, #tpu.memory_space<vmem_shared>>)
        tpu.yield
      }) : () -> ()
      %dma_start3A_136 = arith.constant 7 : i32
      %dma_start3A_137 = arith.constant 0 : i32
      %dma_start3A_138 = tpu.memref_slice %arg6[%dma_start3A_136, %dma_start3A_137] : memref<8x128xi32, #tpu.memory_space<vmem>> -> memref<1x128xi32, #tpu.memory_space<vmem>>
      %dma_start3A_139 = tpu.memref_squeeze %dma_start3A_138 : memref<1x128xi32, #tpu.memory_space<vmem>> -> memref<128xi32, #tpu.memory_space<vmem>>
      %dma_start3A_140 = arith.constant 0 : i32
      %dma_start3A_141 = arith.constant 0 : i32
      %dma_start3A_142 = tpu.memref_slice %arg2[%dma_start3A_140, %dma_start3A_141] : memref<10000x128xf32, #tpu.memory_space<hbm>> -> memref<10000x128xf32, #tpu.memory_space<hbm>>
      tpu.enqueue_indirect_dma source(%dma_start3A_142 : memref<10000x128xf32, #tpu.memory_space<hbm>>) target(%arg9 : memref<128x128xf32, #tpu.memory_space<vmem>>) offsets(%dma_start3A_139 : memref<128xi32, #tpu.memory_space<vmem>>) semaphore(%arg12 : memref<!tpu.dma_semaphore, #tpu.memory_space<semaphore_mem>>)
      %dma_wait3A_143 = arith.constant 6 : i32
      %dma_wait3A_144 = arith.constant 0 : i32
      %dma_wait3A_145 = tpu.memref_slice %arg6[%dma_wait3A_143, %dma_wait3A_144] : memref<8x128xi32, #tpu.memory_space<vmem>> -> memref<1x128xi32, #tpu.memory_space<vmem>>
      %dma_wait3A_146 = tpu.memref_squeeze %dma_wait3A_145 : memref<1x128xi32, #tpu.memory_space<vmem>> -> memref<128xi32, #tpu.memory_space<vmem>>
      %dma_wait3A_147 = arith.constant 0 : i32
      %dma_wait3A_148 = arith.constant 0 : i32
      %dma_wait3A_149 = tpu.memref_slice %arg2[%dma_wait3A_147, %dma_wait3A_148] : memref<10000x128xf32, #tpu.memory_space<hbm>> -> memref<10000x128xf32, #tpu.memory_space<hbm>>
      tpu.wait_indirect_dma semaphore(%arg11 : memref<!tpu.dma_semaphore, #tpu.memory_space<semaphore_mem>>) src(%dma_wait3A_149 : memref<10000x128xf32, #tpu.memory_space<hbm>>) dst(%arg8 : memref<128x128xf32, #tpu.memory_space<vmem>>)
      %run_scoped3A_150 = arith.constant 6 : i32
      "tpu.region"() ({
        %run_scoped3A_160 = tpu.sem_alloc : memref<!tpu.dma_semaphore, #tpu.memory_space<semaphore_mem>>
        %dma_start3A_161 = arith.constant 0 : i32
        %dma_start3A_162 = tpu.memref_slice %arg7[%run_scoped3A_150, %dma_start3A_161] : memref<8x128xi32, #tpu.memory_space<vmem>> -> memref<1x128xi32, #tpu.memory_space<vmem>>
        %dma_start3A_163 = tpu.memref_squeeze %dma_start3A_162 : memref<1x128xi32, #tpu.memory_space<vmem>> -> memref<128xi32, #tpu.memory_space<vmem>>
        %dma_start3A_164 = arith.constant 0 : i32
        %dma_start3A_165 = arith.constant 0 : i32
        %dma_start3A_166 = tpu.memref_slice %arg10[%dma_start3A_164, %dma_start3A_165] : memref<10112x128xf32, #tpu.memory_space<vmem_shared>> -> memref<10112x128xf32, #tpu.memory_space<vmem_shared>>
        tpu.enqueue_indirect_dma source(%arg8 : memref<128x128xf32, #tpu.memory_space<vmem>>) target(%dma_start3A_166 : memref<10112x128xf32, #tpu.memory_space<vmem_shared>>) offsets(%dma_start3A_163 : memref<128xi32, #tpu.memory_space<vmem>>) semaphore(%run_scoped3A_160 : memref<!tpu.dma_semaphore, #tpu.memory_space<semaphore_mem>>) {add = true}
        %dma_wait3A_167 = arith.constant 0 : i32
        %dma_wait3A_168 = tpu.memref_slice %arg7[%run_scoped3A_150, %dma_wait3A_167] : memref<8x128xi32, #tpu.memory_space<vmem>> -> memref<1x128xi32, #tpu.memory_space<vmem>>
        %dma_wait3A_169 = tpu.memref_squeeze %dma_wait3A_168 : memref<1x128xi32, #tpu.memory_space<vmem>> -> memref<128xi32, #tpu.memory_space<vmem>>
        %dma_wait3A_170 = arith.constant 0 : i32
        %dma_wait3A_171 = arith.constant 0 : i32
        %dma_wait3A_172 = tpu.memref_slice %arg10[%dma_wait3A_170, %dma_wait3A_171] : memref<10112x128xf32, #tpu.memory_space<vmem_shared>> -> memref<10112x128xf32, #tpu.memory_space<vmem_shared>>
        tpu.wait_indirect_dma semaphore(%run_scoped3A_160 : memref<!tpu.dma_semaphore, #tpu.memory_space<semaphore_mem>>) src(%arg8 : memref<128x128xf32, #tpu.memory_space<vmem>>) dst(%dma_wait3A_172 : memref<10112x128xf32, #tpu.memory_space<vmem_shared>>)
        tpu.yield
      }) : () -> ()
      %dma_wait3A_151 = arith.constant 7 : i32
      %dma_wait3A_152 = arith.constant 0 : i32
      %dma_wait3A_153 = tpu.memref_slice %arg6[%dma_wait3A_151, %dma_wait3A_152] : memref<8x128xi32, #tpu.memory_space<vmem>> -> memref<1x128xi32, #tpu.memory_space<vmem>>
      %dma_wait3A_154 = tpu.memref_squeeze %dma_wait3A_153 : memref<1x128xi32, #tpu.memory_space<vmem>> -> memref<128xi32, #tpu.memory_space<vmem>>
      %dma_wait3A_155 = arith.constant 0 : i32
      %dma_wait3A_156 = arith.constant 0 : i32
      %dma_wait3A_157 = tpu.memref_slice %arg2[%dma_wait3A_155, %dma_wait3A_156] : memref<10000x128xf32, #tpu.memory_space<hbm>> -> memref<10000x128xf32, #tpu.memory_space<hbm>>
      tpu.wait_indirect_dma semaphore(%arg12 : memref<!tpu.dma_semaphore, #tpu.memory_space<semaphore_mem>>) src(%dma_wait3A_157 : memref<10000x128xf32, #tpu.memory_space<hbm>>) dst(%arg9 : memref<128x128xf32, #tpu.memory_space<vmem>>)
      %run_scoped3A_158 = arith.constant 7 : i32
      "tpu.region"() ({
        %run_scoped3A_160 = tpu.sem_alloc : memref<!tpu.dma_semaphore, #tpu.memory_space<semaphore_mem>>
        %dma_start3A_161 = arith.constant 0 : i32
        %dma_start3A_162 = tpu.memref_slice %arg7[%run_scoped3A_158, %dma_start3A_161] : memref<8x128xi32, #tpu.memory_space<vmem>> -> memref<1x128xi32, #tpu.memory_space<vmem>>
        %dma_start3A_163 = tpu.memref_squeeze %dma_start3A_162 : memref<1x128xi32, #tpu.memory_space<vmem>> -> memref<128xi32, #tpu.memory_space<vmem>>
        %dma_start3A_164 = arith.constant 0 : i32
        %dma_start3A_165 = arith.constant 0 : i32
        %dma_start3A_166 = tpu.memref_slice %arg10[%dma_start3A_164, %dma_start3A_165] : memref<10112x128xf32, #tpu.memory_space<vmem_shared>> -> memref<10112x128xf32, #tpu.memory_space<vmem_shared>>
        tpu.enqueue_indirect_dma source(%arg9 : memref<128x128xf32, #tpu.memory_space<vmem>>) target(%dma_start3A_166 : memref<10112x128xf32, #tpu.memory_space<vmem_shared>>) offsets(%dma_start3A_163 : memref<128xi32, #tpu.memory_space<vmem>>) semaphore(%run_scoped3A_160 : memref<!tpu.dma_semaphore, #tpu.memory_space<semaphore_mem>>) {add = true}
        %dma_wait3A_167 = arith.constant 0 : i32
        %dma_wait3A_168 = tpu.memref_slice %arg7[%run_scoped3A_158, %dma_wait3A_167] : memref<8x128xi32, #tpu.memory_space<vmem>> -> memref<1x128xi32, #tpu.memory_space<vmem>>
        %dma_wait3A_169 = tpu.memref_squeeze %dma_wait3A_168 : memref<1x128xi32, #tpu.memory_space<vmem>> -> memref<128xi32, #tpu.memory_space<vmem>>
        %dma_wait3A_170 = arith.constant 0 : i32
        %dma_wait3A_171 = arith.constant 0 : i32
        %dma_wait3A_172 = tpu.memref_slice %arg10[%dma_wait3A_170, %dma_wait3A_171] : memref<10112x128xf32, #tpu.memory_space<vmem_shared>> -> memref<10112x128xf32, #tpu.memory_space<vmem_shared>>
        tpu.wait_indirect_dma semaphore(%run_scoped3A_160 : memref<!tpu.dma_semaphore, #tpu.memory_space<semaphore_mem>>) src(%arg9 : memref<128x128xf32, #tpu.memory_space<vmem>>) dst(%dma_wait3A_172 : memref<10112x128xf32, #tpu.memory_space<vmem_shared>>)
        tpu.yield
      }) : () -> ()
      %scan3A_159 = arith.constant 0 : i32
      scf.yield %scan3A_159 : i32
    }
    %scan3A_30 = arith.constant 9 : i32
    %barrier3A_31 = arith.constant 0 : index
    tpu.barrier barrier_id(%barrier3A_31)
    %mul3A_32 = arith.constant 632 : i32
    %mul3A_33 = arith.muli %arg1, %mul3A_32 : i32
    %mul3A_34 = arith.constant 632 : i32
    %mul3A_35 = arith.muli %arg1, %mul3A_34 : i32
    "tpu.region"() ({
      %run_scoped3A = tpu.sem_alloc : memref<!tpu.dma_semaphore, #tpu.memory_space<semaphore_mem>>
      %dma_start3A = arith.constant 0 : i32
      %dma_start3A_36 = tpu.memref_slice %arg5[%arg0, %mul3A_35, %dma_start3A] : memref<2x10112x128xf32, #tpu.memory_space<hbm>> -> memref<1x632x128xf32, #tpu.memory_space<hbm>>
      %dma_start3A_37 = tpu.memref_squeeze %dma_start3A_36 : memref<1x632x128xf32, #tpu.memory_space<hbm>> -> memref<632x128xf32, #tpu.memory_space<hbm>>
      %dma_start3A_38 = arith.constant 0 : i32
      %dma_start3A_39 = tpu.memref_slice %arg10[%mul3A_33, %dma_start3A_38] : memref<10112x128xf32, #tpu.memory_space<vmem_shared>> -> memref<632x128xf32, #tpu.memory_space<vmem_shared>>
      tpu.enqueue_dma source(%dma_start3A_39 : memref<632x128xf32, #tpu.memory_space<vmem_shared>>) target(%dma_start3A_37 : memref<632x128xf32, #tpu.memory_space<hbm>>) target_semaphore(%run_scoped3A : memref<!tpu.dma_semaphore, #tpu.memory_space<semaphore_mem>>)
      %dma_wait3A = arith.constant 0 : i32
      %dma_wait3A_40 = tpu.memref_slice %arg5[%arg0, %mul3A_35, %dma_wait3A] : memref<2x10112x128xf32, #tpu.memory_space<hbm>> -> memref<1x632x128xf32, #tpu.memory_space<hbm>>
      %dma_wait3A_41 = tpu.memref_squeeze %dma_wait3A_40 : memref<1x632x128xf32, #tpu.memory_space<hbm>> -> memref<632x128xf32, #tpu.memory_space<hbm>>
      %dma_wait3A_42 = arith.constant 0 : i32
      %dma_wait3A_43 = tpu.memref_slice %arg10[%mul3A_33, %dma_wait3A_42] : memref<10112x128xf32, #tpu.memory_space<vmem_shared>> -> memref<632x128xf32, #tpu.memory_space<vmem_shared>>
      tpu.wait_dma2 semaphore(%run_scoped3A : memref<!tpu.dma_semaphore, #tpu.memory_space<semaphore_mem>>) src(%dma_wait3A_43 : memref<632x128xf32, #tpu.memory_space<vmem_shared>>) dst(%dma_wait3A_41 : memref<632x128xf32, #tpu.memory_space<hbm>>)
      tpu.yield
    }) : () -> ()
    return
  }
}

#map = affine_map<(d0, d1) -> (0, 0)>
#map1 = affine_map<(d0, d1) -> (0, 0, 0)>
module attributes {stable_mosaic.version = 14 : i64} {
  func.func @body(%arg0: i32, %arg1: i32, %arg2: memref<10000x128xf32, #tpu.memory_space<hbm>>, %arg3: memref<32x79x128xi32, #tpu.memory_space<hbm>>, %arg4: memref<32x79x128xi32, #tpu.memory_space<hbm>>, %arg5: memref<2x10112x128xf32, #tpu.memory_space<hbm>>, %arg6: memref<8x128xi32, #tpu.memory_space<vmem>>, %arg7: memref<8x128xi32, #tpu.memory_space<vmem>>, %arg8: memref<128x128xf32, #tpu.memory_space<vmem>>, %arg9: memref<128x128xf32, #tpu.memory_space<vmem>>, %arg10: memref<10112x128xf32, #tpu.memory_space<vmem_shared>>, %arg11: memref<!tpu.dma_semaphore, #tpu.memory_space<semaphore_mem>>, %arg12: memref<!tpu.dma_semaphore, #tpu.memory_space<semaphore_mem>>) attributes {dimension_semantics = [#tpu.dimension_semantics<core_parallel>, #tpu.dimension_semantics<subcore_parallel>], iteration_bounds = array<i64: 2, 16>, scalar_prefetch = 0 : i64, scratch_operands = 7 : i64, tpu.core_type = #tpu.core_type<sc_vector_subcore>, window_params = [{transform_indices = #map}, {transform_indices = #map1}, {transform_indices = #map1}, {transform_indices = #map1}]} {
    %mul3A = arith.constant 16 : i32
    %mul3A_0 = arith.muli %arg0, %mul3A : i32
    %add3A = arith.addi %mul3A_0, %arg1 : i32
    %broadcast_in_dim3A = arith.constant 0.000000e+00 : f32
    %broadcast_in_dim3A_1 = vector.broadcast %broadcast_in_dim3A : f32 to vector<16xf32>
    %scan3A = arith.constant 0 : i32
    %scan3A_2 = arith.constant 0 : i32
    %scan3A_3 = arith.constant 128 : i32
    %scan3A_4 = arith.addi %scan3A_2, %scan3A_3 : i32
    %scan3A_5 = arith.constant 1 : i32
    %scan3A_6 = scf.for %scan3A_36 = %scan3A_2 to %scan3A_4 step %scan3A_5 iter_args(%scan3A_37 = %scan3A) -> (i32)  : i32 {
      %swap3A = arith.index_cast %scan3A_36 : i32 to index
      %swap3A_38 = arith.constant 0 : index
      %swap3A_39 = tpu.vector_load %arg8[%swap3A, %swap3A_38] {strides = array<i32>} : memref<128x128xf32, #tpu.memory_space<vmem>>, vector<1x16xf32>,
      %swap3A_40 = vector.shape_cast %swap3A_39 : vector<1x16xf32> to vector<16xf32>
      %swap3A_41 = vector.shape_cast %broadcast_in_dim3A_1 : vector<16xf32> to vector<1x16xf32>
      tpu.vector_store %arg8[%swap3A, %swap3A_38], %swap3A_41 {strides = array<i32>} : memref<128x128xf32, #tpu.memory_space<vmem>>, vector<1x16xf32>,
      %swap3A_42 = arith.index_cast %scan3A_36 : i32 to index
      %swap3A_43 = arith.constant 16 : index
      %swap3A_44 = tpu.vector_load %arg8[%swap3A_42, %swap3A_43] {strides = array<i32>} : memref<128x128xf32, #tpu.memory_space<vmem>>, vector<1x16xf32>,
      %swap3A_45 = vector.shape_cast %swap3A_44 : vector<1x16xf32> to vector<16xf32>
      %swap3A_46 = vector.shape_cast %broadcast_in_dim3A_1 : vector<16xf32> to vector<1x16xf32>
      tpu.vector_store %arg8[%swap3A_42, %swap3A_43], %swap3A_46 {strides = array<i32>} : memref<128x128xf32, #tpu.memory_space<vmem>>, vector<1x16xf32>,
      %swap3A_47 = arith.index_cast %scan3A_36 : i32 to index
      %swap3A_48 = arith.constant 32 : index
      %swap3A_49 = tpu.vector_load %arg8[%swap3A_47, %swap3A_48] {strides = array<i32>} : memref<128x128xf32, #tpu.memory_space<vmem>>, vector<1x16xf32>,
      %swap3A_50 = vector.shape_cast %swap3A_49 : vector<1x16xf32> to vector<16xf32>
      %swap3A_51 = vector.shape_cast %broadcast_in_dim3A_1 : vector<16xf32> to vector<1x16xf32>
      tpu.vector_store %arg8[%swap3A_47, %swap3A_48], %swap3A_51 {strides = array<i32>} : memref<128x128xf32, #tpu.memory_space<vmem>>, vector<1x16xf32>,
      %swap3A_52 = arith.index_cast %scan3A_36 : i32 to index
      %swap3A_53 = arith.constant 48 : index
      %swap3A_54 = tpu.vector_load %arg8[%swap3A_52, %swap3A_53] {strides = array<i32>} : memref<128x128xf32, #tpu.memory_space<vmem>>, vector<1x16xf32>,
      %swap3A_55 = vector.shape_cast %swap3A_54 : vector<1x16xf32> to vector<16xf32>
      %swap3A_56 = vector.shape_cast %broadcast_in_dim3A_1 : vector<16xf32> to vector<1x16xf32>
      tpu.vector_store %arg8[%swap3A_52, %swap3A_53], %swap3A_56 {strides = array<i32>} : memref<128x128xf32, #tpu.memory_space<vmem>>, vector<1x16xf32>,
      %swap3A_57 = arith.index_cast %scan3A_36 : i32 to index
      %swap3A_58 = arith.constant 64 : index
      %swap3A_59 = tpu.vector_load %arg8[%swap3A_57, %swap3A_58] {strides = array<i32>} : memref<128x128xf32, #tpu.memory_space<vmem>>, vector<1x16xf32>,
      %swap3A_60 = vector.shape_cast %swap3A_59 : vector<1x16xf32> to vector<16xf32>
      %swap3A_61 = vector.shape_cast %broadcast_in_dim3A_1 : vector<16xf32> to vector<1x16xf32>
      tpu.vector_store %arg8[%swap3A_57, %swap3A_58], %swap3A_61 {strides = array<i32>} : memref<128x128xf32, #tpu.memory_space<vmem>>, vector<1x16xf32>,
      %swap3A_62 = arith.index_cast %scan3A_36 : i32 to index
      %swap3A_63 = arith.constant 80 : index
      %swap3A_64 = tpu.vector_load %arg8[%swap3A_62, %swap3A_63] {strides = array<i32>} : memref<128x128xf32, #tpu.memory_space<vmem>>, vector<1x16xf32>,
      %swap3A_65 = vector.shape_cast %swap3A_64 : vector<1x16xf32> to vector<16xf32>
      %swap3A_66 = vector.shape_cast %broadcast_in_dim3A_1 : vector<16xf32> to vector<1x16xf32>
      tpu.vector_store %arg8[%swap3A_62, %swap3A_63], %swap3A_66 {strides = array<i32>} : memref<128x128xf32, #tpu.memory_space<vmem>>, vector<1x16xf32>,
      %swap3A_67 = arith.index_cast %scan3A_36 : i32 to index
      %swap3A_68 = arith.constant 96 : index
      %swap3A_69 = tpu.vector_load %arg8[%swap3A_67, %swap3A_68] {strides = array<i32>} : memref<128x128xf32, #tpu.memory_space<vmem>>, vector<1x16xf32>,
      %swap3A_70 = vector.shape_cast %swap3A_69 : vector<1x16xf32> to vector<16xf32>
      %swap3A_71 = vector.shape_cast %broadcast_in_dim3A_1 : vector<16xf32> to vector<1x16xf32>
      tpu.vector_store %arg8[%swap3A_67, %swap3A_68], %swap3A_71 {strides = array<i32>} : memref<128x128xf32, #tpu.memory_space<vmem>>, vector<1x16xf32>,
      %swap3A_72 = arith.index_cast %scan3A_36 : i32 to index
      %swap3A_73 = arith.constant 112 : index
      %swap3A_74 = tpu.vector_load %arg8[%swap3A_72, %swap3A_73] {strides = array<i32>} : memref<128x128xf32, #tpu.memory_space<vmem>>, vector<1x16xf32>,
      %swap3A_75 = vector.shape_cast %swap3A_74 : vector<1x16xf32> to vector<16xf32>
      %swap3A_76 = vector.shape_cast %broadcast_in_dim3A_1 : vector<16xf32> to vector<1x16xf32>
      tpu.vector_store %arg8[%swap3A_72, %swap3A_73], %swap3A_76 {strides = array<i32>} : memref<128x128xf32, #tpu.memory_space<vmem>>, vector<1x16xf32>,
      %scan3A_77 = arith.constant 0 : i32
      scf.yield %scan3A_77 : i32
    }
    %scan3A_7 = arith.constant 128 : i32
    %mul3A_8 = arith.constant 632 : i32
    %mul3A_9 = arith.muli %arg1, %mul3A_8 : i32
    %add3A_10 = arith.constant 0 : i32
    %add3A_11 = arith.addi %mul3A_9, %add3A_10 : i32
    "tpu.region"() ({
      %run_scoped3A = tpu.sem_alloc : memref<!tpu.dma_semaphore, #tpu.memory_space<semaphore_mem>>
      %dma_start3A = arith.constant 0 : i32
      %dma_start3A_36 = tpu.memref_slice %arg10[%add3A_11, %dma_start3A] : memref<10112x128xf32, #tpu.memory_space<vmem_shared>> -> memref<128x128xf32, #tpu.memory_space<vmem_shared>>
      %dma_start3A_37 = arith.constant 0 : i32
      %dma_start3A_38 = tpu.memref_slice %arg10[%add3A_11, %dma_start3A_37] : memref<10112x128xf32, #tpu.memory_space<vmem_shared>> -> memref<128x128xf32, #tpu.memory_space<vmem_shared>>
      tpu.enqueue_dma source(%arg8 : memref<128x128xf32, #tpu.memory_space<vmem>>) target(%dma_start3A_38 : memref<128x128xf32, #tpu.memory_space<vmem_shared>>) target_semaphore(%run_scoped3A : memref<!tpu.dma_semaphore, #tpu.memory_space<semaphore_mem>>)
      %dma_wait3A = arith.constant 0 : i32
      %dma_wait3A_39 = tpu.memref_slice %arg10[%add3A_11, %dma_wait3A] : memref<10112x128xf32, #tpu.memory_space<vmem_shared>> -> memref<128x128xf32, #tpu.memory_space<vmem_shared>>
      %dma_wait3A_40 = arith.constant 0 : i32
      %dma_wait3A_41 = tpu.memref_slice %arg10[%add3A_11, %dma_wait3A_40] : memref<10112x128xf32, #tpu.memory_space<vmem_shared>> -> memref<128x128xf32, #tpu.memory_space<vmem_shared>>
      tpu.wait_dma2 semaphore(%run_scoped3A : memref<!tpu.dma_semaphore, #tpu.memory_space<semaphore_mem>>) src(%arg8 : memref<128x128xf32, #tpu.memory_space<vmem>>) dst(%dma_wait3A_41 : memref<128x128xf32, #tpu.memory_space<vmem_shared>>)
      tpu.yield
    }) : () -> ()
    %mul3A_12 = arith.constant 632 : i32
    %mul3A_13 = arith.muli %arg1, %mul3A_12 : i32
    %add3A_14 = arith.constant 128 : i32
    %add3A_15 = arith.addi %mul3A_13, %add3A_14 : i32
    "tpu.region"() ({
      %run_scoped3A = tpu.sem_alloc : memref<!tpu.dma_semaphore, #tpu.memory_space<semaphore_mem>>
      %dma_start3A = arith.constant 0 : i32
      %dma_start3A_36 = tpu.memref_slice %arg10[%add3A_15, %dma_start3A] : memref<10112x128xf32, #tpu.memory_space<vmem_shared>> -> memref<128x128xf32, #tpu.memory_space<vmem_shared>>
      %dma_start3A_37 = arith.constant 0 : i32
      %dma_start3A_38 = tpu.memref_slice %arg10[%add3A_15, %dma_start3A_37] : memref<10112x128xf32, #tpu.memory_space<vmem_shared>> -> memref<128x128xf32, #tpu.memory_space<vmem_shared>>
      tpu.enqueue_dma source(%arg8 : memref<128x128xf32, #tpu.memory_space<vmem>>) target(%dma_start3A_38 : memref<128x128xf32, #tpu.memory_space<vmem_shared>>) target_semaphore(%run_scoped3A : memref<!tpu.dma_semaphore, #tpu.memory_space<semaphore_mem>>)
      %dma_wait3A = arith.constant 0 : i32
      %dma_wait3A_39 = tpu.memref_slice %arg10[%add3A_15, %dma_wait3A] : memref<10112x128xf32, #tpu.memory_space<vmem_shared>> -> memref<128x128xf32, #tpu.memory_space<vmem_shared>>
      %dma_wait3A_40 = arith.constant 0 : i32
      %dma_wait3A_41 = tpu.memref_slice %arg10[%add3A_15, %dma_wait3A_40] : memref<10112x128xf32, #tpu.memory_space<vmem_shared>> -> memref<128x128xf32, #tpu.memory_space<vmem_shared>>
      tpu.wait_dma2 semaphore(%run_scoped3A : memref<!tpu.dma_semaphore, #tpu.memory_space<semaphore_mem>>) src(%arg8 : memref<128x128xf32, #tpu.memory_space<vmem>>) dst(%dma_wait3A_41 : memref<128x128xf32, #tpu.memory_space<vmem_shared>>)
      tpu.yield
    }) : () -> ()
    %mul3A_16 = arith.constant 632 : i32
    %mul3A_17 = arith.muli %arg1, %mul3A_16 : i32
    %add3A_18 = arith.constant 256 : i32
    %add3A_19 = arith.addi %mul3A_17, %add3A_18 : i32
    "tpu.region"() ({
      %run_scoped3A = tpu.sem_alloc : memref<!tpu.dma_semaphore, #tpu.memory_space<semaphore_mem>>
      %dma_start3A = arith.constant 0 : i32
      %dma_start3A_36 = tpu.memref_slice %arg10[%add3A_19, %dma_start3A] : memref<10112x128xf32, #tpu.memory_space<vmem_shared>> -> memref<128x128xf32, #tpu.memory_space<vmem_shared>>
      %dma_start3A_37 = arith.constant 0 : i32
      %dma_start3A_38 = tpu.memref_slice %arg10[%add3A_19, %dma_start3A_37] : memref<10112x128xf32, #tpu.memory_space<vmem_shared>> -> memref<128x128xf32, #tpu.memory_space<vmem_shared>>
      tpu.enqueue_dma source(%arg8 : memref<128x128xf32, #tpu.memory_space<vmem>>) target(%dma_start3A_38 : memref<128x128xf32, #tpu.memory_space<vmem_shared>>) target_semaphore(%run_scoped3A : memref<!tpu.dma_semaphore, #tpu.memory_space<semaphore_mem>>)
      %dma_wait3A = arith.constant 0 : i32
      %dma_wait3A_39 = tpu.memref_slice %arg10[%add3A_19, %dma_wait3A] : memref<10112x128xf32, #tpu.memory_space<vmem_shared>> -> memref<128x128xf32, #tpu.memory_space<vmem_shared>>
      %dma_wait3A_40 = arith.constant 0 : i32
      %dma_wait3A_41 = tpu.memref_slice %arg10[%add3A_19, %dma_wait3A_40] : memref<10112x128xf32, #tpu.memory_space<vmem_shared>> -> memref<128x128xf32, #tpu.memory_space<vmem_shared>>
      tpu.wait_dma2 semaphore(%run_scoped3A : memref<!tpu.dma_semaphore, #tpu.memory_space<semaphore_mem>>) src(%arg8 : memref<128x128xf32, #tpu.memory_space<vmem>>) dst(%dma_wait3A_41 : memref<128x128xf32, #tpu.memory_space<vmem_shared>>)
      tpu.yield
    }) : () -> ()
    %mul3A_20 = arith.constant 632 : i32
    %mul3A_21 = arith.muli %arg1, %mul3A_20 : i32
    %add3A_22 = arith.constant 384 : i32
    %add3A_23 = arith.addi %mul3A_21, %add3A_22 : i32
    "tpu.region"() ({
      %run_scoped3A = tpu.sem_alloc : memref<!tpu.dma_semaphore, #tpu.memory_space<semaphore_mem>>
      %dma_start3A = arith.constant 0 : i32
      %dma_start3A_36 = tpu.memref_slice %arg10[%add3A_23, %dma_start3A] : memref<10112x128xf32, #tpu.memory_space<vmem_shared>> -> memref<128x128xf32, #tpu.memory_space<vmem_shared>>
      %dma_start3A_37 = arith.constant 0 : i32
      %dma_start3A_38 = tpu.memref_slice %arg10[%add3A_23, %dma_start3A_37] : memref<10112x128xf32, #tpu.memory_space<vmem_shared>> -> memref<128x128xf32, #tpu.memory_space<vmem_shared>>
      tpu.enqueue_dma source(%arg8 : memref<128x128xf32, #tpu.memory_space<vmem>>) target(%dma_start3A_38 : memref<128x128xf32, #tpu.memory_space<vmem_shared>>) target_semaphore(%run_scoped3A : memref<!tpu.dma_semaphore, #tpu.memory_space<semaphore_mem>>)
      %dma_wait3A = arith.constant 0 : i32
      %dma_wait3A_39 = tpu.memref_slice %arg10[%add3A_23, %dma_wait3A] : memref<10112x128xf32, #tpu.memory_space<vmem_shared>> -> memref<128x128xf32, #tpu.memory_space<vmem_shared>>
      %dma_wait3A_40 = arith.constant 0 : i32
      %dma_wait3A_41 = tpu.memref_slice %arg10[%add3A_23, %dma_wait3A_40] : memref<10112x128xf32, #tpu.memory_space<vmem_shared>> -> memref<128x128xf32, #tpu.memory_space<vmem_shared>>
      tpu.wait_dma2 semaphore(%run_scoped3A : memref<!tpu.dma_semaphore, #tpu.memory_space<semaphore_mem>>) src(%arg8 : memref<128x128xf32, #tpu.memory_space<vmem>>) dst(%dma_wait3A_41 : memref<128x128xf32, #tpu.memory_space<vmem_shared>>)
      tpu.yield
    }) : () -> ()
    %barrier3A = arith.constant 0 : index
    tpu.barrier barrier_id(%barrier3A)
    %scan3A_24 = arith.constant 0 : i32
    %scan3A_25 = arith.constant 0 : i32
    %scan3A_26 = arith.constant 9 : i32
    %scan3A_27 = arith.addi %scan3A_25, %scan3A_26 : i32
    %scan3A_28 = arith.constant 1 : i32
    %scan3A_29 = scf.for %scan3A_36 = %scan3A_25 to %scan3A_27 step %scan3A_28 iter_args(%scan3A_37 = %scan3A_24) -> (i32)  : i32 {
      %mul3A_38 = arith.constant 8 : i32
      %mul3A_39 = arith.muli %scan3A_36, %mul3A_38 : i32
      "tpu.region"() ({
        %run_scoped3A_160 = tpu.sem_alloc : memref<!tpu.dma_semaphore, #tpu.memory_space<semaphore_mem>>
        %dma_start3A_161 = arith.constant 0 : i32
        %dma_start3A_162 = tpu.memref_slice %arg3[%add3A, %mul3A_39, %dma_start3A_161] : memref<32x79x128xi32, #tpu.memory_space<hbm>> -> memref<1x8x128xi32, #tpu.memory_space<hbm>>
        %dma_start3A_163 = tpu.memref_squeeze %dma_start3A_162 : memref<1x8x128xi32, #tpu.memory_space<hbm>> -> memref<8x128xi32, #tpu.memory_space<hbm>>
        %dma_start3A_164 = arith.constant 0 : i32
        %dma_start3A_165 = tpu.memref_slice %arg3[%add3A, %mul3A_39, %dma_start3A_164] : memref<32x79x128xi32, #tpu.memory_space<hbm>> -> memref<1x8x128xi32, #tpu.memory_space<hbm>>
        %dma_start3A_166 = tpu.memref_squeeze %dma_start3A_165 : memref<1x8x128xi32, #tpu.memory_space<hbm>> -> memref<8x128xi32, #tpu.memory_space<hbm>>
        tpu.enqueue_dma source(%dma_start3A_166 : memref<8x128xi32, #tpu.memory_space<hbm>>) target(%arg6 : memref<8x128xi32, #tpu.memory_space<vmem>>) target_semaphore(%run_scoped3A_160 : memref<!tpu.dma_semaphore, #tpu.memory_space<semaphore_mem>>)
        %dma_wait3A_167 = arith.constant 0 : i32
        %dma_wait3A_168 = tpu.memref_slice %arg3[%add3A, %mul3A_39, %dma_wait3A_167] : memref<32x79x128xi32, #tpu.memory_space<hbm>> -> memref<1x8x128xi32, #tpu.memory_space<hbm>>
        %dma_wait3A_169 = tpu.memref_squeeze %dma_wait3A_168 : memref<1x8x128xi32, #tpu.memory_space<hbm>> -> memref<8x128xi32, #tpu.memory_space<hbm>>
        %dma_wait3A_170 = arith.constant 0 : i32
        %dma_wait3A_171 = tpu.memref_slice %arg3[%add3A, %mul3A_39, %dma_wait3A_170] : memref<32x79x128xi32, #tpu.memory_space<hbm>> -> memref<1x8x128xi32, #tpu.memory_space<hbm>>
        %dma_wait3A_172 = tpu.memref_squeeze %dma_wait3A_171 : memref<1x8x128xi32, #tpu.memory_space<hbm>> -> memref<8x128xi32, #tpu.memory_space<hbm>>
        tpu.wait_dma2 semaphore(%run_scoped3A_160 : memref<!tpu.dma_semaphore, #tpu.memory_space<semaphore_mem>>) src(%dma_wait3A_172 : memref<8x128xi32, #tpu.memory_space<hbm>>) dst(%arg6 : memref<8x128xi32, #tpu.memory_space<vmem>>)
        tpu.yield
      }) : () -> ()
      %mul3A_40 = arith.constant 8 : i32
      %mul3A_41 = arith.muli %scan3A_36, %mul3A_40 : i32
      "tpu.region"() ({
        %run_scoped3A_160 = tpu.sem_alloc : memref<!tpu.dma_semaphore, #tpu.memory_space<semaphore_mem>>
        %dma_start3A_161 = arith.constant 0 : i32
        %dma_start3A_162 = tpu.memref_slice %arg4[%add3A, %mul3A_41, %dma_start3A_161] : memref<32x79x128xi32, #tpu.memory_space<hbm>> -> memref<1x8x128xi32, #tpu.memory_space<hbm>>
        %dma_start3A_163 = tpu.memref_squeeze %dma_start3A_162 : memref<1x8x128xi32, #tpu.memory_space<hbm>> -> memref<8x128xi32, #tpu.memory_space<hbm>>
        %dma_start3A_164 = arith.constant 0 : i32
        %dma_start3A_165 = tpu.memref_slice %arg4[%add3A, %mul3A_41, %dma_start3A_164] : memref<32x79x128xi32, #tpu.memory_space<hbm>> -> memref<1x8x128xi32, #tpu.memory_space<hbm>>
        %dma_start3A_166 = tpu.memref_squeeze %dma_start3A_165 : memref<1x8x128xi32, #tpu.memory_space<hbm>> -> memref<8x128xi32, #tpu.memory_space<hbm>>
        tpu.enqueue_dma source(%dma_start3A_166 : memref<8x128xi32, #tpu.memory_space<hbm>>) target(%arg7 : memref<8x128xi32, #tpu.memory_space<vmem>>) target_semaphore(%run_scoped3A_160 : memref<!tpu.dma_semaphore, #tpu.memory_space<semaphore_mem>>)
        %dma_wait3A_167 = arith.constant 0 : i32
        %dma_wait3A_168 = tpu.memref_slice %arg4[%add3A, %mul3A_41, %dma_wait3A_167] : memref<32x79x128xi32, #tpu.memory_space<hbm>> -> memref<1x8x128xi32, #tpu.memory_space<hbm>>
        %dma_wait3A_169 = tpu.memref_squeeze %dma_wait3A_168 : memref<1x8x128xi32, #tpu.memory_space<hbm>> -> memref<8x128xi32, #tpu.memory_space<hbm>>
        %dma_wait3A_170 = arith.constant 0 : i32
        %dma_wait3A_171 = tpu.memref_slice %arg4[%add3A, %mul3A_41, %dma_wait3A_170] : memref<32x79x128xi32, #tpu.memory_space<hbm>> -> memref<1x8x128xi32, #tpu.memory_space<hbm>>
        %dma_wait3A_172 = tpu.memref_squeeze %dma_wait3A_171 : memref<1x8x128xi32, #tpu.memory_space<hbm>> -> memref<8x128xi32, #tpu.memory_space<hbm>>
        tpu.wait_dma2 semaphore(%run_scoped3A_160 : memref<!tpu.dma_semaphore, #tpu.memory_space<semaphore_mem>>) src(%dma_wait3A_172 : memref<8x128xi32, #tpu.memory_space<hbm>>) dst(%arg7 : memref<8x128xi32, #tpu.memory_space<vmem>>)
        tpu.yield
      }) : () -> ()
      %dma_start3A = arith.constant 0 : i32
      %dma_start3A_42 = arith.constant 0 : i32
      %dma_start3A_43 = tpu.memref_slice %arg6[%dma_start3A, %dma_start3A_42] : memref<8x128xi32, #tpu.memory_space<vmem>> -> memref<1x128xi32, #tpu.memory_space<vmem>>
      %dma_start3A_44 = tpu.memref_squeeze %dma_start3A_43 : memref<1x128xi32, #tpu.memory_space<vmem>> -> memref<128xi32, #tpu.memory_space<vmem>>
      %dma_start3A_45 = arith.constant 0 : i32
      %dma_start3A_46 = arith.constant 0 : i32
      %dma_start3A_47 = tpu.memref_slice %arg2[%dma_start3A_45, %dma_start3A_46] : memref<10000x128xf32, #tpu.memory_space<hbm>> -> memref<10000x128xf32, #tpu.memory_space<hbm>>
      tpu.enqueue_indirect_dma source(%dma_start3A_47 : memref<10000x128xf32, #tpu.memory_space<hbm>>) target(%arg8 : memref<128x128xf32, #tpu.memory_space<vmem>>) offsets(%dma_start3A_44 : memref<128xi32, #tpu.memory_space<vmem>>) semaphore(%arg11 : memref<!tpu.dma_semaphore, #tpu.memory_space<semaphore_mem>>)
      %dma_start3A_48 = arith.constant 1 : i32
      %dma_start3A_49 = arith.constant 0 : i32
      %dma_start3A_50 = tpu.memref_slice %arg6[%dma_start3A_48, %dma_start3A_49] : memref<8x128xi32, #tpu.memory_space<vmem>> -> memref<1x128xi32, #tpu.memory_space<vmem>>
      %dma_start3A_51 = tpu.memref_squeeze %dma_start3A_50 : memref<1x128xi32, #tpu.memory_space<vmem>> -> memref<128xi32, #tpu.memory_space<vmem>>
      %dma_start3A_52 = arith.constant 0 : i32
      %dma_start3A_53 = arith.constant 0 : i32
      %dma_start3A_54 = tpu.memref_slice %arg2[%dma_start3A_52, %dma_start3A_53] : memref<10000x128xf32, #tpu.memory_space<hbm>> -> memref<10000x128xf32, #tpu.memory_space<hbm>>
      tpu.enqueue_indirect_dma source(%dma_start3A_54 : memref<10000x128xf32, #tpu.memory_space<hbm>>) target(%arg9 : memref<128x128xf32, #tpu.memory_space<vmem>>) offsets(%dma_start3A_51 : memref<128xi32, #tpu.memory_space<vmem>>) semaphore(%arg12 : memref<!tpu.dma_semaphore, #tpu.memory_space<semaphore_mem>>)
      %dma_wait3A = arith.constant 0 : i32
      %dma_wait3A_55 = arith.constant 0 : i32
      %dma_wait3A_56 = tpu.memref_slice %arg6[%dma_wait3A, %dma_wait3A_55] : memref<8x128xi32, #tpu.memory_space<vmem>> -> memref<1x128xi32, #tpu.memory_space<vmem>>
      %dma_wait3A_57 = tpu.memref_squeeze %dma_wait3A_56 : memref<1x128xi32, #tpu.memory_space<vmem>> -> memref<128xi32, #tpu.memory_space<vmem>>
      %dma_wait3A_58 = arith.constant 0 : i32
      %dma_wait3A_59 = arith.constant 0 : i32
      %dma_wait3A_60 = tpu.memref_slice %arg2[%dma_wait3A_58, %dma_wait3A_59] : memref<10000x128xf32, #tpu.memory_space<hbm>> -> memref<10000x128xf32, #tpu.memory_space<hbm>>
      tpu.wait_indirect_dma semaphore(%arg11 : memref<!tpu.dma_semaphore, #tpu.memory_space<semaphore_mem>>) src(%dma_wait3A_60 : memref<10000x128xf32, #tpu.memory_space<hbm>>) dst(%arg8 : memref<128x128xf32, #tpu.memory_space<vmem>>)
      %run_scoped3A = arith.constant 0 : i32
      "tpu.region"() ({
        %run_scoped3A_160 = tpu.sem_alloc : memref<!tpu.dma_semaphore, #tpu.memory_space<semaphore_mem>>
        %dma_start3A_161 = arith.constant 0 : i32
        %dma_start3A_162 = tpu.memref_slice %arg7[%run_scoped3A, %dma_start3A_161] : memref<8x128xi32, #tpu.memory_space<vmem>> -> memref<1x128xi32, #tpu.memory_space<vmem>>
        %dma_start3A_163 = tpu.memref_squeeze %dma_start3A_162 : memref<1x128xi32, #tpu.memory_space<vmem>> -> memref<128xi32, #tpu.memory_space<vmem>>
        %dma_start3A_164 = arith.constant 0 : i32
        %dma_start3A_165 = arith.constant 0 : i32
        %dma_start3A_166 = tpu.memref_slice %arg10[%dma_start3A_164, %dma_start3A_165] : memref<10112x128xf32, #tpu.memory_space<vmem_shared>> -> memref<10112x128xf32, #tpu.memory_space<vmem_shared>>
        tpu.enqueue_indirect_dma source(%arg8 : memref<128x128xf32, #tpu.memory_space<vmem>>) target(%dma_start3A_166 : memref<10112x128xf32, #tpu.memory_space<vmem_shared>>) offsets(%dma_start3A_163 : memref<128xi32, #tpu.memory_space<vmem>>) semaphore(%run_scoped3A_160 : memref<!tpu.dma_semaphore, #tpu.memory_space<semaphore_mem>>) {add = true}
        %dma_wait3A_167 = arith.constant 0 : i32
        %dma_wait3A_168 = tpu.memref_slice %arg7[%run_scoped3A, %dma_wait3A_167] : memref<8x128xi32, #tpu.memory_space<vmem>> -> memref<1x128xi32, #tpu.memory_space<vmem>>
        %dma_wait3A_169 = tpu.memref_squeeze %dma_wait3A_168 : memref<1x128xi32, #tpu.memory_space<vmem>> -> memref<128xi32, #tpu.memory_space<vmem>>
        %dma_wait3A_170 = arith.constant 0 : i32
        %dma_wait3A_171 = arith.constant 0 : i32
        %dma_wait3A_172 = tpu.memref_slice %arg10[%dma_wait3A_170, %dma_wait3A_171] : memref<10112x128xf32, #tpu.memory_space<vmem_shared>> -> memref<10112x128xf32, #tpu.memory_space<vmem_shared>>
        tpu.wait_indirect_dma semaphore(%run_scoped3A_160 : memref<!tpu.dma_semaphore, #tpu.memory_space<semaphore_mem>>) src(%arg8 : memref<128x128xf32, #tpu.memory_space<vmem>>) dst(%dma_wait3A_172 : memref<10112x128xf32, #tpu.memory_space<vmem_shared>>)
        tpu.yield
      }) : () -> ()
      %dma_start3A_61 = arith.constant 2 : i32
      %dma_start3A_62 = arith.constant 0 : i32
      %dma_start3A_63 = tpu.memref_slice %arg6[%dma_start3A_61, %dma_start3A_62] : memref<8x128xi32, #tpu.memory_space<vmem>> -> memref<1x128xi32, #tpu.memory_space<vmem>>
      %dma_start3A_64 = tpu.memref_squeeze %dma_start3A_63 : memref<1x128xi32, #tpu.memory_space<vmem>> -> memref<128xi32, #tpu.memory_space<vmem>>
      %dma_start3A_65 = arith.constant 0 : i32
      %dma_start3A_66 = arith.constant 0 : i32
      %dma_start3A_67 = tpu.memref_slice %arg2[%dma_start3A_65, %dma_start3A_66] : memref<10000x128xf32, #tpu.memory_space<hbm>> -> memref<10000x128xf32, #tpu.memory_space<hbm>>
      tpu.enqueue_indirect_dma source(%dma_start3A_67 : memref<10000x128xf32, #tpu.memory_space<hbm>>) target(%arg8 : memref<128x128xf32, #tpu.memory_space<vmem>>) offsets(%dma_start3A_64 : memref<128xi32, #tpu.memory_space<vmem>>) semaphore(%arg11 : memref<!tpu.dma_semaphore, #tpu.memory_space<semaphore_mem>>)
      %dma_wait3A_68 = arith.constant 1 : i32
      %dma_wait3A_69 = arith.constant 0 : i32
      %dma_wait3A_70 = tpu.memref_slice %arg6[%dma_wait3A_68, %dma_wait3A_69] : memref<8x128xi32, #tpu.memory_space<vmem>> -> memref<1x128xi32, #tpu.memory_space<vmem>>
      %dma_wait3A_71 = tpu.memref_squeeze %dma_wait3A_70 : memref<1x128xi32, #tpu.memory_space<vmem>> -> memref<128xi32, #tpu.memory_space<vmem>>
      %dma_wait3A_72 = arith.constant 0 : i32
      %dma_wait3A_73 = arith.constant 0 : i32
      %dma_wait3A_74 = tpu.memref_slice %arg2[%dma_wait3A_72, %dma_wait3A_73] : memref<10000x128xf32, #tpu.memory_space<hbm>> -> memref<10000x128xf32, #tpu.memory_space<hbm>>
      tpu.wait_indirect_dma semaphore(%arg12 : memref<!tpu.dma_semaphore, #tpu.memory_space<semaphore_mem>>) src(%dma_wait3A_74 : memref<10000x128xf32, #tpu.memory_space<hbm>>) dst(%arg9 : memref<128x128xf32, #tpu.memory_space<vmem>>)
      %run_scoped3A_75 = arith.constant 1 : i32
      "tpu.region"() ({
        %run_scoped3A_160 = tpu.sem_alloc : memref<!tpu.dma_semaphore, #tpu.memory_space<semaphore_mem>>
        %dma_start3A_161 = arith.constant 0 : i32
        %dma_start3A_162 = tpu.memref_slice %arg7[%run_scoped3A_75, %dma_start3A_161] : memref<8x128xi32, #tpu.memory_space<vmem>> -> memref<1x128xi32, #tpu.memory_space<vmem>>
        %dma_start3A_163 = tpu.memref_squeeze %dma_start3A_162 : memref<1x128xi32, #tpu.memory_space<vmem>> -> memref<128xi32, #tpu.memory_space<vmem>>
        %dma_start3A_164 = arith.constant 0 : i32
        %dma_start3A_165 = arith.constant 0 : i32
        %dma_start3A_166 = tpu.memref_slice %arg10[%dma_start3A_164, %dma_start3A_165] : memref<10112x128xf32, #tpu.memory_space<vmem_shared>> -> memref<10112x128xf32, #tpu.memory_space<vmem_shared>>
        tpu.enqueue_indirect_dma source(%arg9 : memref<128x128xf32, #tpu.memory_space<vmem>>) target(%dma_start3A_166 : memref<10112x128xf32, #tpu.memory_space<vmem_shared>>) offsets(%dma_start3A_163 : memref<128xi32, #tpu.memory_space<vmem>>) semaphore(%run_scoped3A_160 : memref<!tpu.dma_semaphore, #tpu.memory_space<semaphore_mem>>) {add = true}
        %dma_wait3A_167 = arith.constant 0 : i32
        %dma_wait3A_168 = tpu.memref_slice %arg7[%run_scoped3A_75, %dma_wait3A_167] : memref<8x128xi32, #tpu.memory_space<vmem>> -> memref<1x128xi32, #tpu.memory_space<vmem>>
        %dma_wait3A_169 = tpu.memref_squeeze %dma_wait3A_168 : memref<1x128xi32, #tpu.memory_space<vmem>> -> memref<128xi32, #tpu.memory_space<vmem>>
        %dma_wait3A_170 = arith.constant 0 : i32
        %dma_wait3A_171 = arith.constant 0 : i32
        %dma_wait3A_172 = tpu.memref_slice %arg10[%dma_wait3A_170, %dma_wait3A_171] : memref<10112x128xf32, #tpu.memory_space<vmem_shared>> -> memref<10112x128xf32, #tpu.memory_space<vmem_shared>>
        tpu.wait_indirect_dma semaphore(%run_scoped3A_160 : memref<!tpu.dma_semaphore, #tpu.memory_space<semaphore_mem>>) src(%arg9 : memref<128x128xf32, #tpu.memory_space<vmem>>) dst(%dma_wait3A_172 : memref<10112x128xf32, #tpu.memory_space<vmem_shared>>)
        tpu.yield
      }) : () -> ()
      %dma_start3A_76 = arith.constant 3 : i32
      %dma_start3A_77 = arith.constant 0 : i32
      %dma_start3A_78 = tpu.memref_slice %arg6[%dma_start3A_76, %dma_start3A_77] : memref<8x128xi32, #tpu.memory_space<vmem>> -> memref<1x128xi32, #tpu.memory_space<vmem>>
      %dma_start3A_79 = tpu.memref_squeeze %dma_start3A_78 : memref<1x128xi32, #tpu.memory_space<vmem>> -> memref<128xi32, #tpu.memory_space<vmem>>
      %dma_start3A_80 = arith.constant 0 : i32
      %dma_start3A_81 = arith.constant 0 : i32
      %dma_start3A_82 = tpu.memref_slice %arg2[%dma_start3A_80, %dma_start3A_81] : memref<10000x128xf32, #tpu.memory_space<hbm>> -> memref<10000x128xf32, #tpu.memory_space<hbm>>
      tpu.enqueue_indirect_dma source(%dma_start3A_82 : memref<10000x128xf32, #tpu.memory_space<hbm>>) target(%arg9 : memref<128x128xf32, #tpu.memory_space<vmem>>) offsets(%dma_start3A_79 : memref<128xi32, #tpu.memory_space<vmem>>) semaphore(%arg12 : memref<!tpu.dma_semaphore, #tpu.memory_space<semaphore_mem>>)
      %dma_wait3A_83 = arith.constant 2 : i32
      %dma_wait3A_84 = arith.constant 0 : i32
      %dma_wait3A_85 = tpu.memref_slice %arg6[%dma_wait3A_83, %dma_wait3A_84] : memref<8x128xi32, #tpu.memory_space<vmem>> -> memref<1x128xi32, #tpu.memory_space<vmem>>
      %dma_wait3A_86 = tpu.memref_squeeze %dma_wait3A_85 : memref<1x128xi32, #tpu.memory_space<vmem>> -> memref<128xi32, #tpu.memory_space<vmem>>
      %dma_wait3A_87 = arith.constant 0 : i32
      %dma_wait3A_88 = arith.constant 0 : i32
      %dma_wait3A_89 = tpu.memref_slice %arg2[%dma_wait3A_87, %dma_wait3A_88] : memref<10000x128xf32, #tpu.memory_space<hbm>> -> memref<10000x128xf32, #tpu.memory_space<hbm>>
      tpu.wait_indirect_dma semaphore(%arg11 : memref<!tpu.dma_semaphore, #tpu.memory_space<semaphore_mem>>) src(%dma_wait3A_89 : memref<10000x128xf32, #tpu.memory_space<hbm>>) dst(%arg8 : memref<128x128xf32, #tpu.memory_space<vmem>>)
      %run_scoped3A_90 = arith.constant 2 : i32
      "tpu.region"() ({
        %run_scoped3A_160 = tpu.sem_alloc : memref<!tpu.dma_semaphore, #tpu.memory_space<semaphore_mem>>
        %dma_start3A_161 = arith.constant 0 : i32
        %dma_start3A_162 = tpu.memref_slice %arg7[%run_scoped3A_90, %dma_start3A_161] : memref<8x128xi32, #tpu.memory_space<vmem>> -> memref<1x128xi32, #tpu.memory_space<vmem>>
        %dma_start3A_163 = tpu.memref_squeeze %dma_start3A_162 : memref<1x128xi32, #tpu.memory_space<vmem>> -> memref<128xi32, #tpu.memory_space<vmem>>
        %dma_start3A_164 = arith.constant 0 : i32
        %dma_start3A_165 = arith.constant 0 : i32
        %dma_start3A_166 = tpu.memref_slice %arg10[%dma_start3A_164, %dma_start3A_165] : memref<10112x128xf32, #tpu.memory_space<vmem_shared>> -> memref<10112x128xf32, #tpu.memory_space<vmem_shared>>
        tpu.enqueue_indirect_dma source(%arg8 : memref<128x128xf32, #tpu.memory_space<vmem>>) target(%dma_start3A_166 : memref<10112x128xf32, #tpu.memory_space<vmem_shared>>) offsets(%dma_start3A_163 : memref<128xi32, #tpu.memory_space<vmem>>) semaphore(%run_scoped3A_160 : memref<!tpu.dma_semaphore, #tpu.memory_space<semaphore_mem>>) {add = true}
        %dma_wait3A_167 = arith.constant 0 : i32
        %dma_wait3A_168 = tpu.memref_slice %arg7[%run_scoped3A_90, %dma_wait3A_167] : memref<8x128xi32, #tpu.memory_space<vmem>> -> memref<1x128xi32, #tpu.memory_space<vmem>>
        %dma_wait3A_169 = tpu.memref_squeeze %dma_wait3A_168 : memref<1x128xi32, #tpu.memory_space<vmem>> -> memref<128xi32, #tpu.memory_space<vmem>>
        %dma_wait3A_170 = arith.constant 0 : i32
        %dma_wait3A_171 = arith.constant 0 : i32
        %dma_wait3A_172 = tpu.memref_slice %arg10[%dma_wait3A_170, %dma_wait3A_171] : memref<10112x128xf32, #tpu.memory_space<vmem_shared>> -> memref<10112x128xf32, #tpu.memory_space<vmem_shared>>
        tpu.wait_indirect_dma semaphore(%run_scoped3A_160 : memref<!tpu.dma_semaphore, #tpu.memory_space<semaphore_mem>>) src(%arg8 : memref<128x128xf32, #tpu.memory_space<vmem>>) dst(%dma_wait3A_172 : memref<10112x128xf32, #tpu.memory_space<vmem_shared>>)
        tpu.yield
      }) : () -> ()
      %dma_start3A_91 = arith.constant 4 : i32
      %dma_start3A_92 = arith.constant 0 : i32
      %dma_start3A_93 = tpu.memref_slice %arg6[%dma_start3A_91, %dma_start3A_92] : memref<8x128xi32, #tpu.memory_space<vmem>> -> memref<1x128xi32, #tpu.memory_space<vmem>>
      %dma_start3A_94 = tpu.memref_squeeze %dma_start3A_93 : memref<1x128xi32, #tpu.memory_space<vmem>> -> memref<128xi32, #tpu.memory_space<vmem>>
      %dma_start3A_95 = arith.constant 0 : i32
      %dma_start3A_96 = arith.constant 0 : i32
      %dma_start3A_97 = tpu.memref_slice %arg2[%dma_start3A_95, %dma_start3A_96] : memref<10000x128xf32, #tpu.memory_space<hbm>> -> memref<10000x128xf32, #tpu.memory_space<hbm>>
      tpu.enqueue_indirect_dma source(%dma_start3A_97 : memref<10000x128xf32, #tpu.memory_space<hbm>>) target(%arg8 : memref<128x128xf32, #tpu.memory_space<vmem>>) offsets(%dma_start3A_94 : memref<128xi32, #tpu.memory_space<vmem>>) semaphore(%arg11 : memref<!tpu.dma_semaphore, #tpu.memory_space<semaphore_mem>>)
      %dma_wait3A_98 = arith.constant 3 : i32
      %dma_wait3A_99 = arith.constant 0 : i32
      %dma_wait3A_100 = tpu.memref_slice %arg6[%dma_wait3A_98, %dma_wait3A_99] : memref<8x128xi32, #tpu.memory_space<vmem>> -> memref<1x128xi32, #tpu.memory_space<vmem>>
      %dma_wait3A_101 = tpu.memref_squeeze %dma_wait3A_100 : memref<1x128xi32, #tpu.memory_space<vmem>> -> memref<128xi32, #tpu.memory_space<vmem>>
      %dma_wait3A_102 = arith.constant 0 : i32
      %dma_wait3A_103 = arith.constant 0 : i32
      %dma_wait3A_104 = tpu.memref_slice %arg2[%dma_wait3A_102, %dma_wait3A_103] : memref<10000x128xf32, #tpu.memory_space<hbm>> -> memref<10000x128xf32, #tpu.memory_space<hbm>>
      tpu.wait_indirect_dma semaphore(%arg12 : memref<!tpu.dma_semaphore, #tpu.memory_space<semaphore_mem>>) src(%dma_wait3A_104 : memref<10000x128xf32, #tpu.memory_space<hbm>>) dst(%arg9 : memref<128x128xf32, #tpu.memory_space<vmem>>)
      %run_scoped3A_105 = arith.constant 3 : i32
      "tpu.region"() ({
        %run_scoped3A_160 = tpu.sem_alloc : memref<!tpu.dma_semaphore, #tpu.memory_space<semaphore_mem>>
        %dma_start3A_161 = arith.constant 0 : i32
        %dma_start3A_162 = tpu.memref_slice %arg7[%run_scoped3A_105, %dma_start3A_161] : memref<8x128xi32, #tpu.memory_space<vmem>> -> memref<1x128xi32, #tpu.memory_space<vmem>>
        %dma_start3A_163 = tpu.memref_squeeze %dma_start3A_162 : memref<1x128xi32, #tpu.memory_space<vmem>> -> memref<128xi32, #tpu.memory_space<vmem>>
        %dma_start3A_164 = arith.constant 0 : i32
        %dma_start3A_165 = arith.constant 0 : i32
        %dma_start3A_166 = tpu.memref_slice %arg10[%dma_start3A_164, %dma_start3A_165] : memref<10112x128xf32, #tpu.memory_space<vmem_shared>> -> memref<10112x128xf32, #tpu.memory_space<vmem_shared>>
        tpu.enqueue_indirect_dma source(%arg9 : memref<128x128xf32, #tpu.memory_space<vmem>>) target(%dma_start3A_166 : memref<10112x128xf32, #tpu.memory_space<vmem_shared>>) offsets(%dma_start3A_163 : memref<128xi32, #tpu.memory_space<vmem>>) semaphore(%run_scoped3A_160 : memref<!tpu.dma_semaphore, #tpu.memory_space<semaphore_mem>>) {add = true}
        %dma_wait3A_167 = arith.constant 0 : i32
        %dma_wait3A_168 = tpu.memref_slice %arg7[%run_scoped3A_105, %dma_wait3A_167] : memref<8x128xi32, #tpu.memory_space<vmem>> -> memref<1x128xi32, #tpu.memory_space<vmem>>
        %dma_wait3A_169 = tpu.memref_squeeze %dma_wait3A_168 : memref<1x128xi32, #tpu.memory_space<vmem>> -> memref<128xi32, #tpu.memory_space<vmem>>
        %dma_wait3A_170 = arith.constant 0 : i32
        %dma_wait3A_171 = arith.constant 0 : i32
        %dma_wait3A_172 = tpu.memref_slice %arg10[%dma_wait3A_170, %dma_wait3A_171] : memref<10112x128xf32, #tpu.memory_space<vmem_shared>> -> memref<10112x128xf32, #tpu.memory_space<vmem_shared>>
        tpu.wait_indirect_dma semaphore(%run_scoped3A_160 : memref<!tpu.dma_semaphore, #tpu.memory_space<semaphore_mem>>) src(%arg9 : memref<128x128xf32, #tpu.memory_space<vmem>>) dst(%dma_wait3A_172 : memref<10112x128xf32, #tpu.memory_space<vmem_shared>>)
        tpu.yield
      }) : () -> ()
      %dma_start3A_106 = arith.constant 5 : i32
      %dma_start3A_107 = arith.constant 0 : i32
      %dma_start3A_108 = tpu.memref_slice %arg6[%dma_start3A_106, %dma_start3A_107] : memref<8x128xi32, #tpu.memory_space<vmem>> -> memref<1x128xi32, #tpu.memory_space<vmem>>
      %dma_start3A_109 = tpu.memref_squeeze %dma_start3A_108 : memref<1x128xi32, #tpu.memory_space<vmem>> -> memref<128xi32, #tpu.memory_space<vmem>>
      %dma_start3A_110 = arith.constant 0 : i32
      %dma_start3A_111 = arith.constant 0 : i32
      %dma_start3A_112 = tpu.memref_slice %arg2[%dma_start3A_110, %dma_start3A_111] : memref<10000x128xf32, #tpu.memory_space<hbm>> -> memref<10000x128xf32, #tpu.memory_space<hbm>>
      tpu.enqueue_indirect_dma source(%dma_start3A_112 : memref<10000x128xf32, #tpu.memory_space<hbm>>) target(%arg9 : memref<128x128xf32, #tpu.memory_space<vmem>>) offsets(%dma_start3A_109 : memref<128xi32, #tpu.memory_space<vmem>>) semaphore(%arg12 : memref<!tpu.dma_semaphore, #tpu.memory_space<semaphore_mem>>)
      %dma_wait3A_113 = arith.constant 4 : i32
      %dma_wait3A_114 = arith.constant 0 : i32
      %dma_wait3A_115 = tpu.memref_slice %arg6[%dma_wait3A_113, %dma_wait3A_114] : memref<8x128xi32, #tpu.memory_space<vmem>> -> memref<1x128xi32, #tpu.memory_space<vmem>>
      %dma_wait3A_116 = tpu.memref_squeeze %dma_wait3A_115 : memref<1x128xi32, #tpu.memory_space<vmem>> -> memref<128xi32, #tpu.memory_space<vmem>>
      %dma_wait3A_117 = arith.constant 0 : i32
      %dma_wait3A_118 = arith.constant 0 : i32
      %dma_wait3A_119 = tpu.memref_slice %arg2[%dma_wait3A_117, %dma_wait3A_118] : memref<10000x128xf32, #tpu.memory_space<hbm>> -> memref<10000x128xf32, #tpu.memory_space<hbm>>
      tpu.wait_indirect_dma semaphore(%arg11 : memref<!tpu.dma_semaphore, #tpu.memory_space<semaphore_mem>>) src(%dma_wait3A_119 : memref<10000x128xf32, #tpu.memory_space<hbm>>) dst(%arg8 : memref<128x128xf32, #tpu.memory_space<vmem>>)
      %run_scoped3A_120 = arith.constant 4 : i32
      "tpu.region"() ({
        %run_scoped3A_160 = tpu.sem_alloc : memref<!tpu.dma_semaphore, #tpu.memory_space<semaphore_mem>>
        %dma_start3A_161 = arith.constant 0 : i32
        %dma_start3A_162 = tpu.memref_slice %arg7[%run_scoped3A_120, %dma_start3A_161] : memref<8x128xi32, #tpu.memory_space<vmem>> -> memref<1x128xi32, #tpu.memory_space<vmem>>
        %dma_start3A_163 = tpu.memref_squeeze %dma_start3A_162 : memref<1x128xi32, #tpu.memory_space<vmem>> -> memref<128xi32, #tpu.memory_space<vmem>>
        %dma_start3A_164 = arith.constant 0 : i32
        %dma_start3A_165 = arith.constant 0 : i32
        %dma_start3A_166 = tpu.memref_slice %arg10[%dma_start3A_164, %dma_start3A_165] : memref<10112x128xf32, #tpu.memory_space<vmem_shared>> -> memref<10112x128xf32, #tpu.memory_space<vmem_shared>>
        tpu.enqueue_indirect_dma source(%arg8 : memref<128x128xf32, #tpu.memory_space<vmem>>) target(%dma_start3A_166 : memref<10112x128xf32, #tpu.memory_space<vmem_shared>>) offsets(%dma_start3A_163 : memref<128xi32, #tpu.memory_space<vmem>>) semaphore(%run_scoped3A_160 : memref<!tpu.dma_semaphore, #tpu.memory_space<semaphore_mem>>) {add = true}
        %dma_wait3A_167 = arith.constant 0 : i32
        %dma_wait3A_168 = tpu.memref_slice %arg7[%run_scoped3A_120, %dma_wait3A_167] : memref<8x128xi32, #tpu.memory_space<vmem>> -> memref<1x128xi32, #tpu.memory_space<vmem>>
        %dma_wait3A_169 = tpu.memref_squeeze %dma_wait3A_168 : memref<1x128xi32, #tpu.memory_space<vmem>> -> memref<128xi32, #tpu.memory_space<vmem>>
        %dma_wait3A_170 = arith.constant 0 : i32
        %dma_wait3A_171 = arith.constant 0 : i32
        %dma_wait3A_172 = tpu.memref_slice %arg10[%dma_wait3A_170, %dma_wait3A_171] : memref<10112x128xf32, #tpu.memory_space<vmem_shared>> -> memref<10112x128xf32, #tpu.memory_space<vmem_shared>>
        tpu.wait_indirect_dma semaphore(%run_scoped3A_160 : memref<!tpu.dma_semaphore, #tpu.memory_space<semaphore_mem>>) src(%arg8 : memref<128x128xf32, #tpu.memory_space<vmem>>) dst(%dma_wait3A_172 : memref<10112x128xf32, #tpu.memory_space<vmem_shared>>)
        tpu.yield
      }) : () -> ()
      %dma_start3A_121 = arith.constant 6 : i32
      %dma_start3A_122 = arith.constant 0 : i32
      %dma_start3A_123 = tpu.memref_slice %arg6[%dma_start3A_121, %dma_start3A_122] : memref<8x128xi32, #tpu.memory_space<vmem>> -> memref<1x128xi32, #tpu.memory_space<vmem>>
      %dma_start3A_124 = tpu.memref_squeeze %dma_start3A_123 : memref<1x128xi32, #tpu.memory_space<vmem>> -> memref<128xi32, #tpu.memory_space<vmem>>
      %dma_start3A_125 = arith.constant 0 : i32
      %dma_start3A_126 = arith.constant 0 : i32
      %dma_start3A_127 = tpu.memref_slice %arg2[%dma_start3A_125, %dma_start3A_126] : memref<10000x128xf32, #tpu.memory_space<hbm>> -> memref<10000x128xf32, #tpu.memory_space<hbm>>
      tpu.enqueue_indirect_dma source(%dma_start3A_127 : memref<10000x128xf32, #tpu.memory_space<hbm>>) target(%arg8 : memref<128x128xf32, #tpu.memory_space<vmem>>) offsets(%dma_start3A_124 : memref<128xi32, #tpu.memory_space<vmem>>) semaphore(%arg11 : memref<!tpu.dma_semaphore, #tpu.memory_space<semaphore_mem>>)
      %dma_wait3A_128 = arith.constant 5 : i32
      %dma_wait3A_129 = arith.constant 0 : i32
      %dma_wait3A_130 = tpu.memref_slice %arg6[%dma_wait3A_128, %dma_wait3A_129] : memref<8x128xi32, #tpu.memory_space<vmem>> -> memref<1x128xi32, #tpu.memory_space<vmem>>
      %dma_wait3A_131 = tpu.memref_squeeze %dma_wait3A_130 : memref<1x128xi32, #tpu.memory_space<vmem>> -> memref<128xi32, #tpu.memory_space<vmem>>
      %dma_wait3A_132 = arith.constant 0 : i32
      %dma_wait3A_133 = arith.constant 0 : i32
      %dma_wait3A_134 = tpu.memref_slice %arg2[%dma_wait3A_132, %dma_wait3A_133] : memref<10000x128xf32, #tpu.memory_space<hbm>> -> memref<10000x128xf32, #tpu.memory_space<hbm>>
      tpu.wait_indirect_dma semaphore(%arg12 : memref<!tpu.dma_semaphore, #tpu.memory_space<semaphore_mem>>) src(%dma_wait3A_134 : memref<10000x128xf32, #tpu.memory_space<hbm>>) dst(%arg9 : memref<128x128xf32, #tpu.memory_space<vmem>>)
      %run_scoped3A_135 = arith.constant 5 : i32
      "tpu.region"() ({
        %run_scoped3A_160 = tpu.sem_alloc : memref<!tpu.dma_semaphore, #tpu.memory_space<semaphore_mem>>
        %dma_start3A_161 = arith.constant 0 : i32
        %dma_start3A_162 = tpu.memref_slice %arg7[%run_scoped3A_135, %dma_start3A_161] : memref<8x128xi32, #tpu.memory_space<vmem>> -> memref<1x128xi32, #tpu.memory_space<vmem>>
        %dma_start3A_163 = tpu.memref_squeeze %dma_start3A_162 : memref<1x128xi32, #tpu.memory_space<vmem>> -> memref<128xi32, #tpu.memory_space<vmem>>
        %dma_start3A_164 = arith.constant 0 : i32
        %dma_start3A_165 = arith.constant 0 : i32
        %dma_start3A_166 = tpu.memref_slice %arg10[%dma_start3A_164, %dma_start3A_165] : memref<10112x128xf32, #tpu.memory_space<vmem_shared>> -> memref<10112x128xf32, #tpu.memory_space<vmem_shared>>
        tpu.enqueue_indirect_dma source(%arg9 : memref<128x128xf32, #tpu.memory_space<vmem>>) target(%dma_start3A_166 : memref<10112x128xf32, #tpu.memory_space<vmem_shared>>) offsets(%dma_start3A_163 : memref<128xi32, #tpu.memory_space<vmem>>) semaphore(%run_scoped3A_160 : memref<!tpu.dma_semaphore, #tpu.memory_space<semaphore_mem>>) {add = true}
        %dma_wait3A_167 = arith.constant 0 : i32
        %dma_wait3A_168 = tpu.memref_slice %arg7[%run_scoped3A_135, %dma_wait3A_167] : memref<8x128xi32, #tpu.memory_space<vmem>> -> memref<1x128xi32, #tpu.memory_space<vmem>>
        %dma_wait3A_169 = tpu.memref_squeeze %dma_wait3A_168 : memref<1x128xi32, #tpu.memory_space<vmem>> -> memref<128xi32, #tpu.memory_space<vmem>>
        %dma_wait3A_170 = arith.constant 0 : i32
        %dma_wait3A_171 = arith.constant 0 : i32
        %dma_wait3A_172 = tpu.memref_slice %arg10[%dma_wait3A_170, %dma_wait3A_171] : memref<10112x128xf32, #tpu.memory_space<vmem_shared>> -> memref<10112x128xf32, #tpu.memory_space<vmem_shared>>
        tpu.wait_indirect_dma semaphore(%run_scoped3A_160 : memref<!tpu.dma_semaphore, #tpu.memory_space<semaphore_mem>>) src(%arg9 : memref<128x128xf32, #tpu.memory_space<vmem>>) dst(%dma_wait3A_172 : memref<10112x128xf32, #tpu.memory_space<vmem_shared>>)
        tpu.yield
      }) : () -> ()
      %dma_start3A_136 = arith.constant 7 : i32
      %dma_start3A_137 = arith.constant 0 : i32
      %dma_start3A_138 = tpu.memref_slice %arg6[%dma_start3A_136, %dma_start3A_137] : memref<8x128xi32, #tpu.memory_space<vmem>> -> memref<1x128xi32, #tpu.memory_space<vmem>>
      %dma_start3A_139 = tpu.memref_squeeze %dma_start3A_138 : memref<1x128xi32, #tpu.memory_space<vmem>> -> memref<128xi32, #tpu.memory_space<vmem>>
      %dma_start3A_140 = arith.constant 0 : i32
      %dma_start3A_141 = arith.constant 0 : i32
      %dma_start3A_142 = tpu.memref_slice %arg2[%dma_start3A_140, %dma_start3A_141] : memref<10000x128xf32, #tpu.memory_space<hbm>> -> memref<10000x128xf32, #tpu.memory_space<hbm>>
      tpu.enqueue_indirect_dma source(%dma_start3A_142 : memref<10000x128xf32, #tpu.memory_space<hbm>>) target(%arg9 : memref<128x128xf32, #tpu.memory_space<vmem>>) offsets(%dma_start3A_139 : memref<128xi32, #tpu.memory_space<vmem>>) semaphore(%arg12 : memref<!tpu.dma_semaphore, #tpu.memory_space<semaphore_mem>>)
      %dma_wait3A_143 = arith.constant 6 : i32
      %dma_wait3A_144 = arith.constant 0 : i32
      %dma_wait3A_145 = tpu.memref_slice %arg6[%dma_wait3A_143, %dma_wait3A_144] : memref<8x128xi32, #tpu.memory_space<vmem>> -> memref<1x128xi32, #tpu.memory_space<vmem>>
      %dma_wait3A_146 = tpu.memref_squeeze %dma_wait3A_145 : memref<1x128xi32, #tpu.memory_space<vmem>> -> memref<128xi32, #tpu.memory_space<vmem>>
      %dma_wait3A_147 = arith.constant 0 : i32
      %dma_wait3A_148 = arith.constant 0 : i32
      %dma_wait3A_149 = tpu.memref_slice %arg2[%dma_wait3A_147, %dma_wait3A_148] : memref<10000x128xf32, #tpu.memory_space<hbm>> -> memref<10000x128xf32, #tpu.memory_space<hbm>>
      tpu.wait_indirect_dma semaphore(%arg11 : memref<!tpu.dma_semaphore, #tpu.memory_space<semaphore_mem>>) src(%dma_wait3A_149 : memref<10000x128xf32, #tpu.memory_space<hbm>>) dst(%arg8 : memref<128x128xf32, #tpu.memory_space<vmem>>)
      %run_scoped3A_150 = arith.constant 6 : i32
      "tpu.region"() ({
        %run_scoped3A_160 = tpu.sem_alloc : memref<!tpu.dma_semaphore, #tpu.memory_space<semaphore_mem>>
        %dma_start3A_161 = arith.constant 0 : i32
        %dma_start3A_162 = tpu.memref_slice %arg7[%run_scoped3A_150, %dma_start3A_161] : memref<8x128xi32, #tpu.memory_space<vmem>> -> memref<1x128xi32, #tpu.memory_space<vmem>>
        %dma_start3A_163 = tpu.memref_squeeze %dma_start3A_162 : memref<1x128xi32, #tpu.memory_space<vmem>> -> memref<128xi32, #tpu.memory_space<vmem>>
        %dma_start3A_164 = arith.constant 0 : i32
        %dma_start3A_165 = arith.constant 0 : i32
        %dma_start3A_166 = tpu.memref_slice %arg10[%dma_start3A_164, %dma_start3A_165] : memref<10112x128xf32, #tpu.memory_space<vmem_shared>> -> memref<10112x128xf32, #tpu.memory_space<vmem_shared>>
        tpu.enqueue_indirect_dma source(%arg8 : memref<128x128xf32, #tpu.memory_space<vmem>>) target(%dma_start3A_166 : memref<10112x128xf32, #tpu.memory_space<vmem_shared>>) offsets(%dma_start3A_163 : memref<128xi32, #tpu.memory_space<vmem>>) semaphore(%run_scoped3A_160 : memref<!tpu.dma_semaphore, #tpu.memory_space<semaphore_mem>>) {add = true}
        %dma_wait3A_167 = arith.constant 0 : i32
        %dma_wait3A_168 = tpu.memref_slice %arg7[%run_scoped3A_150, %dma_wait3A_167] : memref<8x128xi32, #tpu.memory_space<vmem>> -> memref<1x128xi32, #tpu.memory_space<vmem>>
        %dma_wait3A_169 = tpu.memref_squeeze %dma_wait3A_168 : memref<1x128xi32, #tpu.memory_space<vmem>> -> memref<128xi32, #tpu.memory_space<vmem>>
        %dma_wait3A_170 = arith.constant 0 : i32
        %dma_wait3A_171 = arith.constant 0 : i32
        %dma_wait3A_172 = tpu.memref_slice %arg10[%dma_wait3A_170, %dma_wait3A_171] : memref<10112x128xf32, #tpu.memory_space<vmem_shared>> -> memref<10112x128xf32, #tpu.memory_space<vmem_shared>>
        tpu.wait_indirect_dma semaphore(%run_scoped3A_160 : memref<!tpu.dma_semaphore, #tpu.memory_space<semaphore_mem>>) src(%arg8 : memref<128x128xf32, #tpu.memory_space<vmem>>) dst(%dma_wait3A_172 : memref<10112x128xf32, #tpu.memory_space<vmem_shared>>)
        tpu.yield
      }) : () -> ()
      %dma_wait3A_151 = arith.constant 7 : i32
      %dma_wait3A_152 = arith.constant 0 : i32
      %dma_wait3A_153 = tpu.memref_slice %arg6[%dma_wait3A_151, %dma_wait3A_152] : memref<8x128xi32, #tpu.memory_space<vmem>> -> memref<1x128xi32, #tpu.memory_space<vmem>>
      %dma_wait3A_154 = tpu.memref_squeeze %dma_wait3A_153 : memref<1x128xi32, #tpu.memory_space<vmem>> -> memref<128xi32, #tpu.memory_space<vmem>>
      %dma_wait3A_155 = arith.constant 0 : i32
      %dma_wait3A_156 = arith.constant 0 : i32
      %dma_wait3A_157 = tpu.memref_slice %arg2[%dma_wait3A_155, %dma_wait3A_156] : memref<10000x128xf32, #tpu.memory_space<hbm>> -> memref<10000x128xf32, #tpu.memory_space<hbm>>
      tpu.wait_indirect_dma semaphore(%arg12 : memref<!tpu.dma_semaphore, #tpu.memory_space<semaphore_mem>>) src(%dma_wait3A_157 : memref<10000x128xf32, #tpu.memory_space<hbm>>) dst(%arg9 : memref<128x128xf32, #tpu.memory_space<vmem>>)
      %run_scoped3A_158 = arith.constant 7 : i32
      "tpu.region"() ({
        %run_scoped3A_160 = tpu.sem_alloc : memref<!tpu.dma_semaphore, #tpu.memory_space<semaphore_mem>>
        %dma_start3A_161 = arith.constant 0 : i32
        %dma_start3A_162 = tpu.memref_slice %arg7[%run_scoped3A_158, %dma_start3A_161] : memref<8x128xi32, #tpu.memory_space<vmem>> -> memref<1x128xi32, #tpu.memory_space<vmem>>
        %dma_start3A_163 = tpu.memref_squeeze %dma_start3A_162 : memref<1x128xi32, #tpu.memory_space<vmem>> -> memref<128xi32, #tpu.memory_space<vmem>>
        %dma_start3A_164 = arith.constant 0 : i32
        %dma_start3A_165 = arith.constant 0 : i32
        %dma_start3A_166 = tpu.memref_slice %arg10[%dma_start3A_164, %dma_start3A_165] : memref<10112x128xf32, #tpu.memory_space<vmem_shared>> -> memref<10112x128xf32, #tpu.memory_space<vmem_shared>>
        tpu.enqueue_indirect_dma source(%arg9 : memref<128x128xf32, #tpu.memory_space<vmem>>) target(%dma_start3A_166 : memref<10112x128xf32, #tpu.memory_space<vmem_shared>>) offsets(%dma_start3A_163 : memref<128xi32, #tpu.memory_space<vmem>>) semaphore(%run_scoped3A_160 : memref<!tpu.dma_semaphore, #tpu.memory_space<semaphore_mem>>) {add = true}
        %dma_wait3A_167 = arith.constant 0 : i32
        %dma_wait3A_168 = tpu.memref_slice %arg7[%run_scoped3A_158, %dma_wait3A_167] : memref<8x128xi32, #tpu.memory_space<vmem>> -> memref<1x128xi32, #tpu.memory_space<vmem>>
        %dma_wait3A_169 = tpu.memref_squeeze %dma_wait3A_168 : memref<1x128xi32, #tpu.memory_space<vmem>> -> memref<128xi32, #tpu.memory_space<vmem>>
        %dma_wait3A_170 = arith.constant 0 : i32
        %dma_wait3A_171 = arith.constant 0 : i32
        %dma_wait3A_172 = tpu.memref_slice %arg10[%dma_wait3A_170, %dma_wait3A_171] : memref<10112x128xf32, #tpu.memory_space<vmem_shared>> -> memref<10112x128xf32, #tpu.memory_space<vmem_shared>>
        tpu.wait_indirect_dma semaphore(%run_scoped3A_160 : memref<!tpu.dma_semaphore, #tpu.memory_space<semaphore_mem>>) src(%arg9 : memref<128x128xf32, #tpu.memory_space<vmem>>) dst(%dma_wait3A_172 : memref<10112x128xf32, #tpu.memory_space<vmem_shared>>)
        tpu.yield
      }) : () -> ()
      %scan3A_159 = arith.constant 0 : i32
      scf.yield %scan3A_159 : i32
    }
    %scan3A_30 = arith.constant 9 : i32
    %barrier3A_31 = arith.constant 0 : index
    tpu.barrier barrier_id(%barrier3A_31)
    %mul3A_32 = arith.constant 632 : i32
    %mul3A_33 = arith.muli %arg1, %mul3A_32 : i32
    %mul3A_34 = arith.constant 632 : i32
    %mul3A_35 = arith.muli %arg1, %mul3A_34 : i32
    "tpu.region"() ({
      %run_scoped3A = tpu.sem_alloc : memref<!tpu.dma_semaphore, #tpu.memory_space<semaphore_mem>>
      %dma_start3A = arith.constant 0 : i32
      %dma_start3A_36 = tpu.memref_slice %arg5[%arg0, %mul3A_35, %dma_start3A] : memref<2x10112x128xf32, #tpu.memory_space<hbm>> -> memref<1x632x128xf32, #tpu.memory_space<hbm>>
      %dma_start3A_37 = tpu.memref_squeeze %dma_start3A_36 : memref<1x632x128xf32, #tpu.memory_space<hbm>> -> memref<632x128xf32, #tpu.memory_space<hbm>>
      %dma_start3A_38 = arith.constant 0 : i32
      %dma_start3A_39 = tpu.memref_slice %arg10[%mul3A_33, %dma_start3A_38] : memref<10112x128xf32, #tpu.memory_space<vmem_shared>> -> memref<632x128xf32, #tpu.memory_space<vmem_shared>>
      tpu.enqueue_dma source(%dma_start3A_39 : memref<632x128xf32, #tpu.memory_space<vmem_shared>>) target(%dma_start3A_37 : memref<632x128xf32, #tpu.memory_space<hbm>>) target_semaphore(%run_scoped3A : memref<!tpu.dma_semaphore, #tpu.memory_space<semaphore_mem>>)
      %dma_wait3A = arith.constant 0 : i32
      %dma_wait3A_40 = tpu.memref_slice %arg5[%arg0, %mul3A_35, %dma_wait3A] : memref<2x10112x128xf32, #tpu.memory_space<hbm>> -> memref<1x632x128xf32, #tpu.memory_space<hbm>>
      %dma_wait3A_41 = tpu.memref_squeeze %dma_wait3A_40 : memref<1x632x128xf32, #tpu.memory_space<hbm>> -> memref<632x128xf32, #tpu.memory_space<hbm>>
      %dma_wait3A_42 = arith.constant 0 : i32
      %dma_wait3A_43 = tpu.memref_slice %arg10[%mul3A_33, %dma_wait3A_42] : memref<10112x128xf32, #tpu.memory_space<vmem_shared>> -> memref<632x128xf32, #tpu.memory_space<vmem_shared>>
      tpu.wait_dma2 semaphore(%run_scoped3A : memref<!tpu.dma_semaphore, #tpu.memory_space<semaphore_mem>>) src(%dma_wait3A_43 : memref<632x128xf32, #tpu.memory_space<vmem_shared>>) dst(%dma_wait3A_41 : memref<632x128xf32, #tpu.memory_space<hbm>>)
      tpu.yield
    }) : () -> ()
    return
  }
}

module attributes {stable_mosaic.version = 14 : i64} {
  func.func @_tc2_body(%arg0: i32, %arg1: memref<2x1000x128xf32, #tpu.memory_space<vmem>>, %arg2: memref<1000x128xf32, #tpu.memory_space<vmem>>, %arg3: memref<2x1000x16xf32, #tpu.memory_space<vmem>>, %arg4: memref<1x128xf32, #tpu.memory_space<vmem>>, %arg5: memref<1x128xf32, #tpu.memory_space<vmem>>, %arg6: memref<1x128xf32, #tpu.memory_space<vmem>>, %arg7: memref<128x128xf32, #tpu.memory_space<vmem>>, %arg8: memref<1000x128xf32, #tpu.memory_space<vmem>>) attributes {dimension_semantics = [#tpu.dimension_semantics<arbitrary>], iteration_bounds = array<i64: 10>, scalar_prefetch = 0 : i64, scratch_operands = 0 : i64, tpu.core_type = #tpu.core_type<tc>, window_params = [{transform_indices = @transform_0, window_bounds = array<i64: 2, 1000, 128>}, {transform_indices = @transform_1, window_bounds = array<i64: 1000, 128>}, {transform_indices = @transform_2, window_bounds = array<i64: 2, 1000, 16>}, {pipeline_mode = #tpu.pipeline_mode<synchronous>, transform_indices = @transform_3, window_bounds = array<i64: 1, 128>}, {pipeline_mode = #tpu.pipeline_mode<synchronous>, transform_indices = @transform_4, window_bounds = array<i64: 1, 128>}, {pipeline_mode = #tpu.pipeline_mode<synchronous>, transform_indices = @transform_5, window_bounds = array<i64: 1, 128>}, {pipeline_mode = #tpu.pipeline_mode<synchronous>, transform_indices = @transform_6, window_bounds = array<i64: 128, 128>}, {transform_indices = @transform_7, window_bounds = array<i64: 1000, 128>}]} {
    %get3A = arith.constant 0 : index
    %get3A_0 = arith.constant 0 : index
    %get3A_1 = arith.constant 0 : index
    %get3A_2 = vector.load %arg3[%get3A, %get3A_0, %get3A_1] : memref<2x1000x16xf32, #tpu.memory_space<vmem>>, vector<1x1000x1xf32>
    %get3A_3 = vector.shape_cast %get3A_2 : vector<1x1000x1xf32> to vector<1000x1xf32>
    %get3A_4 = arith.constant 1 : index
    %get3A_5 = arith.constant 0 : index
    %get3A_6 = arith.constant 0 : index
    %get3A_7 = vector.load %arg3[%get3A_4, %get3A_5, %get3A_6] : memref<2x1000x16xf32, #tpu.memory_space<vmem>>, vector<1x1000x1xf32>
    %get3A_8 = vector.shape_cast %get3A_7 : vector<1x1000x1xf32> to vector<1000x1xf32>
    %add3A = arith.addf %get3A_3, %get3A_8 : vector<1000x1xf32>
    %add3A_9 = arith.constant 1.000000e+00 : f32
    %add3A_10 = vector.broadcast %add3A_9 : f32 to vector<1000x1xf32>
    %add3A_11 = arith.addf %add3A, %add3A_10 : vector<1000x1xf32>
    %rsqrt3A = math.rsqrt %add3A_11 : vector<1000x1xf32>
    %get3A_12 = arith.constant 0 : index
    %get3A_13 = arith.constant 0 : index
    %get3A_14 = arith.constant 0 : index
    %get3A_15 = vector.load %arg1[%get3A_12, %get3A_13, %get3A_14] : memref<2x1000x128xf32, #tpu.memory_space<vmem>>, vector<1x1000x128xf32>
    %get3A_16 = vector.shape_cast %get3A_15 : vector<1x1000x128xf32> to vector<1000x128xf32>
    %get3A_17 = arith.constant 1 : index
    %get3A_18 = arith.constant 0 : index
    %get3A_19 = arith.constant 0 : index
    %get3A_20 = vector.load %arg1[%get3A_17, %get3A_18, %get3A_19] : memref<2x1000x128xf32, #tpu.memory_space<vmem>>, vector<1x1000x128xf32>
    %get3A_21 = vector.shape_cast %get3A_20 : vector<1x1000x128xf32> to vector<1000x128xf32>
    %add3A_22 = arith.addf %get3A_16, %get3A_21 : vector<1000x128xf32>
    %get3A_23 = arith.constant 0 : index
    %get3A_24 = arith.constant 0 : index
    %get3A_25 = vector.load %arg2[%get3A_23, %get3A_24] : memref<1000x128xf32, #tpu.memory_space<vmem>>, vector<1000x128xf32>
    %add3A_26 = arith.addf %add3A_22, %get3A_25 : vector<1000x128xf32>
    %mul3A = vector.broadcast %rsqrt3A : vector<1000x1xf32> to vector<1000x128xf32>
    %mul3A_27 = arith.mulf %mul3A, %add3A_26 : vector<1000x128xf32>
    %get3A_28 = arith.constant 0 : index
    %get3A_29 = arith.constant 0 : index
    %get3A_30 = vector.load %arg4[%get3A_28, %get3A_29] : memref<1x128xf32, #tpu.memory_space<vmem>>, vector<1x128xf32>
    %add3A_31 = vector.broadcast %get3A_30 : vector<1x128xf32> to vector<1000x128xf32>
    %add3A_32 = arith.addf %mul3A_27, %add3A_31 : vector<1000x128xf32>
    %get3A_33 = arith.constant 0 : index
    %get3A_34 = arith.constant 0 : index
    %get3A_35 = vector.load %arg5[%get3A_33, %get3A_34] : memref<1x128xf32, #tpu.memory_space<vmem>>, vector<1x128xf32>
    %get3A_36 = arith.constant 0 : index
    %get3A_37 = arith.constant 0 : index
    %get3A_38 = vector.load %arg6[%get3A_36, %get3A_37] : memref<1x128xf32, #tpu.memory_space<vmem>>, vector<1x128xf32>
    %reduce_sum3A = arith.constant dense<0.000000e+00> : vector<1000xf32>
    %reduce_sum3A_39 = vector.multi_reduction <add>, %add3A_32, %reduce_sum3A [1] : vector<1000x128xf32> to vector<1000xf32>
    %broadcast_in_dim3A = vector.shape_cast %reduce_sum3A_39 : vector<1000xf32> to vector<1000x1xf32>
    %div3A = arith.constant 1.280000e+02 : f32
    %div3A_40 = vector.broadcast %div3A : f32 to vector<1000x1xf32>
    %div3A_41 = arith.divf %broadcast_in_dim3A, %div3A_40 : vector<1000x1xf32>
    %sub3A = vector.broadcast %div3A_41 : vector<1000x1xf32> to vector<1000x128xf32>
    %sub3A_42 = arith.subf %add3A_32, %sub3A : vector<1000x128xf32>
    %mul3A_43 = arith.mulf %sub3A_42, %sub3A_42 : vector<1000x128xf32>
    %reduce_sum3A_44 = arith.constant dense<0.000000e+00> : vector<1000xf32>
    %reduce_sum3A_45 = vector.multi_reduction <add>, %mul3A_43, %reduce_sum3A_44 [1] : vector<1000x128xf32> to vector<1000xf32>
    %broadcast_in_dim3A_46 = vector.shape_cast %reduce_sum3A_45 : vector<1000xf32> to vector<1000x1xf32>
    %div3A_47 = arith.constant 1.280000e+02 : f32
    %div3A_48 = vector.broadcast %div3A_47 : f32 to vector<1000x1xf32>
    %div3A_49 = arith.divf %broadcast_in_dim3A_46, %div3A_48 : vector<1000x1xf32>
    %add3A_50 = arith.constant 9.99999974E-6 : f32
    %add3A_51 = vector.broadcast %add3A_50 : f32 to vector<1000x1xf32>
    %add3A_52 = arith.addf %div3A_49, %add3A_51 : vector<1000x1xf32>
    %rsqrt3A_53 = math.rsqrt %add3A_52 : vector<1000x1xf32>
    %mul3A_54 = vector.broadcast %rsqrt3A_53 : vector<1000x1xf32> to vector<1000x128xf32>
    %mul3A_55 = arith.mulf %sub3A_42, %mul3A_54 : vector<1000x128xf32>
    %mul3A_56 = vector.broadcast %get3A_35 : vector<1x128xf32> to vector<1000x128xf32>
    %mul3A_57 = arith.mulf %mul3A_55, %mul3A_56 : vector<1000x128xf32>
    %add3A_58 = vector.broadcast %get3A_38 : vector<1x128xf32> to vector<1000x128xf32>
    %add3A_59 = arith.addf %mul3A_57, %add3A_58 : vector<1000x128xf32>
    %mul3A_60 = arith.constant 5.000000e-01 : f32
    %mul3A_61 = vector.broadcast %mul3A_60 : f32 to vector<1000x128xf32>
    %mul3A_62 = arith.mulf %mul3A_61, %add3A_59 : vector<1000x128xf32>
    %mul3A_63 = arith.constant 0.707106769 : f32
    %mul3A_64 = vector.broadcast %mul3A_63 : f32 to vector<1000x128xf32>
    %mul3A_65 = arith.mulf %add3A_59, %mul3A_64 : vector<1000x128xf32>
    %erf3A = math.erf %mul3A_65 : vector<1000x128xf32>
    %add3A_66 = arith.constant 1.000000e+00 : f32
    %add3A_67 = vector.broadcast %add3A_66 : f32 to vector<1000x128xf32>
    %add3A_68 = arith.addf %add3A_67, %erf3A : vector<1000x128xf32>
    %mul3A_69 = arith.mulf %mul3A_62, %add3A_68 : vector<1000x128xf32>
    %get3A_70 = arith.constant 0 : index
    %get3A_71 = arith.constant 0 : index
    %get3A_72 = vector.load %arg7[%get3A_70, %get3A_71] : memref<128x128xf32, #tpu.memory_space<vmem>>, vector<128x128xf32>
    %dot_general3A = arith.constant dense<0.000000e+00> : vector<1000x128xf32>
    %dot_general3A_73 = tpu.matmul %mul3A_69, %get3A_72, %dot_general3A {dimension_numbers = #tpu.dot_dimension_numbers<[1], [1], [0], [0], [0, 0, 1, 0], [], []>, precision = #tpu.contract_precision<fp32>, transpose_lhs_hint = false} : vector<1000x128xf32>, vector<128x128xf32>, vector<1000x128xf32> -> vector<1000x128xf32>
    %mul3A_74 = vector.broadcast %rsqrt3A : vector<1000x1xf32> to vector<1000x128xf32>
    %mul3A_75 = arith.mulf %mul3A_74, %dot_general3A_73 : vector<1000x128xf32>
    %swap3A = arith.constant 0 : index
    %swap3A_76 = arith.constant 0 : index
    %swap3A_77 = vector.load %arg8[%swap3A, %swap3A_76] : memref<1000x128xf32, #tpu.memory_space<vmem>>, vector<1000x128xf32>
    tpu.vector_store %arg8[%swap3A, %swap3A_76], %mul3A_75 {strides = array<i32>} : memref<1000x128xf32, #tpu.memory_space<vmem>>, vector<1000x128xf32>,
    return
  }
  func.func @transform_0(%arg0: i32) -> (i32, i32, i32) {
    %c0_i32 = arith.constant 0 : i32
    %c0_i32_0 = arith.constant 0 : i32
    %c0_i32_1 = arith.constant 0 : i32
    return %c0_i32, %arg0, %c0_i32_0 : i32, i32, i32
  }
  func.func @transform_1(%arg0: i32) -> (i32, i32) {
    %c0_i32 = arith.constant 0 : i32
    %c0_i32_0 = arith.constant 0 : i32
    return %arg0, %c0_i32 : i32, i32
  }
  func.func @transform_2(%arg0: i32) -> (i32, i32, i32) {
    %c0_i32 = arith.constant 0 : i32
    %c0_i32_0 = arith.constant 0 : i32
    %c0_i32_1 = arith.constant 0 : i32
    return %c0_i32, %arg0, %c0_i32_0 : i32, i32, i32
  }
  func.func @transform_3(%arg0: i32) -> (i32, i32) {
    %c0_i32 = arith.constant 0 : i32
    %c0_i32_0 = arith.constant 0 : i32
    %c0_i32_1 = arith.constant 0 : i32
    return %c0_i32, %c0_i32_0 : i32, i32
  }
  func.func @transform_4(%arg0: i32) -> (i32, i32) {
    %c0_i32 = arith.constant 0 : i32
    %c0_i32_0 = arith.constant 0 : i32
    %c0_i32_1 = arith.constant 0 : i32
    return %c0_i32, %c0_i32_0 : i32, i32
  }
  func.func @transform_5(%arg0: i32) -> (i32, i32) {
    %c0_i32 = arith.constant 0 : i32
    %c0_i32_0 = arith.constant 0 : i32
    %c0_i32_1 = arith.constant 0 : i32
    return %c0_i32, %c0_i32_0 : i32, i32
  }
  func.func @transform_6(%arg0: i32) -> (i32, i32) {
    %c0_i32 = arith.constant 0 : i32
    %c0_i32_0 = arith.constant 0 : i32
    %c0_i32_1 = arith.constant 0 : i32
    return %c0_i32, %c0_i32_0 : i32, i32
  }
  func.func @transform_7(%arg0: i32) -> (i32, i32) {
    %c0_i32 = arith.constant 0 : i32
    %c0_i32_0 = arith.constant 0 : i32
    return %arg0, %c0_i32 : i32, i32
  }
}

module attributes {stable_mosaic.version = 14 : i64} {
  func.func @_tc1_body(%arg0: i32, %arg1: memref<1000x128xf32, #tpu.memory_space<vmem>>, %arg2: memref<128x128xf32, #tpu.memory_space<vmem>>, %arg3: memref<2x1000x16xf32, #tpu.memory_space<vmem>>, %arg4: memref<1000x128xf32, #tpu.memory_space<vmem>>) attributes {dimension_semantics = [#tpu.dimension_semantics<arbitrary>], iteration_bounds = array<i64: 10>, scalar_prefetch = 0 : i64, scratch_operands = 0 : i64, tpu.core_type = #tpu.core_type<tc>, window_params = [{transform_indices = @transform_0, window_bounds = array<i64: 1000, 128>}, {pipeline_mode = #tpu.pipeline_mode<synchronous>, transform_indices = @transform_1, window_bounds = array<i64: 128, 128>}, {transform_indices = @transform_2, window_bounds = array<i64: 2, 1000, 16>}, {transform_indices = @transform_3, window_bounds = array<i64: 1000, 128>}]} {
    %get3A = arith.constant 0 : index
    %get3A_0 = arith.constant 0 : index
    %get3A_1 = arith.constant 0 : index
    %get3A_2 = vector.load %arg3[%get3A, %get3A_0, %get3A_1] : memref<2x1000x16xf32, #tpu.memory_space<vmem>>, vector<1x1000x1xf32>
    %get3A_3 = vector.shape_cast %get3A_2 : vector<1x1000x1xf32> to vector<1000x1xf32>
    %get3A_4 = arith.constant 1 : index
    %get3A_5 = arith.constant 0 : index
    %get3A_6 = arith.constant 0 : index
    %get3A_7 = vector.load %arg3[%get3A_4, %get3A_5, %get3A_6] : memref<2x1000x16xf32, #tpu.memory_space<vmem>>, vector<1x1000x1xf32>
    %get3A_8 = vector.shape_cast %get3A_7 : vector<1x1000x1xf32> to vector<1000x1xf32>
    %add3A = arith.addf %get3A_3, %get3A_8 : vector<1000x1xf32>
    %add3A_9 = arith.constant 1.000000e+00 : f32
    %add3A_10 = vector.broadcast %add3A_9 : f32 to vector<1000x1xf32>
    %add3A_11 = arith.addf %add3A, %add3A_10 : vector<1000x1xf32>
    %rsqrt3A = math.rsqrt %add3A_11 : vector<1000x1xf32>
    %get3A_12 = arith.constant 0 : index
    %get3A_13 = arith.constant 0 : index
    %get3A_14 = vector.load %arg1[%get3A_12, %get3A_13] : memref<1000x128xf32, #tpu.memory_space<vmem>>, vector<1000x128xf32>
    %get3A_15 = arith.constant 0 : index
    %get3A_16 = arith.constant 0 : index
    %get3A_17 = vector.load %arg2[%get3A_15, %get3A_16] : memref<128x128xf32, #tpu.memory_space<vmem>>, vector<128x128xf32>
    %dot_general3A = arith.constant dense<0.000000e+00> : vector<1000x128xf32>
    %dot_general3A_18 = tpu.matmul %get3A_14, %get3A_17, %dot_general3A {dimension_numbers = #tpu.dot_dimension_numbers<[1], [1], [0], [0], [0, 0, 1, 0], [], []>, precision = #tpu.contract_precision<fp32>, transpose_lhs_hint = false} : vector<1000x128xf32>, vector<128x128xf32>, vector<1000x128xf32> -> vector<1000x128xf32>
    %mul3A = vector.broadcast %rsqrt3A : vector<1000x1xf32> to vector<1000x128xf32>
    %mul3A_19 = arith.mulf %mul3A, %dot_general3A_18 : vector<1000x128xf32>
    %swap3A = arith.constant 0 : index
    %swap3A_20 = arith.constant 0 : index
    %swap3A_21 = vector.load %arg4[%swap3A, %swap3A_20] : memref<1000x128xf32, #tpu.memory_space<vmem>>, vector<1000x128xf32>
    tpu.vector_store %arg4[%swap3A, %swap3A_20], %mul3A_19 {strides = array<i32>} : memref<1000x128xf32, #tpu.memory_space<vmem>>, vector<1000x128xf32>,
    return
  }
  func.func @transform_0(%arg0: i32) -> (i32, i32) {
    %c0_i32 = arith.constant 0 : i32
    %c0_i32_0 = arith.constant 0 : i32
    return %arg0, %c0_i32 : i32, i32
  }
  func.func @transform_1(%arg0: i32) -> (i32, i32) {
    %c0_i32 = arith.constant 0 : i32
    %c0_i32_0 = arith.constant 0 : i32
    %c0_i32_1 = arith.constant 0 : i32
    return %c0_i32, %c0_i32_0 : i32, i32
  }
  func.func @transform_2(%arg0: i32) -> (i32, i32, i32) {
    %c0_i32 = arith.constant 0 : i32
    %c0_i32_0 = arith.constant 0 : i32
    %c0_i32_1 = arith.constant 0 : i32
    return %c0_i32, %arg0, %c0_i32_0 : i32, i32, i32
  }
  func.func @transform_3(%arg0: i32) -> (i32, i32) {
    %c0_i32 = arith.constant 0 : i32
    %c0_i32_0 = arith.constant 0 : i32
    return %arg0, %c0_i32 : i32, i32
  }
}

module attributes {stable_mosaic.version = 14 : i64} {
  func.func @_tc3_body(%arg0: i32, %arg1: memref<2x1000x128xf32, #tpu.memory_space<vmem>>, %arg2: memref<1000x128xf32, #tpu.memory_space<vmem>>, %arg3: memref<2x1000x16xf32, #tpu.memory_space<vmem>>, %arg4: memref<1x128xf32, #tpu.memory_space<vmem>>, %arg5: memref<1x128xf32, #tpu.memory_space<vmem>>, %arg6: memref<1x128xf32, #tpu.memory_space<vmem>>, %arg7: memref<1000x128xf32, #tpu.memory_space<vmem>>, %arg8: memref<1000x128xf32, #tpu.memory_space<vmem>>) attributes {dimension_semantics = [#tpu.dimension_semantics<arbitrary>], iteration_bounds = array<i64: 10>, scalar_prefetch = 0 : i64, scratch_operands = 0 : i64, tpu.core_type = #tpu.core_type<tc>, window_params = [{transform_indices = @transform_0, window_bounds = array<i64: 2, 1000, 128>}, {transform_indices = @transform_1, window_bounds = array<i64: 1000, 128>}, {transform_indices = @transform_2, window_bounds = array<i64: 2, 1000, 16>}, {pipeline_mode = #tpu.pipeline_mode<synchronous>, transform_indices = @transform_3, window_bounds = array<i64: 1, 128>}, {pipeline_mode = #tpu.pipeline_mode<synchronous>, transform_indices = @transform_4, window_bounds = array<i64: 1, 128>}, {pipeline_mode = #tpu.pipeline_mode<synchronous>, transform_indices = @transform_5, window_bounds = array<i64: 1, 128>}, {transform_indices = @transform_6, window_bounds = array<i64: 1000, 128>}, {transform_indices = @transform_7, window_bounds = array<i64: 1000, 128>}]} {
    %get3A = arith.constant 0 : index
    %get3A_0 = arith.constant 0 : index
    %get3A_1 = arith.constant 0 : index
    %get3A_2 = vector.load %arg3[%get3A, %get3A_0, %get3A_1] : memref<2x1000x16xf32, #tpu.memory_space<vmem>>, vector<1x1000x1xf32>
    %get3A_3 = vector.shape_cast %get3A_2 : vector<1x1000x1xf32> to vector<1000x1xf32>
    %get3A_4 = arith.constant 1 : index
    %get3A_5 = arith.constant 0 : index
    %get3A_6 = arith.constant 0 : index
    %get3A_7 = vector.load %arg3[%get3A_4, %get3A_5, %get3A_6] : memref<2x1000x16xf32, #tpu.memory_space<vmem>>, vector<1x1000x1xf32>
    %get3A_8 = vector.shape_cast %get3A_7 : vector<1x1000x1xf32> to vector<1000x1xf32>
    %add3A = arith.addf %get3A_3, %get3A_8 : vector<1000x1xf32>
    %add3A_9 = arith.constant 1.000000e+00 : f32
    %add3A_10 = vector.broadcast %add3A_9 : f32 to vector<1000x1xf32>
    %add3A_11 = arith.addf %add3A, %add3A_10 : vector<1000x1xf32>
    %rsqrt3A = math.rsqrt %add3A_11 : vector<1000x1xf32>
    %get3A_12 = arith.constant 0 : index
    %get3A_13 = arith.constant 0 : index
    %get3A_14 = arith.constant 0 : index
    %get3A_15 = vector.load %arg1[%get3A_12, %get3A_13, %get3A_14] : memref<2x1000x128xf32, #tpu.memory_space<vmem>>, vector<1x1000x128xf32>
    %get3A_16 = vector.shape_cast %get3A_15 : vector<1x1000x128xf32> to vector<1000x128xf32>
    %get3A_17 = arith.constant 1 : index
    %get3A_18 = arith.constant 0 : index
    %get3A_19 = arith.constant 0 : index
    %get3A_20 = vector.load %arg1[%get3A_17, %get3A_18, %get3A_19] : memref<2x1000x128xf32, #tpu.memory_space<vmem>>, vector<1x1000x128xf32>
    %get3A_21 = vector.shape_cast %get3A_20 : vector<1x1000x128xf32> to vector<1000x128xf32>
    %add3A_22 = arith.addf %get3A_16, %get3A_21 : vector<1000x128xf32>
    %get3A_23 = arith.constant 0 : index
    %get3A_24 = arith.constant 0 : index
    %get3A_25 = vector.load %arg2[%get3A_23, %get3A_24] : memref<1000x128xf32, #tpu.memory_space<vmem>>, vector<1000x128xf32>
    %add3A_26 = arith.addf %add3A_22, %get3A_25 : vector<1000x128xf32>
    %mul3A = vector.broadcast %rsqrt3A : vector<1000x1xf32> to vector<1000x128xf32>
    %mul3A_27 = arith.mulf %mul3A, %add3A_26 : vector<1000x128xf32>
    %get3A_28 = arith.constant 0 : index
    %get3A_29 = arith.constant 0 : index
    %get3A_30 = vector.load %arg4[%get3A_28, %get3A_29] : memref<1x128xf32, #tpu.memory_space<vmem>>, vector<1x128xf32>
    %add3A_31 = vector.broadcast %get3A_30 : vector<1x128xf32> to vector<1000x128xf32>
    %add3A_32 = arith.addf %mul3A_27, %add3A_31 : vector<1000x128xf32>
    %get3A_33 = arith.constant 0 : index
    %get3A_34 = arith.constant 0 : index
    %get3A_35 = vector.load %arg5[%get3A_33, %get3A_34] : memref<1x128xf32, #tpu.memory_space<vmem>>, vector<1x128xf32>
    %get3A_36 = arith.constant 0 : index
    %get3A_37 = arith.constant 0 : index
    %get3A_38 = vector.load %arg6[%get3A_36, %get3A_37] : memref<1x128xf32, #tpu.memory_space<vmem>>, vector<1x128xf32>
    %reduce_sum3A = arith.constant dense<0.000000e+00> : vector<1000xf32>
    %reduce_sum3A_39 = vector.multi_reduction <add>, %add3A_32, %reduce_sum3A [1] : vector<1000x128xf32> to vector<1000xf32>
    %broadcast_in_dim3A = vector.shape_cast %reduce_sum3A_39 : vector<1000xf32> to vector<1000x1xf32>
    %div3A = arith.constant 1.280000e+02 : f32
    %div3A_40 = vector.broadcast %div3A : f32 to vector<1000x1xf32>
    %div3A_41 = arith.divf %broadcast_in_dim3A, %div3A_40 : vector<1000x1xf32>
    %sub3A = vector.broadcast %div3A_41 : vector<1000x1xf32> to vector<1000x128xf32>
    %sub3A_42 = arith.subf %add3A_32, %sub3A : vector<1000x128xf32>
    %mul3A_43 = arith.mulf %sub3A_42, %sub3A_42 : vector<1000x128xf32>
    %reduce_sum3A_44 = arith.constant dense<0.000000e+00> : vector<1000xf32>
    %reduce_sum3A_45 = vector.multi_reduction <add>, %mul3A_43, %reduce_sum3A_44 [1] : vector<1000x128xf32> to vector<1000xf32>
    %broadcast_in_dim3A_46 = vector.shape_cast %reduce_sum3A_45 : vector<1000xf32> to vector<1000x1xf32>
    %div3A_47 = arith.constant 1.280000e+02 : f32
    %div3A_48 = vector.broadcast %div3A_47 : f32 to vector<1000x1xf32>
    %div3A_49 = arith.divf %broadcast_in_dim3A_46, %div3A_48 : vector<1000x1xf32>
    %add3A_50 = arith.constant 9.99999974E-6 : f32
    %add3A_51 = vector.broadcast %add3A_50 : f32 to vector<1000x1xf32>
    %add3A_52 = arith.addf %div3A_49, %add3A_51 : vector<1000x1xf32>
    %rsqrt3A_53 = math.rsqrt %add3A_52 : vector<1000x1xf32>
    %mul3A_54 = vector.broadcast %rsqrt3A_53 : vector<1000x1xf32> to vector<1000x128xf32>
    %mul3A_55 = arith.mulf %sub3A_42, %mul3A_54 : vector<1000x128xf32>
    %mul3A_56 = vector.broadcast %get3A_35 : vector<1x128xf32> to vector<1000x128xf32>
    %mul3A_57 = arith.mulf %mul3A_55, %mul3A_56 : vector<1000x128xf32>
    %add3A_58 = vector.broadcast %get3A_38 : vector<1x128xf32> to vector<1000x128xf32>
    %add3A_59 = arith.addf %mul3A_57, %add3A_58 : vector<1000x128xf32>
    %mul3A_60 = arith.constant 5.000000e-01 : f32
    %mul3A_61 = vector.broadcast %mul3A_60 : f32 to vector<1000x128xf32>
    %mul3A_62 = arith.mulf %mul3A_61, %add3A_59 : vector<1000x128xf32>
    %mul3A_63 = arith.constant 0.707106769 : f32
    %mul3A_64 = vector.broadcast %mul3A_63 : f32 to vector<1000x128xf32>
    %mul3A_65 = arith.mulf %add3A_59, %mul3A_64 : vector<1000x128xf32>
    %erf3A = math.erf %mul3A_65 : vector<1000x128xf32>
    %add3A_66 = arith.constant 1.000000e+00 : f32
    %add3A_67 = vector.broadcast %add3A_66 : f32 to vector<1000x128xf32>
    %add3A_68 = arith.addf %add3A_67, %erf3A : vector<1000x128xf32>
    %mul3A_69 = arith.mulf %mul3A_62, %add3A_68 : vector<1000x128xf32>
    %get3A_70 = arith.constant 0 : index
    %get3A_71 = arith.constant 0 : index
    %get3A_72 = vector.load %arg7[%get3A_70, %get3A_71] : memref<1000x128xf32, #tpu.memory_space<vmem>>, vector<1000x128xf32>
    %add3A_73 = arith.addf %mul3A_69, %get3A_72 : vector<1000x128xf32>
    %swap3A = arith.constant 0 : index
    %swap3A_74 = arith.constant 0 : index
    %swap3A_75 = vector.load %arg8[%swap3A, %swap3A_74] : memref<1000x128xf32, #tpu.memory_space<vmem>>, vector<1000x128xf32>
    tpu.vector_store %arg8[%swap3A, %swap3A_74], %add3A_73 {strides = array<i32>} : memref<1000x128xf32, #tpu.memory_space<vmem>>, vector<1000x128xf32>,
    return
  }
  func.func @transform_0(%arg0: i32) -> (i32, i32, i32) {
    %c0_i32 = arith.constant 0 : i32
    %c0_i32_0 = arith.constant 0 : i32
    %c0_i32_1 = arith.constant 0 : i32
    return %c0_i32, %arg0, %c0_i32_0 : i32, i32, i32
  }
  func.func @transform_1(%arg0: i32) -> (i32, i32) {
    %c0_i32 = arith.constant 0 : i32
    %c0_i32_0 = arith.constant 0 : i32
    return %arg0, %c0_i32 : i32, i32
  }
  func.func @transform_2(%arg0: i32) -> (i32, i32, i32) {
    %c0_i32 = arith.constant 0 : i32
    %c0_i32_0 = arith.constant 0 : i32
    %c0_i32_1 = arith.constant 0 : i32
    return %c0_i32, %arg0, %c0_i32_0 : i32, i32, i32
  }
  func.func @transform_3(%arg0: i32) -> (i32, i32) {
    %c0_i32 = arith.constant 0 : i32
    %c0_i32_0 = arith.constant 0 : i32
    %c0_i32_1 = arith.constant 0 : i32
    return %c0_i32, %c0_i32_0 : i32, i32
  }
  func.func @transform_4(%arg0: i32) -> (i32, i32) {
    %c0_i32 = arith.constant 0 : i32
    %c0_i32_0 = arith.constant 0 : i32
    %c0_i32_1 = arith.constant 0 : i32
    return %c0_i32, %c0_i32_0 : i32, i32
  }
  func.func @transform_5(%arg0: i32) -> (i32, i32) {
    %c0_i32 = arith.constant 0 : i32
    %c0_i32_0 = arith.constant 0 : i32
    %c0_i32_1 = arith.constant 0 : i32
    return %c0_i32, %c0_i32_0 : i32, i32
  }
  func.func @transform_6(%arg0: i32) -> (i32, i32) {
    %c0_i32 = arith.constant 0 : i32
    %c0_i32_0 = arith.constant 0 : i32
    return %arg0, %c0_i32 : i32, i32
  }
  func.func @transform_7(%arg0: i32) -> (i32, i32) {
    %c0_i32 = arith.constant 0 : i32
    %c0_i32_0 = arith.constant 0 : i32
    return %arg0, %c0_i32 : i32, i32
  }
}

</mosaic_0001>

<sc_bundles>
// kernel: kernel.11.cloned.1.call-start
scs
__scs_entry_jumppad:
0x0: {  	(pc) =	sbr.rel $0x88, $3  }
0x1: {  	(tag) =	ssettag $0x0;
	lr =	simm.s32 $0x1  }
0x2: {  	[smem:$0x3F97] =	sst lr;
	_ =	strace $0xD0000000  }
0x3: {  	_ = 	snop  }
0x4: {  	_ = 	snop  }
0x5: {  	_ = 	snop  }
0x6: {  	_ = 	snop  }
0x7: {  	_ = 	snop  }
__scs_overlays_trampoline_lowered:
0x8: {  	[smem:$0x3FA6] =	sst s0  }
0x9: {  	[smem:$0x3FA7] =	sst s1  }
0xa: {  	[smem:$0x3FA8] =	sst s2  }
0xb: {  	[smem:$0x3FA9] =	sst s3  }
0xc: {  	[smem:$0x3FAA] =	sst s4  }
0xd: {  	[smem:$0x3FAB] =	sst s5  }
0xe: {  	[smem:$0x3FAC] =	sst s6  }
0xf: {  	[smem:$0x3FAD] =	sst s7  }
0x10: {  	[smem:$0x3FAE] =	sst s8  }
0x11: {  	[smem:$0x3FAF] =	sst s9;
	s0 =	simm.s32 @!p0 $0x0  }
0x12: {  	s1 =	sld [smem:$0x3F95];
	s0 =	simm.s32 @p0 $0x1  }
0x13: {  	[smem:$0x3FB0] =	sst s0;
	s0 =	simm.s32 @!p1 $0x0  }
0x14: {  	s2 =	sld [smem:$0x3F94];
	s0 =	simm.s32 @p1 $0x1  }
0x15: {  	[smem:$0x3FB1] =	sst s0;
	s0 =	simm.s32 @!p2 $0x0  }
0x16: {  	s3 =	sld [smem:$0x3FDB];
	s0 =	simm.s32 @p2 $0x1  }
0x17: {  	s4 =	simm.s32 $0x1BF5;
	[smem:$0x3FB3] =	sst s0  }
0x18: {  	s0 =	sld [smem:$0x3F96];
	_ =	swait.ge [sflag:s4], $0x0  }
0x19: {  	s7 =	sld [smem:$0x3F97]  }
0x1a: {  	s8 =	sadd.s32 $0xFFFFE003, lr  }
0x1b: {  	s9 =	sadd.s32 $0xFFFFFEF7, lr;
	s5 =	simm.s32 $0xFFFFFFFF;
	p2 =	slt.u32 s8, $0xFFFFF086  }
0x1c: {  	p1 =	slt.u32 s9, $0xF7A;
	s5 =	simm.s32 @!p2 $0x0  }
0x1d: {  	s5 =	simm.s32 @p1 $0x1;
	p0 =	seq.s32 s7, s2  }
0x1e: {  	s7 =	smul.u32 @!p0 $0xF7A, s2;
	p2 =	seq.s32 @!p0 s5, $0x0  }
0x1f: {  	s9 =	smul.u32 $0xF7A, s1;
	s8 =	simm.s32 @!p0 $0x1BF5;
	p2 =	por !p2, p0  }
0x20: {  	[sflag:s8] =	ssyncset.s32 @!p0 $0xFFFFF086;
	s6 =	sadd.s32 @!p0 s3, s7;
	s7 =	simm.s32 @!p0 $0x108  }
0x21: {  	s3 =	sadd.s32 s3, s9;
	s6 =	sadd.s32 @!p0 $0x88, s6;
	s7 =	simm.s32 @p2 $0x1082  }
0x22: {  	[simem:s7], [sflag:s8] =	dma.local @!p0 [hbm:s6], $0xF7A  }
0x23: {  	s9 =	sor.u32 $0xD0000000, s2;
	s6 =	simm.s32 $0x108;
	_ =	swait.ge @!p0 [sflag:s8], $0x0  }
0x24: {  	s3 =	sadd.s32 $0x88, s3;
	s6 =	simm.s32 @!p1 $0x1082;
	[sflag:s4] =	ssyncset.s32 $0xFFFFF086  }
0x25: {  	[simem:s6], [sflag:s4] =	dma.local [hbm:s3], $0xF7A  }
0x26: {  	[smem:$0x3F97] =	sst s1;
	(tag) =	ssettag s2;
	_ =	strace s9  }
0x27: {  	s1 =	sld [smem:$0x3FA7]  }
0x28: {  	s2 =	sld [smem:$0x3FA8]  }
0x29: {  	s4 =	sld [smem:$0x3FAA]  }
0x2a: {  	p0 =	seq.s32 s5, $0x0;
	s5 =	sld [smem:$0x3FAB]  }
0x2b: {  	s6 =	sld [smem:$0x3FAC]  }
0x2c: {  	s7 =	sld [smem:$0x3FAD]  }
0x2d: {  	s3 =	simm.s32 $0x108;
	s8 =	sld [smem:$0x3FAE]  }
0x2e: {  	s3 =	simm.s32 @!p0 $0x1082;
	s9 =	sld [smem:$0x3FAF]  }
0x2f: {  	lr =	sadd.s32 s0, s3;
	s0 =	sld [smem:$0x3FA6]  }
0x30: {  	s3 =	sld [smem:$0x3FA9]  }
0x31: {  	[smem:$0x3FB2] =	sst s10  }
0x32: {  	s10 =	sld [smem:$0x3FB0];
	_ =	sdelay $0x3  }
0x33: {  	p0 =	seq.s32 s10, $0x1;
	s10 =	sld [smem:$0x3FB2];
	_ =	sdelay $0x3  }
0x34: {  	[smem:$0x3FB2] =	sst s10  }
0x35: {  	s10 =	sld [smem:$0x3FB1];
	_ =	sdelay $0x3  }
0x36: {  	p1 =	seq.s32 s10, $0x1;
	s10 =	sld [smem:$0x3FB2];
	_ =	sdelay $0x3  }
0x37: {  	[smem:$0x3FB2] =	sst s10  }
0x38: {  	s10 =	sld [smem:$0x3FB3]  }
0x39: {  	_ = 	snop;
	(pc) =	sbr.ind lr, $3  }
0x3a: {  	_ = 	snop  }
0x3b: {  	_ = 	snop  }
0x3c: {  	p2 =	seq.s32 s10, $0x1;
	s10 =	sld [smem:$0x3FB2]  }
0x3d: {  	_ =	shalt  }
0x3e: {  	_ =	shalt  }
0x3f: {  	_ =	shalt  }
0x40: {  	_ =	shalt  }
0x41: {  	_ =	shalt  }
0x42: {  	_ =	shalt  }
0x43: {  	_ =	shalt  }
0x44: {  	_ =	shalt  }
0x45: {  	_ =	shalt  }
0x46: {  	_ =	shalt  }
0x47: {  	_ =	shalt  }
0x48: {  	_ =	shalt  }
0x49: {  	_ =	shalt  }
0x4a: {  	_ =	shalt  }
0x4b: {  	_ =	shalt  }
0x4c: {  	_ =	shalt  }
0x4d: {  	_ =	shalt  }
0x4e: {  	_ =	shalt  }
0x4f: {  	_ =	shalt  }
0x50: {  	_ =	shalt  }
0x51: {  	_ =	shalt  }
0x52: {  	_ =	shalt  }
0x53: {  	_ =	shalt  }
0x54: {  	_ =	shalt  }
0x55: {  	_ =	shalt  }
0x56: {  	_ =	shalt  }
0x57: {  	_ =	shalt  }
0x58: {  	_ =	shalt  }
0x59: {  	_ =	shalt  }
0x5a: {  	_ =	shalt  }
0x5b: {  	_ =	shalt  }
0x5c: {  	_ =	shalt  }
0x5d: {  	_ =	shalt  }
0x5e: {  	_ =	shalt  }
0x5f: {  	_ =	shalt  }
0x60: {  	_ =	shalt  }
0x61: {  	_ =	shalt  }
0x62: {  	_ =	shalt  }
0x63: {  	_ =	shalt  }
0x64: {  	_ =	shalt  }
0x65: {  	_ =	shalt  }
0x66: {  	_ =	shalt  }
0x67: {  	_ =	shalt  }
0x68: {  	_ =	shalt  }
0x69: {  	_ =	shalt  }
0x6a: {  	_ =	shalt  }
0x6b: {  	_ =	shalt  }
0x6c: {  	_ =	shalt  }
0x6d: {  	_ =	shalt  }
0x6e: {  	_ =	shalt  }
0x6f: {  	_ =	shalt  }
0x70: {  	_ =	shalt  }
0x71: {  	_ =	shalt  }
0x72: {  	_ =	shalt  }
0x73: {  	_ =	shalt  }
0x74: {  	_ =	shalt  }
0x75: {  	_ =	shalt  }
0x76: {  	_ =	shalt  }
0x77: {  	_ =	shalt  }
0x78: {  	_ =	shalt  }
0x79: {  	_ =	shalt  }
0x7a: {  	_ =	shalt  }
0x7b: {  	_ =	shalt  }
0x7c: {  	_ =	shalt  }
0x7d: {  	_ =	shalt  }
0x7e: {  	_ =	shalt  }
0x7f: {  	_ =	shalt  }
0x80: {  	_ =	shalt  }
0x81: {  	_ =	shalt  }
0x82: {  	_ =	shalt  }
0x83: {  	_ =	shalt  }
0x84: {  	_ =	shalt  }
0x85: {  	_ =	shalt  }
0x86: {  	_ =	shalt  }
0x87: {  	_ =	shalt  }
.Lfunc_end0:
.L_simem_size_0:
called_computation.1_lowered:
.L_overlay_start_0:
0x88: {  	s2 =	sld [smem:$0x3FD9]  }
0x89: {  	s3 =	sld [smem:$0x3FFE];
	_ =	sdelay $0x1  }
0x8a: {  	s1 =	srdreg.scid  }
0x8b: {  	s0 =	sand.u32 $0x1, s1  }
0x8c: {  	s17 =	sshll.u32 s0, $0xA;
	s2 =	sadd.s32 s3, s2  }
0x8d: {  	s2 =	sadd.s32 s2, s17  }
0x8e: {  	[smem:$0x3FBE] =	sst s2  }
0x8f: {  	_ = 	snop  }
0x90: {  	s2 =	sld [smem:$0x3FD0];
	(tm) =	ssettm $0x1  }
0x91: {  	s18 =	sld [smem:$0x3FFB];
	_ =	sdelay $0x3  }
0x92: {  	_ =	strace s18  }
0x93: {  	s3 =	sld [smem:$0x3FFC];
	_ =	sdelay $0x3  }
0x94: {  	_ =	strace s3  }
0x95: {  	s3 =	sld [smem:$0x3FFD];
	_ =	sdelay $0x3  }
0x96: {  	_ =	strace s3  }
0x97: {  	_ =	strace $0x8FFFFFFF  }
0x98: {  	s19 =	sld [smem:$0x3FDB];
	_ =	sdelay $0x1  }
0x99: {  	s4 =	simm.s32 $_scs_section_size  }
0x9a: {  	s5 =	simm.s32 $_size__tile_overlayer_lowered;
	s6 =	simm.s32 $_tile_overlayer_lowered  }
0x9b: {  	s22 =	simm.s32 $0x1BFF;
	s21 =	sshll.u32 s6, $0x1;
	s3 =	sadd.s32 s4, s19  }
0x9c: {  	s7 =	simm.s32 $0x0;
	s20 =	sshll.u32 s5, $0x1;
	s5 =	sadd.s32 s21, s3  }
0x9d: {  	[timem:s7], [sflag:s22] =	dma.local [hbm:s5], s20  }
0x9e: {  	_ =	swait.ge [sflag:s22], s20  }
0x9f: {  	s4 =	ssub.s32 $0x0, s20;
	[sflag:s22] =	ssyncset.done $0x0  }
0xa0: {  	[sflag:s22] =	ssyncadd.s32 s4;
	_ =	sdelay $0x1  }
0xa1: {  	s23 =	simm.s32 $0x1B8B  }
0xa2: {  	_ =	swait.ge [sflag:s23], $0x1  }
0xa3: {  	[sflag:s23] =	ssyncset.done $0x0  }
0xa4: {  	s25 =	simm.s32 $0x1B8E;
	s24 =	sld [smem:$0x3FFE];
	[sflag:s23] =	ssyncadd.s32 $0xFFFFFFFF  }
0xa5: {  	s26 =	simm.s32 $execute0_lowered;
	[smem:$0x3FD2] =	sst s25  }
0xa6: {  	s5 =	sshll.u32 s26, $0x1;
	_ =	strace $0x80000049;
	[dreg:$0x1] =	wrdreg $0xFFFFFFFF  }
0xa7: {  	s28 =	simm.s32 $_size_execute0_lowered;
	s3 =	sadd.s32 s3, s5;
	[dreg:$0x0] =	wrdreg $0x0  }
0xa8: {  	s5 =	sshll.u32 s28, $0x1;
	[dreg:$0x2] =	wrdreg s3  }
0xa9: {  	[dreg:$0x3] =	wrdreg s5  }
0xaa: {  	[dreg:$0x4] =	wrdreg $0xC0  }
0xab: {  	_ =	task [dreg:s7], $0x5FFFF  }
0xac: {  	[dreg:$0x1] =	wrdreg $0xFFFFFFFF  }
0xad: {  	[dreg:$0x0] =	wrdreg $0x60  }
0xae: {  	[dreg:$0x2] =	wrdreg s2  }
0xaf: {  	[dreg:$0x3] =	wrdreg s24  }
0xb0: {  	[dreg:$0x4] =	wrdreg $0x88000  }
0xb1: {  	[dreg:$0x5] =	wrdreg $0x9  }
0xb2: {  	_ =	task.clear_ibuf [dreg:s7], $0x6FFFF;
	_ =	strace $0x90000049  }
0xb3: {  	s29 =	simm.s32 $0x9;
	_ =	strace $0x8000004B  }
0xb4: {  	_ =	swait.ge [sflag:s29], $0x1  }
0xb5: {  	[sflag:s29] =	ssyncadd.s32 $0xFFFFFFFF  }
0xb6: {  	_ =	strace $0x9000004B  }
0xb7: {  	_ =	sfence  }
0xb8: {  	s30 =	sld [smem:$0x0];
	_ =	sdelay $0x2  }
0xb9: {  	s31 =	sshll.u32 s1, $0xD;
	s1 =	sshrl.u32 s1, $0x2  }
0xba: {  	s3 =	sand.u32 $0x4000, s31;
	s1 =	sadd.s32 s1, s30  }
0xbb: {  	s0 =	sor.u32 s3, s0;
	s1 =	sshll.u32 s1, $0x11  }
0xbc: {  	s0 =	sor.u32 s1, s0  }
0xbd: {  	s0 =	sadd.s32 $0x8F2B, s0  }
0xbe: {  	[sflag:s0] =	ssyncadd.remote.s32 $0x1  }
0xbf: {  	_ =	sfence.sel $0xFFFF  }
0xc0: {  	[dreg:$0x0] =	wrdreg $0xFFFFFFFF;
	(pc) =	sbr.abs _section_cstart, $3  }
0xc1: {  	[dreg:$0x1] =	wrdreg $0xFFFFFFFF  }
0xc2: {  	_ =	task.clear_ibuf [dreg:s7], $0x2FFFF;
	_ =	strace $0x9FFFFFFF  }
0xc3: {  	(tm) =	ssettm $0x7FFFFFFF  }
tec
execute0_lowered:
.L_overlay_start_1:
0x0: {  	(tag) =	ssettag $0x1  }
0x1: {  	s1 =	rddreg [dreg:$0x0]  }
0x2: {  	s0 =	srdreg.scid;
	s2 =	rddreg [dreg:$0x1]  }
0x3: {  	s8 =	stileid.u32;
	s3 =	rddreg [dreg:$0x2]  }
0x4: {  	s4 =	simm.s32 $0x0;
	s13 =	simm.s32 $0x800;
	s14 =	simm.s32 $0x3  }
0x5: {  	s15 =	simm.s32 $0x400;
	s16 =	simm.s32 $0x80;
	s17 =	simm.s32 $0x4800  }
0x6: {  	s18 =	simm.s32 $0x1;
	s19 =	simm.s32 $0x100;
	s6 =	smul.u32 $0x2800, s8  }
0x7: {  	s28 =	simm.s32 $0x600;
	s29 =	simm.s32 $0x300;
	s20 =	smul.u32 $0x13C00, s8  }
0x8: {  	s30 =	simm.s32 $0x680;
	s0 =	sand.u32 $0x1, s0;
	s8 =	smul.u32 $0x4F000, s8  }
0x9: {  	s31 =	simm.s32 $0x380;
	[smem:$0x7FF] =	sst s4;
	s5 =	smul.u32 $0x28000, s0  }
0xa: {  	s7 =	smul.u32 $0x13C000, s0;
	_ =	strace $0x8000004A;
	s0 =	ssub.s32 $0x2, s0  }
0xb: {  	s22 =	sshrl.u32 s8, $0x2;
	s23 =	sshrl.u32 s0, $0x1;
	s5 =	sadd.s32 s6, s5  }
0xc: {  	s21 =	sadd.s32 s20, s7;
	s10 =	sadd.s32 s22, s3;
	s0 =	ssub.s32 s0, s23  }
0xd: {  	s20 =	simm.s32 $0x2;
	s22 =	simm.s32 $0x180;
	s23 =	simm.s32 $0x500  }
0xe: {  	s6 =	simm.s32 $0x0;
	s24 =	sadd.s32 $0x4000, s10;
	[dreg:$0x4] =	wrdreg s10  }
0xf: {  	s5 =	sshrl.u32 s5, $0x3;
	s25 =	sadd.s32 $0x8000, s10;
	[dreg:$0x5] =	wrdreg s24  }
0x10: {  	s7 =	sshrl.u32 s21, $0x3;
	s26 =	sadd.s32 $0xC000, s10;
	[dreg:$0x6] =	wrdreg s25  }
0x11: {  	s0 =	smax.u32 s0, $0x1;
	s21 =	simm.s32 $0x480;
	[dreg:$0x7] =	wrdreg s26  }
0x12: {  	s9 =	sadd.s32 s5, s2;
	s2 =	sadd.s32 s7, s2;
	[dreg:$0x9] =	wrdreg s0  }
0x13: {  	s24 =	simm.s32 $0x200;
	s25 =	simm.s32 $0x580;
	s26 =	simm.s32 $0x280  }
0x14: {  	s0 =	simm.s32 $0x780;
	s2 =	sadd.s32 $0x65A00, s2;
	s11 =	sadd.s32 $0x2A00, s9  }
0x15: {  	v0 =	vimm.f32 $0.0e+00;
	s12 =	sadd.s32 $0x5BA00, s9;
	[dreg:$0x8] =	wrdreg s2;
	s2 =	simm.s32 $0x700  }
.LBB2_1:
0x16: {  	s7 =	simm.s32 $0x0;
	s8 =	simm.s32 $0x200  }
.LBB2_2:
0x17: {  	p0 =	sne.s32 s8, $0xFE00;
	[tilespmem:s7+$0x870] =	vst v0  }
0x18: {  	[tilespmem:s7+$0x800] =	vst v0  }
0x19: {  	[tilespmem:s7+$0x810] =	vst v0  }
.Ltmp0:
0x1a: {  	[tilespmem:s7+$0x820] =	vst v0;
	(pc) =	sbr.rel @p0 .LBB2_2-.Ltmp0, $4  }
0x1b: {  	[tilespmem:s7+$0x830] =	vst v0  }
0x1c: {  	[tilespmem:s7+$0x840] =	vst v0  }
0x1d: {  	[tilespmem:s7+$0x850] =	vst v0  }
0x1e: {  	[tilespmem:s7+$0x860] =	vst v0;
	s7 =	sshra.s32 s8, $0x2;
	s8 =	sadd.s32 $0x200, s8  }
0x1f: {  	[tilespmem:s7+$0x870] =	vst v0  }
0x20: {  	[tilespmem:s7+$0x800] =	vst v0  }
0x21: {  	[tilespmem:s7+$0x810] =	vst v0  }
0x22: {  	[tilespmem:s7+$0x820] =	vst v0  }
0x23: {  	[tilespmem:s7+$0x830] =	vst v0  }
0x24: {  	[tilespmem:s7+$0x840] =	vst v0  }
0x25: {  	[tilespmem:s7+$0x850] =	vst v0  }
0x26: {  	[tilespmem:s7+$0x860] =	vst v0  }
0x27: {  	[spmem:s10] =	stream.linear.scatter [tilespmem:s13], [sflag:$0x3], $0x4000, $0x38;
	[tilespmem:$0x1C400] =	vst v63  }
0x28: {  	_ =	swait.ge [sflag:s14], $0x4000  }
0x29: {  	[sflag:s14] =	ssyncset.done $0x0  }
0x2a: {  	s5 =	rddreg [dreg:$0x5];
	[sflag:s14] =	ssyncadd.s32 $0xFFFFC000  }
0x2b: {  	[spmem:s5] =	stream.linear.scatter [tilespmem:s13], [sflag:$0x3], $0x4000, $0x38;
	[tilespmem:$0x1C400] =	vst v63  }
0x2c: {  	_ =	swait.ge [sflag:s14], $0x4000  }
0x2d: {  	[sflag:s14] =	ssyncset.done $0x0  }
0x2e: {  	s7 =	rddreg [dreg:$0x6];
	[sflag:s14] =	ssyncadd.s32 $0xFFFFC000  }
0x2f: {  	[spmem:s7] =	stream.linear.scatter [tilespmem:s13], [sflag:$0x3], $0x4000, $0x38;
	[tilespmem:$0x1C400] =	vst v63  }
0x30: {  	_ =	swait.ge [sflag:s14], $0x4000  }
0x31: {  	[sflag:s14] =	ssyncset.done $0x0  }
0x32: {  	s8 =	rddreg [dreg:$0x7];
	[sflag:s14] =	ssyncadd.s32 $0xFFFFC000  }
0x33: {  	[spmem:s8] =	stream.linear.scatter [tilespmem:s13], [sflag:$0x3], $0x4000, $0x38;
	[tilespmem:$0x1C400] =	vst v63  }
0x34: {  	_ =	swait.ge [sflag:s14], $0x4000  }
0x35: {  	[sflag:s14] =	ssyncset.done $0x0  }
0x36: {  	[sflag:s14] =	ssyncadd.s32 $0xFFFFC000  }
0x37: {  	s9 =	sadd.s32 $0x0, s12;
	[bflag:$0x0] =	sbarrier.arrive $0xFFFF  }
0x38: {  	[tilespmem:s4], [sflag:$0x3] =	stream.linear.gather [hbm4b:s9+s4], $0x400, $0x38;
	[tilespmem:$0x1C400] =	vst v63  }
0x39: {  	_ =	swait.ge [sflag:s14], $0x400  }
0x3a: {  	[sflag:s14] =	ssyncset.done $0x0  }
0x3b: {  	s10 =	sadd.s32 $0x0, s11;
	[sflag:s14] =	ssyncadd.s32 $0xFFFFFC00  }
0x3c: {  	[tilespmem:s15], [sflag:$0x3] =	stream.linear.gather [hbm4b:s10+s4], $0x400, $0x38;
	[tilespmem:$0x1C400] =	vst v63  }
0x3d: {  	_ =	swait.ge [sflag:s14], $0x400  }
0x3e: {  	[sflag:s14] =	ssyncset.done $0x0  }
0x3f: {  	[sflag:s14] =	ssyncadd.s32 $0xFFFFFC00  }
0x40: {  	[tilespmem:s13], [sflag:$0x1] =	stream.indirect.gather [hbm4b:s1+s16], $0x80, s4, s16, $0xb8;
	[tilespmem:$0x1C400] =	vst v63  }
0x41: {  	_ = 	snop  }
0x42: {  	[tilespmem:s17], [sflag:$0x2] =	stream.indirect.gather [hbm4b:s1+s16], $0x80, s16, s16, $0xb8;
	[tilespmem:$0x1C400] =	vst v63  }
0x43: {  	_ =	swait.ge [sflag:s18], $0x4000  }
0x44: {  	[sflag:s18] =	ssyncset.done $0x0  }
0x45: {  	[sflag:s18] =	ssyncadd.s32 $0xFFFFC000  }
0x46: {  	[spmem:s3] =	stream.indirect.scatter.add.f32 [tilespmem:s13], [sflag:$0x3], $0x80, s15, s16, $0xb8;
	[tilespmem:$0x1C400] =	vst v63  }
0x47: {  	_ =	swait.ge [sflag:s14], $0x4000  }
0x48: {  	[sflag:s14] =	ssyncset.done $0x0  }
0x49: {  	[sflag:s14] =	ssyncadd.s32 $0xFFFFC000  }
0x4a: {  	[tilespmem:s13], [sflag:$0x1] =	stream.indirect.gather [hbm4b:s1+s16], $0x80, s19, s16, $0xb8;
	[tilespmem:$0x1C400] =	vst v63  }
0x4b: {  	_ =	swait.ge [sflag:s20], $0x4000  }
0x4c: {  	[sflag:s20] =	ssyncset.done $0x0  }
0x4d: {  	[sflag:s20] =	ssyncadd.s32 $0xFFFFC000  }
0x4e: {  	[spmem:s3] =	stream.indirect.scatter.add.f32 [tilespmem:s17], [sflag:$0x3], $0x80, s21, s16, $0xb8;
	[tilespmem:$0x1C400] =	vst v63  }
0x4f: {  	_ =	swait.ge [sflag:s14], $0x4000  }
0x50: {  	[sflag:s14] =	ssyncset.done $0x0  }
0x51: {  	[sflag:s14] =	ssyncadd.s32 $0xFFFFC000  }
0x52: {  	[tilespmem:s17], [sflag:$0x2] =	stream.indirect.gather [hbm4b:s1+s16], $0x80, s22, s16, $0xb8;
	[tilespmem:$0x1C400] =	vst v63  }
0x53: {  	_ =	swait.ge [sflag:s18], $0x4000  }
0x54: {  	[sflag:s18] =	ssyncset.done $0x0  }
0x55: {  	[sflag:s18] =	ssyncadd.s32 $0xFFFFC000  }
0x56: {  	[spmem:s3] =	stream.indirect.scatter.add.f32 [tilespmem:s13], [sflag:$0x3], $0x80, s23, s16, $0xb8;
	[tilespmem:$0x1C400] =	vst v63  }
0x57: {  	_ =	swait.ge [sflag:s14], $0x4000  }
0x58: {  	[sflag:s14] =	ssyncset.done $0x0  }
0x59: {  	[sflag:s14] =	ssyncadd.s32 $0xFFFFC000  }
0x5a: {  	[tilespmem:s13], [sflag:$0x1] =	stream.indirect.gather [hbm4b:s1+s16], $0x80, s24, s16, $0xb8;
	[tilespmem:$0x1C400] =	vst v63  }
0x5b: {  	_ =	swait.ge [sflag:s20], $0x4000  }
0x5c: {  	[sflag:s20] =	ssyncset.done $0x0  }
0x5d: {  	[sflag:s20] =	ssyncadd.s32 $0xFFFFC000  }
0x5e: {  	[spmem:s3] =	stream.indirect.scatter.add.f32 [tilespmem:s17], [sflag:$0x3], $0x80, s25, s16, $0xb8;
	[tilespmem:$0x1C400] =	vst v63  }
0x5f: {  	_ =	swait.ge [sflag:s14], $0x4000  }
0x60: {  	[sflag:s14] =	ssyncset.done $0x0  }
0x61: {  	[sflag:s14] =	ssyncadd.s32 $0xFFFFC000  }
0x62: {  	[tilespmem:s17], [sflag:$0x2] =	stream.indirect.gather [hbm4b:s1+s16], $0x80, s26, s16, $0xb8;
	[tilespmem:$0x1C400] =	vst v63  }
0x63: {  	_ =	swait.ge [sflag:s18], $0x4000  }
0x64: {  	[sflag:s18] =	ssyncset.done $0x0  }
0x65: {  	[sflag:s18] =	ssyncadd.s32 $0xFFFFC000  }
0x66: {  	[spmem:s3] =	stream.indirect.scatter.add.f32 [tilespmem:s13], [sflag:$0x3], $0x80, s28, s16, $0xb8;
	[tilespmem:$0x1C400] =	vst v63  }
0x67: {  	_ =	swait.ge [sflag:s14], $0x4000  }
0x68: {  	[sflag:s14] =	ssyncset.done $0x0  }
0x69: {  	[sflag:s14] =	ssyncadd.s32 $0xFFFFC000  }
0x6a: {  	[tilespmem:s13], [sflag:$0x1] =	stream.indirect.gather [hbm4b:s1+s16], $0x80, s29, s16, $0xb8;
	[tilespmem:$0x1C400] =	vst v63  }
0x6b: {  	_ =	swait.ge [sflag:s20], $0x4000  }
0x6c: {  	[sflag:s20] =	ssyncset.done $0x0  }
0x6d: {  	[sflag:s20] =	ssyncadd.s32 $0xFFFFC000  }
0x6e: {  	[spmem:s3] =	stream.indirect.scatter.add.f32 [tilespmem:s17], [sflag:$0x3], $0x80, s30, s16, $0xb8;
	[tilespmem:$0x1C400] =	vst v63  }
0x6f: {  	_ =	swait.ge [sflag:s14], $0x4000  }
0x70: {  	[sflag:s14] =	ssyncset.done $0x0  }
0x71: {  	[sflag:s14] =	ssyncadd.s32 $0xFFFFC000  }
0x72: {  	[tilespmem:s17], [sflag:$0x2] =	stream.indirect.gather [hbm4b:s1+s16], $0x80, s31, s16, $0xb8;
	[tilespmem:$0x1C400] =	vst v63  }
0x73: {  	_ =	swait.ge [sflag:s18], $0x4000  }
0x74: {  	[sflag:s18] =	ssyncset.done $0x0  }
0x75: {  	[sflag:s18] =	ssyncadd.s32 $0xFFFFC000  }
0x76: {  	[spmem:s3] =	stream.indirect.scatter.add.f32 [tilespmem:s13], [sflag:$0x3], $0x80, s2, s16, $0xb8;
	[tilespmem:$0x1C400] =	vst v63  }
0x77: {  	_ =	swait.ge [sflag:s14], $0x4000  }
0x78: {  	[sflag:s14] =	ssyncset.done $0x0  }
0x79: {  	[sflag:s14] =	ssyncadd.s32 $0xFFFFC000  }
0x7a: {  	_ =	swait.ge [sflag:s20], $0x4000  }
0x7b: {  	[sflag:s20] =	ssyncset.done $0x0  }
0x7c: {  	[sflag:s20] =	ssyncadd.s32 $0xFFFFC000  }
0x7d: {  	[spmem:s3] =	stream.indirect.scatter.add.f32 [tilespmem:s17], [sflag:$0x3], $0x80, s0, s16, $0xb8;
	[tilespmem:$0x1C400] =	vst v63  }
0x7e: {  	_ =	swait.ge [sflag:s14], $0x4000  }
0x7f: {  	s7 =	simm.s32 $0x80;
	s8 =	simm.s32 $0x100;
	[sflag:s14] =	ssyncset.done $0x0  }
.LBB2_4:
0x80: {  	s10 =	sadd.s32 s7, s12  }
0x81: {  	[sflag:s14] =	ssyncadd.s32 $0xFFFFC000;
	s5 =	smov.u32 s8;
	s9 =	sadd.s32 $0x80, s8  }
0x82: {  	[tilespmem:s4], [sflag:$0x3] =	stream.linear.gather [hbm4b:s10+s4], $0x400, $0x38;
	[tilespmem:$0x1C400] =	vst v63  }
0x83: {  	p0 =	sne.s32 s8, $0x400;
	_ =	swait.ge [sflag:s14], $0x400  }
0x84: {  	[sflag:s14] =	ssyncset.done $0x0  }
0x85: {  	s8 =	sadd.s32 s7, s11;
	s7 =	smov.u32 s5;
	[sflag:s14] =	ssyncadd.s32 $0xFFFFFC00  }
0x86: {  	[tilespmem:s15], [sflag:$0x3] =	stream.linear.gather [hbm4b:s8+s4], $0x400, $0x38;
	[tilespmem:$0x1C400] =	vst v63  }
0x87: {  	_ =	swait.ge [sflag:s14], $0x400  }
0x88: {  	[sflag:s14] =	ssyncset.done $0x0  }
0x89: {  	[sflag:s14] =	ssyncadd.s32 $0xFFFFFC00  }
0x8a: {  	[tilespmem:s13], [sflag:$0x1] =	stream.indirect.gather [hbm4b:s1+s16], $0x80, s4, s16, $0xb8;
	[tilespmem:$0x1C400] =	vst v63  }
0x8b: {  	_ = 	snop  }
0x8c: {  	[tilespmem:s17], [sflag:$0x2] =	stream.indirect.gather [hbm4b:s1+s16], $0x80, s16, s16, $0xb8;
	[tilespmem:$0x1C400] =	vst v63  }
0x8d: {  	_ =	swait.ge [sflag:s18], $0x4000  }
0x8e: {  	[sflag:s18] =	ssyncset.done $0x0  }
0x8f: {  	[sflag:s18] =	ssyncadd.s32 $0xFFFFC000  }
0x90: {  	[spmem:s3] =	stream.indirect.scatter.add.f32 [tilespmem:s13], [sflag:$0x3], $0x80, s15, s16, $0xb8;
	[tilespmem:$0x1C400] =	vst v63  }
0x91: {  	_ =	swait.ge [sflag:s14], $0x4000  }
0x92: {  	[sflag:s14] =	ssyncset.done $0x0  }
0x93: {  	[sflag:s14] =	ssyncadd.s32 $0xFFFFC000  }
0x94: {  	[tilespmem:s13], [sflag:$0x1] =	stream.indirect.gather [hbm4b:s1+s16], $0x80, s19, s16, $0xb8;
	[tilespmem:$0x1C400] =	vst v63  }
0x95: {  	_ =	swait.ge [sflag:s20], $0x4000  }
0x96: {  	[sflag:s20] =	ssyncset.done $0x0  }
0x97: {  	[sflag:s20] =	ssyncadd.s32 $0xFFFFC000  }
0x98: {  	[spmem:s3] =	stream.indirect.scatter.add.f32 [tilespmem:s17], [sflag:$0x3], $0x80, s21, s16, $0xb8;
	[tilespmem:$0x1C400] =	vst v63  }
0x99: {  	_ =	swait.ge [sflag:s14], $0x4000  }
0x9a: {  	[sflag:s14] =	ssyncset.done $0x0  }
0x9b: {  	[sflag:s14] =	ssyncadd.s32 $0xFFFFC000  }
0x9c: {  	[tilespmem:s17], [sflag:$0x2] =	stream.indirect.gather [hbm4b:s1+s16], $0x80, s22, s16, $0xb8;
	[tilespmem:$0x1C400] =	vst v63  }
0x9d: {  	_ =	swait.ge [sflag:s18], $0x4000  }
0x9e: {  	[sflag:s18] =	ssyncset.done $0x0  }
0x9f: {  	[sflag:s18] =	ssyncadd.s32 $0xFFFFC000  }
0xa0: {  	[spmem:s3] =	stream.indirect.scatter.add.f32 [tilespmem:s13], [sflag:$0x3], $0x80, s23, s16, $0xb8;
	[tilespmem:$0x1C400] =	vst v63  }
0xa1: {  	_ =	swait.ge [sflag:s14], $0x4000  }
0xa2: {  	[sflag:s14] =	ssyncset.done $0x0  }
0xa3: {  	[sflag:s14] =	ssyncadd.s32 $0xFFFFC000  }
0xa4: {  	[tilespmem:s13], [sflag:$0x1] =	stream.indirect.gather [hbm4b:s1+s16], $0x80, s24, s16, $0xb8;
	[tilespmem:$0x1C400] =	vst v63  }
0xa5: {  	_ =	swait.ge [sflag:s20], $0x4000  }
0xa6: {  	[sflag:s20] =	ssyncset.done $0x0  }
0xa7: {  	[sflag:s20] =	ssyncadd.s32 $0xFFFFC000  }
0xa8: {  	[spmem:s3] =	stream.indirect.scatter.add.f32 [tilespmem:s17], [sflag:$0x3], $0x80, s25, s16, $0xb8;
	[tilespmem:$0x1C400] =	vst v63  }
0xa9: {  	_ =	swait.ge [sflag:s14], $0x4000  }
0xaa: {  	[sflag:s14] =	ssyncset.done $0x0  }
0xab: {  	[sflag:s14] =	ssyncadd.s32 $0xFFFFC000  }
0xac: {  	[tilespmem:s17], [sflag:$0x2] =	stream.indirect.gather [hbm4b:s1+s16], $0x80, s26, s16, $0xb8;
	[tilespmem:$0x1C400] =	vst v63  }
0xad: {  	_ =	swait.ge [sflag:s18], $0x4000  }
0xae: {  	[sflag:s18] =	ssyncset.done $0x0  }
0xaf: {  	[sflag:s18] =	ssyncadd.s32 $0xFFFFC000  }
0xb0: {  	[spmem:s3] =	stream.indirect.scatter.add.f32 [tilespmem:s13], [sflag:$0x3], $0x80, s28, s16, $0xb8;
	[tilespmem:$0x1C400] =	vst v63  }
0xb1: {  	_ =	swait.ge [sflag:s14], $0x4000  }
0xb2: {  	[sflag:s14] =	ssyncset.done $0x0  }
0xb3: {  	[sflag:s14] =	ssyncadd.s32 $0xFFFFC000  }
0xb4: {  	[tilespmem:s13], [sflag:$0x1] =	stream.indirect.gather [hbm4b:s1+s16], $0x80, s29, s16, $0xb8;
	[tilespmem:$0x1C400] =	vst v63  }
0xb5: {  	_ =	swait.ge [sflag:s20], $0x4000  }
0xb6: {  	[sflag:s20] =	ssyncset.done $0x0  }
0xb7: {  	[sflag:s20] =	ssyncadd.s32 $0xFFFFC000  }
0xb8: {  	[spmem:s3] =	stream.indirect.scatter.add.f32 [tilespmem:s17], [sflag:$0x3], $0x80, s30, s16, $0xb8;
	[tilespmem:$0x1C400] =	vst v63  }
0xb9: {  	_ =	swait.ge [sflag:s14], $0x4000  }
0xba: {  	[sflag:s14] =	ssyncset.done $0x0  }
0xbb: {  	[sflag:s14] =	ssyncadd.s32 $0xFFFFC000  }
0xbc: {  	[tilespmem:s17], [sflag:$0x2] =	stream.indirect.gather [hbm4b:s1+s16], $0x80, s31, s16, $0xb8;
	[tilespmem:$0x1C400] =	vst v63  }
0xbd: {  	_ =	swait.ge [sflag:s18], $0x4000  }
0xbe: {  	[sflag:s18] =	ssyncset.done $0x0  }
0xbf: {  	[sflag:s18] =	ssyncadd.s32 $0xFFFFC000  }
0xc0: {  	[spmem:s3] =	stream.indirect.scatter.add.f32 [tilespmem:s13], [sflag:$0x3], $0x80, s2, s16, $0xb8;
	[tilespmem:$0x1C400] =	vst v63  }
0xc1: {  	_ =	swait.ge [sflag:s14], $0x4000  }
0xc2: {  	[sflag:s14] =	ssyncset.done $0x0  }
0xc3: {  	[sflag:s14] =	ssyncadd.s32 $0xFFFFC000  }
0xc4: {  	_ =	swait.ge [sflag:s20], $0x4000  }
.Ltmp1:
0xc5: {  	[sflag:s20] =	ssyncset.done $0x0;
	(pc) =	sbr.rel @p0 .LBB2_4-.Ltmp1, $4  }
0xc6: {  	[sflag:s20] =	ssyncadd.s32 $0xFFFFC000  }
0xc7: {  	[spmem:s3] =	stream.indirect.scatter.add.f32 [tilespmem:s17], [sflag:$0x3], $0x80, s0, s16, $0xb8;
	[tilespmem:$0x1C400] =	vst v63  }
0xc8: {  	_ =	swait.ge [sflag:s14], $0x4000  }
0xc9: {  	s8 =	smov.u32 s9;
	[sflag:s14] =	ssyncset.done $0x0  }
0xca: {  	s5 =	sadd.s32 s7, s12;
	[sflag:s14] =	ssyncadd.s32 $0xFFFFC000  }
0xcb: {  	[tilespmem:s4], [sflag:$0x3] =	stream.linear.gather [hbm4b:s5+s4], $0x400, $0x38;
	[tilespmem:$0x1C400] =	vst v63  }
0xcc: {  	_ =	swait.ge [sflag:s14], $0x400  }
0xcd: {  	[sflag:s14] =	ssyncset.done $0x0  }
0xce: {  	s7 =	sadd.s32 s7, s11;
	[sflag:s14] =	ssyncadd.s32 $0xFFFFFC00  }
0xcf: {  	[tilespmem:s15], [sflag:$0x3] =	stream.linear.gather [hbm4b:s7+s4], $0x400, $0x38;
	[tilespmem:$0x1C400] =	vst v63  }
0xd0: {  	_ =	swait.ge [sflag:s14], $0x400  }
0xd1: {  	[sflag:s14] =	ssyncset.done $0x0  }
0xd2: {  	[sflag:s14] =	ssyncadd.s32 $0xFFFFFC00  }
0xd3: {  	[tilespmem:s13], [sflag:$0x1] =	stream.indirect.gather [hbm4b:s1+s16], $0x80, s4, s16, $0xb8;
	[tilespmem:$0x1C400] =	vst v63  }
0xd4: {  	_ = 	snop  }
0xd5: {  	[tilespmem:s17], [sflag:$0x2] =	stream.indirect.gather [hbm4b:s1+s16], $0x80, s16, s16, $0xb8;
	[tilespmem:$0x1C400] =	vst v63  }
0xd6: {  	_ =	swait.ge [sflag:s18], $0x4000  }
0xd7: {  	[sflag:s18] =	ssyncset.done $0x0  }
0xd8: {  	[sflag:s18] =	ssyncadd.s32 $0xFFFFC000  }
0xd9: {  	[spmem:s3] =	stream.indirect.scatter.add.f32 [tilespmem:s13], [sflag:$0x3], $0x80, s15, s16, $0xb8;
	[tilespmem:$0x1C400] =	vst v63  }
0xda: {  	_ =	swait.ge [sflag:s14], $0x4000  }
0xdb: {  	[sflag:s14] =	ssyncset.done $0x0  }
0xdc: {  	[sflag:s14] =	ssyncadd.s32 $0xFFFFC000  }
0xdd: {  	[tilespmem:s13], [sflag:$0x1] =	stream.indirect.gather [hbm4b:s1+s16], $0x80, s19, s16, $0xb8;
	[tilespmem:$0x1C400] =	vst v63  }
0xde: {  	_ =	swait.ge [sflag:s20], $0x4000  }
0xdf: {  	[sflag:s20] =	ssyncset.done $0x0  }
0xe0: {  	[sflag:s20] =	ssyncadd.s32 $0xFFFFC000  }
0xe1: {  	[spmem:s3] =	stream.indirect.scatter.add.f32 [tilespmem:s17], [sflag:$0x3], $0x80, s21, s16, $0xb8;
	[tilespmem:$0x1C400] =	vst v63  }
0xe2: {  	_ =	swait.ge [sflag:s14], $0x4000  }
0xe3: {  	[sflag:s14] =	ssyncset.done $0x0  }
0xe4: {  	[sflag:s14] =	ssyncadd.s32 $0xFFFFC000  }
0xe5: {  	[tilespmem:s17], [sflag:$0x2] =	stream.indirect.gather [hbm4b:s1+s16], $0x80, s22, s16, $0xb8;
	[tilespmem:$0x1C400] =	vst v63  }
0xe6: {  	_ =	swait.ge [sflag:s18], $0x4000  }
0xe7: {  	[sflag:s18] =	ssyncset.done $0x0  }
0xe8: {  	[sflag:s18] =	ssyncadd.s32 $0xFFFFC000  }
0xe9: {  	[spmem:s3] =	stream.indirect.scatter.add.f32 [tilespmem:s13], [sflag:$0x3], $0x80, s23, s16, $0xb8;
	[tilespmem:$0x1C400] =	vst v63  }
0xea: {  	_ =	swait.ge [sflag:s14], $0x4000  }
0xeb: {  	[sflag:s14] =	ssyncset.done $0x0  }
0xec: {  	[sflag:s14] =	ssyncadd.s32 $0xFFFFC000  }
0xed: {  	[tilespmem:s13], [sflag:$0x1] =	stream.indirect.gather [hbm4b:s1+s16], $0x80, s24, s16, $0xb8;
	[tilespmem:$0x1C400] =	vst v63  }
0xee: {  	_ =	swait.ge [sflag:s20], $0x4000  }
0xef: {  	[sflag:s20] =	ssyncset.done $0x0  }
0xf0: {  	[sflag:s20] =	ssyncadd.s32 $0xFFFFC000  }
0xf1: {  	[spmem:s3] =	stream.indirect.scatter.add.f32 [tilespmem:s17], [sflag:$0x3], $0x80, s25, s16, $0xb8;
	[tilespmem:$0x1C400] =	vst v63  }
0xf2: {  	_ =	swait.ge [sflag:s14], $0x4000  }
0xf3: {  	[sflag:s14] =	ssyncset.done $0x0  }
0xf4: {  	[sflag:s14] =	ssyncadd.s32 $0xFFFFC000  }
0xf5: {  	[tilespmem:s17], [sflag:$0x2] =	stream.indirect.gather [hbm4b:s1+s16], $0x80, s26, s16, $0xb8;
	[tilespmem:$0x1C400] =	vst v63  }
0xf6: {  	_ =	swait.ge [sflag:s18], $0x4000  }
0xf7: {  	[sflag:s18] =	ssyncset.done $0x0  }
0xf8: {  	[sflag:s18] =	ssyncadd.s32 $0xFFFFC000  }
0xf9: {  	[spmem:s3] =	stream.indirect.scatter.add.f32 [tilespmem:s13], [sflag:$0x3], $0x80, s28, s16, $0xb8;
	[tilespmem:$0x1C400] =	vst v63  }
0xfa: {  	_ =	swait.ge [sflag:s14], $0x4000  }
0xfb: {  	[sflag:s14] =	ssyncset.done $0x0  }
0xfc: {  	[sflag:s14] =	ssyncadd.s32 $0xFFFFC000  }
0xfd: {  	[tilespmem:s13], [sflag:$0x1] =	stream.indirect.gather [hbm4b:s1+s16], $0x80, s29, s16, $0xb8;
	[tilespmem:$0x1C400] =	vst v63  }
0xfe: {  	_ =	swait.ge [sflag:s20], $0x4000  }
0xff: {  	[sflag:s20] =	ssyncset.done $0x0  }
0x100: {  	[sflag:s20] =	ssyncadd.s32 $0xFFFFC000  }
0x101: {  	[spmem:s3] =	stream.indirect.scatter.add.f32 [tilespmem:s17], [sflag:$0x3], $0x80, s30, s16, $0xb8;
	[tilespmem:$0x1C400] =	vst v63  }
0x102: {  	_ =	swait.ge [sflag:s14], $0x4000  }
0x103: {  	[sflag:s14] =	ssyncset.done $0x0  }
0x104: {  	[sflag:s14] =	ssyncadd.s32 $0xFFFFC000  }
0x105: {  	[tilespmem:s17], [sflag:$0x2] =	stream.indirect.gather [hbm4b:s1+s16], $0x80, s31, s16, $0xb8;
	[tilespmem:$0x1C400] =	vst v63  }
0x106: {  	_ =	swait.ge [sflag:s18], $0x4000  }
0x107: {  	[sflag:s18] =	ssyncset.done $0x0  }
0x108: {  	[sflag:s18] =	ssyncadd.s32 $0xFFFFC000  }
0x109: {  	[spmem:s3] =	stream.indirect.scatter.add.f32 [tilespmem:s13], [sflag:$0x3], $0x80, s2, s16, $0xb8;
	[tilespmem:$0x1C400] =	vst v63  }
0x10a: {  	_ =	swait.ge [sflag:s14], $0x4000  }
0x10b: {  	[sflag:s14] =	ssyncset.done $0x0  }
0x10c: {  	[sflag:s14] =	ssyncadd.s32 $0xFFFFC000  }
0x10d: {  	_ =	swait.ge [sflag:s20], $0x4000  }
0x10e: {  	[sflag:s20] =	ssyncset.done $0x0  }
0x10f: {  	[sflag:s20] =	ssyncadd.s32 $0xFFFFC000  }
0x110: {  	[spmem:s3] =	stream.indirect.scatter.add.f32 [tilespmem:s17], [sflag:$0x3], $0x80, s0, s16, $0xb8;
	[tilespmem:$0x1C400] =	vst v63  }
0x111: {  	_ =	swait.ge [sflag:s14], $0x4000  }
0x112: {  	[sflag:s14] =	ssyncset.done $0x0  }
0x113: {  	[sflag:s14] =	ssyncadd.s32 $0xFFFFC000  }
0x114: {  	s8 =	stileid.u32;
	[bflag:$0x0] =	sbarrier.arrive $0xFFFF  }
0x115: {  	s5 =	sshll.u32 s8, $0x6;
	s10 =	rddreg [dreg:$0x4]  }
0x116: {  	s5 =	sor.u32 $0x1C03, s5;
	s8 =	rddreg [dreg:$0x8];
	s9 =	sshrl.u32 s10, $0x3  }
0x117: {  	[hbm:s8], [sflag:s5] =	dma.local [spmem:s9], $0x2780  }
0x118: {  	_ =	swait.ge [sflag:s14], $0x2780  }
0x119: {  	s6 =	sadd.s32 $0x1, s6;
	s9 =	rddreg [dreg:$0x9]  }
0x11a: {  	p0 =	sne.s32 s6, s9  }
.Ltmp2:
0x11b: {  	_ = 	snop;
	(pc) =	sbr.rel @p0 .LBB2_1-.Ltmp2, $3  }
0x11c: {  	_ =	sdelay $0x1  }
0x11d: {  	[sflag:s14] =	ssyncset.done $0x0  }
0x11e: {  	[sflag:s14] =	ssyncadd.s32 $0xFFFFD880  }
0x11f: {  	_ =	sfence.sel $0x180000  }
0x120: {  	[bflag:$0x0] =	sbarrier.arrive $0xFFFF  }
0x121: {  	_ =	strace $0x9000004A  }
0x122: {  	s0 =	stileid.u32;
	[bflag:$0x2] =	sbarrier.arrive $0xFFFF  }
0x123: {  	p0 =	sne.s32 s0, $0x0;
	s0 =	rddreg [dreg:$0x3]  }
0x124: {  	s0 =	sadd.s32 @!p0 $0x100000, s0  }
0x125: {  	[sflag:s0] =	ssyncadd.tile.s32 @!p0 $0x1;
	_ =	shalt  }
.Lfunc_end2:
_tile_overlayer_lowered:
.L_overlay_start_2:
0x126: {  	(tag) =	ssettag $0x2  }
0x127: {  	s0 =	rddreg [dreg:$0x0];
	s2 =	stileid.u32  }
0x128: {  	s1 =	rddreg [dreg:$0x1];
	p0 =	sne.s32 s2, $0x0  }
0x129: {  	s3 =	rddreg [dreg:$0x2];
	[bflag:$0x3] =	sbarrier.arrive $0xFFFF;
	s2 =	simm.s32 @!p0 $0x1C03  }
0x12a: {  	[timem:s3], [sflag:s2] =	dma.local @!p0 [hbm:s0], s1  }
0x12b: {  	s0 =	simm.s32 @!p0 $0x3  }
0x12c: {  	_ =	swait.ge @!p0 [sflag:s0], s1  }
0x12d: {  	s1 =	ssub.s32 @!p0 $0x0, s1;
	[sflag:s0] =	ssyncset.done @!p0 $0x0  }
0x12e: {  	[sflag:s0] =	ssyncadd.s32 @!p0 s1  }
0x12f: {  	[bflag:$0x3] =	sbarrier.arrive $0xFFFF  }
0x130: {  	_ =	shalt  }

// kernel: kernel.14.cloned.1.call-start
scs
__scs_entry_jumppad:
0x0: {  	(pc) =	sbr.rel $0x88, $3  }
0x1: {  	(tag) =	ssettag $0x0;
	lr =	simm.s32 $0x1  }
0x2: {  	[smem:$0x3F97] =	sst lr;
	_ =	strace $0xD0000000  }
0x3: {  	_ = 	snop  }
0x4: {  	_ = 	snop  }
0x5: {  	_ = 	snop  }
0x6: {  	_ = 	snop  }
0x7: {  	_ = 	snop  }
__scs_overlays_trampoline_lowered:
0x8: {  	[smem:$0x3FA6] =	sst s0  }
0x9: {  	[smem:$0x3FA7] =	sst s1  }
0xa: {  	[smem:$0x3FA8] =	sst s2  }
0xb: {  	[smem:$0x3FA9] =	sst s3  }
0xc: {  	[smem:$0x3FAA] =	sst s4  }
0xd: {  	[smem:$0x3FAB] =	sst s5  }
0xe: {  	[smem:$0x3FAC] =	sst s6  }
0xf: {  	[smem:$0x3FAD] =	sst s7  }
0x10: {  	[smem:$0x3FAE] =	sst s8  }
0x11: {  	[smem:$0x3FAF] =	sst s9;
	s0 =	simm.s32 @!p0 $0x0  }
0x12: {  	s1 =	sld [smem:$0x3F95];
	s0 =	simm.s32 @p0 $0x1  }
0x13: {  	[smem:$0x3FB0] =	sst s0;
	s0 =	simm.s32 @!p1 $0x0  }
0x14: {  	s2 =	sld [smem:$0x3F94];
	s0 =	simm.s32 @p1 $0x1  }
0x15: {  	[smem:$0x3FB1] =	sst s0;
	s0 =	simm.s32 @!p2 $0x0  }
0x16: {  	s3 =	sld [smem:$0x3FDB];
	s0 =	simm.s32 @p2 $0x1  }
0x17: {  	s4 =	simm.s32 $0x1BF5;
	[smem:$0x3FB3] =	sst s0  }
0x18: {  	s0 =	sld [smem:$0x3F96];
	_ =	swait.ge [sflag:s4], $0x0  }
0x19: {  	s7 =	sld [smem:$0x3F97]  }
0x1a: {  	s8 =	sadd.s32 $0xFFFFE003, lr  }
0x1b: {  	s9 =	sadd.s32 $0xFFFFFEF7, lr;
	s5 =	simm.s32 $0xFFFFFFFF;
	p2 =	slt.u32 s8, $0xFFFFF086  }
0x1c: {  	p1 =	slt.u32 s9, $0xF7A;
	s5 =	simm.s32 @!p2 $0x0  }
0x1d: {  	s5 =	simm.s32 @p1 $0x1;
	p0 =	seq.s32 s7, s2  }
0x1e: {  	s7 =	smul.u32 @!p0 $0xF7A, s2;
	p2 =	seq.s32 @!p0 s5, $0x0  }
0x1f: {  	s9 =	smul.u32 $0xF7A, s1;
	s8 =	simm.s32 @!p0 $0x1BF5;
	p2 =	por !p2, p0  }
0x20: {  	[sflag:s8] =	ssyncset.s32 @!p0 $0xFFFFF086;
	s6 =	sadd.s32 @!p0 s3, s7;
	s7 =	simm.s32 @!p0 $0x108  }
0x21: {  	s3 =	sadd.s32 s3, s9;
	s6 =	sadd.s32 @!p0 $0x88, s6;
	s7 =	simm.s32 @p2 $0x1082  }
0x22: {  	[simem:s7], [sflag:s8] =	dma.local @!p0 [hbm:s6], $0xF7A  }
0x23: {  	s9 =	sor.u32 $0xD0000000, s2;
	s6 =	simm.s32 $0x108;
	_ =	swait.ge @!p0 [sflag:s8], $0x0  }
0x24: {  	s3 =	sadd.s32 $0x88, s3;
	s6 =	simm.s32 @!p1 $0x1082;
	[sflag:s4] =	ssyncset.s32 $0xFFFFF086  }
0x25: {  	[simem:s6], [sflag:s4] =	dma.local [hbm:s3], $0xF7A  }
0x26: {  	[smem:$0x3F97] =	sst s1;
	(tag) =	ssettag s2;
	_ =	strace s9  }
0x27: {  	s1 =	sld [smem:$0x3FA7]  }
0x28: {  	s2 =	sld [smem:$0x3FA8]  }
0x29: {  	s4 =	sld [smem:$0x3FAA]  }
0x2a: {  	p0 =	seq.s32 s5, $0x0;
	s5 =	sld [smem:$0x3FAB]  }
0x2b: {  	s6 =	sld [smem:$0x3FAC]  }
0x2c: {  	s7 =	sld [smem:$0x3FAD]  }
0x2d: {  	s3 =	simm.s32 $0x108;
	s8 =	sld [smem:$0x3FAE]  }
0x2e: {  	s3 =	simm.s32 @!p0 $0x1082;
	s9 =	sld [smem:$0x3FAF]  }
0x2f: {  	lr =	sadd.s32 s0, s3;
	s0 =	sld [smem:$0x3FA6]  }
0x30: {  	s3 =	sld [smem:$0x3FA9]  }
0x31: {  	[smem:$0x3FB2] =	sst s10  }
0x32: {  	s10 =	sld [smem:$0x3FB0];
	_ =	sdelay $0x3  }
0x33: {  	p0 =	seq.s32 s10, $0x1;
	s10 =	sld [smem:$0x3FB2];
	_ =	sdelay $0x3  }
0x34: {  	[smem:$0x3FB2] =	sst s10  }
0x35: {  	s10 =	sld [smem:$0x3FB1];
	_ =	sdelay $0x3  }
0x36: {  	p1 =	seq.s32 s10, $0x1;
	s10 =	sld [smem:$0x3FB2];
	_ =	sdelay $0x3  }
0x37: {  	[smem:$0x3FB2] =	sst s10  }
0x38: {  	s10 =	sld [smem:$0x3FB3]  }
0x39: {  	_ = 	snop;
	(pc) =	sbr.ind lr, $3  }
0x3a: {  	_ = 	snop  }
0x3b: {  	_ = 	snop  }
0x3c: {  	p2 =	seq.s32 s10, $0x1;
	s10 =	sld [smem:$0x3FB2]  }
0x3d: {  	_ =	shalt  }
0x3e: {  	_ =	shalt  }
0x3f: {  	_ =	shalt  }
0x40: {  	_ =	shalt  }
0x41: {  	_ =	shalt  }
0x42: {  	_ =	shalt  }
0x43: {  	_ =	shalt  }
0x44: {  	_ =	shalt  }
0x45: {  	_ =	shalt  }
0x46: {  	_ =	shalt  }
0x47: {  	_ =	shalt  }
0x48: {  	_ =	shalt  }
0x49: {  	_ =	shalt  }
0x4a: {  	_ =	shalt  }
0x4b: {  	_ =	shalt  }
0x4c: {  	_ =	shalt  }
0x4d: {  	_ =	shalt  }
0x4e: {  	_ =	shalt  }
0x4f: {  	_ =	shalt  }
0x50: {  	_ =	shalt  }
0x51: {  	_ =	shalt  }
0x52: {  	_ =	shalt  }
0x53: {  	_ =	shalt  }
0x54: {  	_ =	shalt  }
0x55: {  	_ =	shalt  }
0x56: {  	_ =	shalt  }
0x57: {  	_ =	shalt  }
0x58: {  	_ =	shalt  }
0x59: {  	_ =	shalt  }
0x5a: {  	_ =	shalt  }
0x5b: {  	_ =	shalt  }
0x5c: {  	_ =	shalt  }
0x5d: {  	_ =	shalt  }
0x5e: {  	_ =	shalt  }
0x5f: {  	_ =	shalt  }
0x60: {  	_ =	shalt  }
0x61: {  	_ =	shalt  }
0x62: {  	_ =	shalt  }
0x63: {  	_ =	shalt  }
0x64: {  	_ =	shalt  }
0x65: {  	_ =	shalt  }
0x66: {  	_ =	shalt  }
0x67: {  	_ =	shalt  }
0x68: {  	_ =	shalt  }
0x69: {  	_ =	shalt  }
0x6a: {  	_ =	shalt  }
0x6b: {  	_ =	shalt  }
0x6c: {  	_ =	shalt  }
0x6d: {  	_ =	shalt  }
0x6e: {  	_ =	shalt  }
0x6f: {  	_ =	shalt  }
0x70: {  	_ =	shalt  }
0x71: {  	_ =	shalt  }
0x72: {  	_ =	shalt  }
0x73: {  	_ =	shalt  }
0x74: {  	_ =	shalt  }
0x75: {  	_ =	shalt  }
0x76: {  	_ =	shalt  }
0x77: {  	_ =	shalt  }
0x78: {  	_ =	shalt  }
0x79: {  	_ =	shalt  }
0x7a: {  	_ =	shalt  }
0x7b: {  	_ =	shalt  }
0x7c: {  	_ =	shalt  }
0x7d: {  	_ =	shalt  }
0x7e: {  	_ =	shalt  }
0x7f: {  	_ =	shalt  }
0x80: {  	_ =	shalt  }
0x81: {  	_ =	shalt  }
0x82: {  	_ =	shalt  }
0x83: {  	_ =	shalt  }
0x84: {  	_ =	shalt  }
0x85: {  	_ =	shalt  }
0x86: {  	_ =	shalt  }
0x87: {  	_ =	shalt  }
.Lfunc_end0:
.L_simem_size_0:
called_computation.2_lowered:
.L_overlay_start_0:
0x88: {  	s2 =	sld [smem:$0x3FD9]  }
0x89: {  	s3 =	sld [smem:$0x3FFE];
	_ =	sdelay $0x1  }
0x8a: {  	s1 =	srdreg.scid  }
0x8b: {  	s0 =	sand.u32 $0x1, s1  }
0x8c: {  	s17 =	sshll.u32 s0, $0xA;
	s2 =	sadd.s32 s3, s2  }
0x8d: {  	s2 =	sadd.s32 s2, s17  }
0x8e: {  	[smem:$0x3FBE] =	sst s2  }
0x8f: {  	_ = 	snop  }
0x90: {  	s2 =	sld [smem:$0x3FD0];
	(tm) =	ssettm $0x1  }
0x91: {  	s18 =	sld [smem:$0x3FFB];
	_ =	sdelay $0x3  }
0x92: {  	_ =	strace s18  }
0x93: {  	s3 =	sld [smem:$0x3FFC];
	_ =	sdelay $0x3  }
0x94: {  	_ =	strace s3  }
0x95: {  	s3 =	sld [smem:$0x3FFD];
	_ =	sdelay $0x3  }
0x96: {  	_ =	strace s3  }
0x97: {  	_ =	strace $0x8FFFFFFF  }
0x98: {  	s19 =	sld [smem:$0x3FDB];
	_ =	sdelay $0x1  }
0x99: {  	s4 =	simm.s32 $_scs_section_size  }
0x9a: {  	s5 =	simm.s32 $_size__tile_overlayer_lowered;
	s6 =	simm.s32 $_tile_overlayer_lowered  }
0x9b: {  	s22 =	simm.s32 $0x1BFF;
	s21 =	sshll.u32 s6, $0x1;
	s3 =	sadd.s32 s4, s19  }
0x9c: {  	s7 =	simm.s32 $0x0;
	s20 =	sshll.u32 s5, $0x1;
	s5 =	sadd.s32 s21, s3  }
0x9d: {  	[timem:s7], [sflag:s22] =	dma.local [hbm:s5], s20  }
0x9e: {  	_ =	swait.ge [sflag:s22], s20  }
0x9f: {  	s4 =	ssub.s32 $0x0, s20;
	[sflag:s22] =	ssyncset.done $0x0  }
0xa0: {  	[sflag:s22] =	ssyncadd.s32 s4;
	_ =	sdelay $0x1  }
0xa1: {  	s23 =	simm.s32 $0x1B8B  }
0xa2: {  	_ =	swait.ge [sflag:s23], $0x1  }
0xa3: {  	[sflag:s23] =	ssyncset.done $0x0  }
0xa4: {  	s25 =	simm.s32 $0x1B8E;
	s24 =	sld [smem:$0x3FFE];
	[sflag:s23] =	ssyncadd.s32 $0xFFFFFFFF  }
0xa5: {  	s26 =	simm.s32 $execute0_lowered;
	[smem:$0x3FD2] =	sst s25  }
0xa6: {  	s5 =	sshll.u32 s26, $0x1;
	_ =	strace $0x8000004C;
	[dreg:$0x1] =	wrdreg $0xFFFFFFFF  }
0xa7: {  	s28 =	simm.s32 $_size_execute0_lowered;
	s3 =	sadd.s32 s3, s5;
	[dreg:$0x0] =	wrdreg $0x0  }
0xa8: {  	s5 =	sshll.u32 s28, $0x1;
	[dreg:$0x2] =	wrdreg s3  }
0xa9: {  	[dreg:$0x3] =	wrdreg s5  }
0xaa: {  	[dreg:$0x4] =	wrdreg $0xC0  }
0xab: {  	_ =	task [dreg:s7], $0x5FFFF  }
0xac: {  	[dreg:$0x1] =	wrdreg $0xFFFFFFFF  }
0xad: {  	[dreg:$0x0] =	wrdreg $0x60  }
0xae: {  	[dreg:$0x2] =	wrdreg s2  }
0xaf: {  	[dreg:$0x3] =	wrdreg s24  }
0xb0: {  	[dreg:$0x4] =	wrdreg $0x88000  }
0xb1: {  	[dreg:$0x5] =	wrdreg $0x9  }
0xb2: {  	_ =	task.clear_ibuf [dreg:s7], $0x6FFFF;
	_ =	strace $0x9000004C  }
0xb3: {  	s29 =	simm.s32 $0x9;
	_ =	strace $0x8000004E  }
0xb4: {  	_ =	swait.ge [sflag:s29], $0x1  }
0xb5: {  	[sflag:s29] =	ssyncadd.s32 $0xFFFFFFFF  }
0xb6: {  	_ =	strace $0x9000004E  }
0xb7: {  	_ =	sfence  }
0xb8: {  	s30 =	sld [smem:$0x0];
	_ =	sdelay $0x2  }
0xb9: {  	s31 =	sshll.u32 s1, $0xD;
	s1 =	sshrl.u32 s1, $0x2  }
0xba: {  	s3 =	sand.u32 $0x4000, s31;
	s1 =	sadd.s32 s1, s30  }
0xbb: {  	s0 =	sor.u32 s3, s0;
	s1 =	sshll.u32 s1, $0x11  }
0xbc: {  	s0 =	sor.u32 s1, s0  }
0xbd: {  	s0 =	sadd.s32 $0x8F2B, s0  }
0xbe: {  	[sflag:s0] =	ssyncadd.remote.s32 $0x1  }
0xbf: {  	_ =	sfence.sel $0xFFFF  }
0xc0: {  	[dreg:$0x0] =	wrdreg $0xFFFFFFFF;
	(pc) =	sbr.abs _section_cstart, $3  }
0xc1: {  	[dreg:$0x1] =	wrdreg $0xFFFFFFFF  }
0xc2: {  	_ =	task.clear_ibuf [dreg:s7], $0x2FFFF;
	_ =	strace $0x9FFFFFFF  }
0xc3: {  	(tm) =	ssettm $0x7FFFFFFF  }
tec
execute0_lowered:
.L_overlay_start_1:
0x0: {  	(tag) =	ssettag $0x1  }
0x1: {  	s1 =	rddreg [dreg:$0x0]  }
0x2: {  	s0 =	srdreg.scid;
	s2 =	rddreg [dreg:$0x1]  }
0x3: {  	s8 =	stileid.u32;
	s3 =	rddreg [dreg:$0x2]  }
0x4: {  	s4 =	simm.s32 $0x0;
	s13 =	simm.s32 $0x800;
	s14 =	simm.s32 $0x3  }
0x5: {  	s15 =	simm.s32 $0x400;
	s16 =	simm.s32 $0x80;
	s17 =	simm.s32 $0x4800  }
0x6: {  	s18 =	simm.s32 $0x1;
	s19 =	simm.s32 $0x100;
	s6 =	smul.u32 $0x2800, s8  }
0x7: {  	s28 =	simm.s32 $0x600;
	s29 =	simm.s32 $0x300;
	s20 =	smul.u32 $0x13C00, s8  }
0x8: {  	s30 =	simm.s32 $0x680;
	s0 =	sand.u32 $0x1, s0;
	s8 =	smul.u32 $0x4F000, s8  }
0x9: {  	s31 =	simm.s32 $0x380;
	[smem:$0x7FF] =	sst s4;
	s5 =	smul.u32 $0x28000, s0  }
0xa: {  	s7 =	smul.u32 $0x13C000, s0;
	_ =	strace $0x8000004D;
	s0 =	ssub.s32 $0x2, s0  }
0xb: {  	s22 =	sshrl.u32 s8, $0x2;
	s23 =	sshrl.u32 s0, $0x1;
	s5 =	sadd.s32 s6, s5  }
0xc: {  	s21 =	sadd.s32 s20, s7;
	s10 =	sadd.s32 s22, s3;
	s0 =	ssub.s32 s0, s23  }
0xd: {  	s20 =	simm.s32 $0x2;
	s22 =	simm.s32 $0x180;
	s23 =	simm.s32 $0x500  }
0xe: {  	s6 =	simm.s32 $0x0;
	s24 =	sadd.s32 $0x4000, s10;
	[dreg:$0x4] =	wrdreg s10  }
0xf: {  	s5 =	sshrl.u32 s5, $0x3;
	s25 =	sadd.s32 $0x8000, s10;
	[dreg:$0x5] =	wrdreg s24  }
0x10: {  	s7 =	sshrl.u32 s21, $0x3;
	s26 =	sadd.s32 $0xC000, s10;
	[dreg:$0x6] =	wrdreg s25  }
0x11: {  	s0 =	smax.u32 s0, $0x1;
	s21 =	simm.s32 $0x480;
	[dreg:$0x7] =	wrdreg s26  }
0x12: {  	s9 =	sadd.s32 s5, s2;
	s2 =	sadd.s32 s7, s2;
	[dreg:$0x9] =	wrdreg s0  }
0x13: {  	s24 =	simm.s32 $0x200;
	s25 =	simm.s32 $0x580;
	s26 =	simm.s32 $0x280  }
0x14: {  	s0 =	simm.s32 $0x780;
	s2 =	sadd.s32 $0x65A00, s2;
	s11 =	sadd.s32 $0x2A00, s9  }
0x15: {  	v0 =	vimm.f32 $0.0e+00;
	s12 =	sadd.s32 $0x5BA00, s9;
	[dreg:$0x8] =	wrdreg s2;
	s2 =	simm.s32 $0x700  }
.LBB2_1:
0x16: {  	s7 =	simm.s32 $0x0;
	s8 =	simm.s32 $0x200  }
.LBB2_2:
0x17: {  	p0 =	sne.s32 s8, $0xFE00;
	[tilespmem:s7+$0x870] =	vst v0  }
0x18: {  	[tilespmem:s7+$0x800] =	vst v0  }
0x19: {  	[tilespmem:s7+$0x810] =	vst v0  }
.Ltmp0:
0x1a: {  	[tilespmem:s7+$0x820] =	vst v0;
	(pc) =	sbr.rel @p0 .LBB2_2-.Ltmp0, $4  }
0x1b: {  	[tilespmem:s7+$0x830] =	vst v0  }
0x1c: {  	[tilespmem:s7+$0x840] =	vst v0  }
0x1d: {  	[tilespmem:s7+$0x850] =	vst v0  }
0x1e: {  	[tilespmem:s7+$0x860] =	vst v0;
	s7 =	sshra.s32 s8, $0x2;
	s8 =	sadd.s32 $0x200, s8  }
0x1f: {  	[tilespmem:s7+$0x870] =	vst v0  }
0x20: {  	[tilespmem:s7+$0x800] =	vst v0  }
0x21: {  	[tilespmem:s7+$0x810] =	vst v0  }
0x22: {  	[tilespmem:s7+$0x820] =	vst v0  }
0x23: {  	[tilespmem:s7+$0x830] =	vst v0  }
0x24: {  	[tilespmem:s7+$0x840] =	vst v0  }
0x25: {  	[tilespmem:s7+$0x850] =	vst v0  }
0x26: {  	[tilespmem:s7+$0x860] =	vst v0  }
0x27: {  	[spmem:s10] =	stream.linear.scatter [tilespmem:s13], [sflag:$0x3], $0x4000, $0x38;
	[tilespmem:$0x1C400] =	vst v63  }
0x28: {  	_ =	swait.ge [sflag:s14], $0x4000  }
0x29: {  	[sflag:s14] =	ssyncset.done $0x0  }
0x2a: {  	s5 =	rddreg [dreg:$0x5];
	[sflag:s14] =	ssyncadd.s32 $0xFFFFC000  }
0x2b: {  	[spmem:s5] =	stream.linear.scatter [tilespmem:s13], [sflag:$0x3], $0x4000, $0x38;
	[tilespmem:$0x1C400] =	vst v63  }
0x2c: {  	_ =	swait.ge [sflag:s14], $0x4000  }
0x2d: {  	[sflag:s14] =	ssyncset.done $0x0  }
0x2e: {  	s7 =	rddreg [dreg:$0x6];
	[sflag:s14] =	ssyncadd.s32 $0xFFFFC000  }
0x2f: {  	[spmem:s7] =	stream.linear.scatter [tilespmem:s13], [sflag:$0x3], $0x4000, $0x38;
	[tilespmem:$0x1C400] =	vst v63  }
0x30: {  	_ =	swait.ge [sflag:s14], $0x4000  }
0x31: {  	[sflag:s14] =	ssyncset.done $0x0  }
0x32: {  	s8 =	rddreg [dreg:$0x7];
	[sflag:s14] =	ssyncadd.s32 $0xFFFFC000  }
0x33: {  	[spmem:s8] =	stream.linear.scatter [tilespmem:s13], [sflag:$0x3], $0x4000, $0x38;
	[tilespmem:$0x1C400] =	vst v63  }
0x34: {  	_ =	swait.ge [sflag:s14], $0x4000  }
0x35: {  	[sflag:s14] =	ssyncset.done $0x0  }
0x36: {  	[sflag:s14] =	ssyncadd.s32 $0xFFFFC000  }
0x37: {  	s9 =	sadd.s32 $0x0, s12;
	[bflag:$0x0] =	sbarrier.arrive $0xFFFF  }
0x38: {  	[tilespmem:s4], [sflag:$0x3] =	stream.linear.gather [hbm4b:s9+s4], $0x400, $0x38;
	[tilespmem:$0x1C400] =	vst v63  }
0x39: {  	_ =	swait.ge [sflag:s14], $0x400  }
0x3a: {  	[sflag:s14] =	ssyncset.done $0x0  }
0x3b: {  	s10 =	sadd.s32 $0x0, s11;
	[sflag:s14] =	ssyncadd.s32 $0xFFFFFC00  }
0x3c: {  	[tilespmem:s15], [sflag:$0x3] =	stream.linear.gather [hbm4b:s10+s4], $0x400, $0x38;
	[tilespmem:$0x1C400] =	vst v63  }
0x3d: {  	_ =	swait.ge [sflag:s14], $0x400  }
0x3e: {  	[sflag:s14] =	ssyncset.done $0x0  }
0x3f: {  	[sflag:s14] =	ssyncadd.s32 $0xFFFFFC00  }
0x40: {  	[tilespmem:s13], [sflag:$0x1] =	stream.indirect.gather [hbm4b:s1+s16], $0x80, s4, s16, $0xb8;
	[tilespmem:$0x1C400] =	vst v63  }
0x41: {  	_ = 	snop  }
0x42: {  	[tilespmem:s17], [sflag:$0x2] =	stream.indirect.gather [hbm4b:s1+s16], $0x80, s16, s16, $0xb8;
	[tilespmem:$0x1C400] =	vst v63  }
0x43: {  	_ =	swait.ge [sflag:s18], $0x4000  }
0x44: {  	[sflag:s18] =	ssyncset.done $0x0  }
0x45: {  	[sflag:s18] =	ssyncadd.s32 $0xFFFFC000  }
0x46: {  	[spmem:s3] =	stream.indirect.scatter.add.f32 [tilespmem:s13], [sflag:$0x3], $0x80, s15, s16, $0xb8;
	[tilespmem:$0x1C400] =	vst v63  }
0x47: {  	_ =	swait.ge [sflag:s14], $0x4000  }
0x48: {  	[sflag:s14] =	ssyncset.done $0x0  }
0x49: {  	[sflag:s14] =	ssyncadd.s32 $0xFFFFC000  }
0x4a: {  	[tilespmem:s13], [sflag:$0x1] =	stream.indirect.gather [hbm4b:s1+s16], $0x80, s19, s16, $0xb8;
	[tilespmem:$0x1C400] =	vst v63  }
0x4b: {  	_ =	swait.ge [sflag:s20], $0x4000  }
0x4c: {  	[sflag:s20] =	ssyncset.done $0x0  }
0x4d: {  	[sflag:s20] =	ssyncadd.s32 $0xFFFFC000  }
0x4e: {  	[spmem:s3] =	stream.indirect.scatter.add.f32 [tilespmem:s17], [sflag:$0x3], $0x80, s21, s16, $0xb8;
	[tilespmem:$0x1C400] =	vst v63  }
0x4f: {  	_ =	swait.ge [sflag:s14], $0x4000  }
0x50: {  	[sflag:s14] =	ssyncset.done $0x0  }
0x51: {  	[sflag:s14] =	ssyncadd.s32 $0xFFFFC000  }
0x52: {  	[tilespmem:s17], [sflag:$0x2] =	stream.indirect.gather [hbm4b:s1+s16], $0x80, s22, s16, $0xb8;
	[tilespmem:$0x1C400] =	vst v63  }
0x53: {  	_ =	swait.ge [sflag:s18], $0x4000  }
0x54: {  	[sflag:s18] =	ssyncset.done $0x0  }
0x55: {  	[sflag:s18] =	ssyncadd.s32 $0xFFFFC000  }
0x56: {  	[spmem:s3] =	stream.indirect.scatter.add.f32 [tilespmem:s13], [sflag:$0x3], $0x80, s23, s16, $0xb8;
	[tilespmem:$0x1C400] =	vst v63  }
0x57: {  	_ =	swait.ge [sflag:s14], $0x4000  }
0x58: {  	[sflag:s14] =	ssyncset.done $0x0  }
0x59: {  	[sflag:s14] =	ssyncadd.s32 $0xFFFFC000  }
0x5a: {  	[tilespmem:s13], [sflag:$0x1] =	stream.indirect.gather [hbm4b:s1+s16], $0x80, s24, s16, $0xb8;
	[tilespmem:$0x1C400] =	vst v63  }
0x5b: {  	_ =	swait.ge [sflag:s20], $0x4000  }
0x5c: {  	[sflag:s20] =	ssyncset.done $0x0  }
0x5d: {  	[sflag:s20] =	ssyncadd.s32 $0xFFFFC000  }
0x5e: {  	[spmem:s3] =	stream.indirect.scatter.add.f32 [tilespmem:s17], [sflag:$0x3], $0x80, s25, s16, $0xb8;
	[tilespmem:$0x1C400] =	vst v63  }
0x5f: {  	_ =	swait.ge [sflag:s14], $0x4000  }
0x60: {  	[sflag:s14] =	ssyncset.done $0x0  }
0x61: {  	[sflag:s14] =	ssyncadd.s32 $0xFFFFC000  }
0x62: {  	[tilespmem:s17], [sflag:$0x2] =	stream.indirect.gather [hbm4b:s1+s16], $0x80, s26, s16, $0xb8;
	[tilespmem:$0x1C400] =	vst v63  }
0x63: {  	_ =	swait.ge [sflag:s18], $0x4000  }
0x64: {  	[sflag:s18] =	ssyncset.done $0x0  }
0x65: {  	[sflag:s18] =	ssyncadd.s32 $0xFFFFC000  }
0x66: {  	[spmem:s3] =	stream.indirect.scatter.add.f32 [tilespmem:s13], [sflag:$0x3], $0x80, s28, s16, $0xb8;
	[tilespmem:$0x1C400] =	vst v63  }
0x67: {  	_ =	swait.ge [sflag:s14], $0x4000  }
0x68: {  	[sflag:s14] =	ssyncset.done $0x0  }
0x69: {  	[sflag:s14] =	ssyncadd.s32 $0xFFFFC000  }
0x6a: {  	[tilespmem:s13], [sflag:$0x1] =	stream.indirect.gather [hbm4b:s1+s16], $0x80, s29, s16, $0xb8;
	[tilespmem:$0x1C400] =	vst v63  }
0x6b: {  	_ =	swait.ge [sflag:s20], $0x4000  }
0x6c: {  	[sflag:s20] =	ssyncset.done $0x0  }
0x6d: {  	[sflag:s20] =	ssyncadd.s32 $0xFFFFC000  }
0x6e: {  	[spmem:s3] =	stream.indirect.scatter.add.f32 [tilespmem:s17], [sflag:$0x3], $0x80, s30, s16, $0xb8;
	[tilespmem:$0x1C400] =	vst v63  }
0x6f: {  	_ =	swait.ge [sflag:s14], $0x4000  }
0x70: {  	[sflag:s14] =	ssyncset.done $0x0  }
0x71: {  	[sflag:s14] =	ssyncadd.s32 $0xFFFFC000  }
0x72: {  	[tilespmem:s17], [sflag:$0x2] =	stream.indirect.gather [hbm4b:s1+s16], $0x80, s31, s16, $0xb8;
	[tilespmem:$0x1C400] =	vst v63  }
0x73: {  	_ =	swait.ge [sflag:s18], $0x4000  }
0x74: {  	[sflag:s18] =	ssyncset.done $0x0  }
0x75: {  	[sflag:s18] =	ssyncadd.s32 $0xFFFFC000  }
0x76: {  	[spmem:s3] =	stream.indirect.scatter.add.f32 [tilespmem:s13], [sflag:$0x3], $0x80, s2, s16, $0xb8;
	[tilespmem:$0x1C400] =	vst v63  }
0x77: {  	_ =	swait.ge [sflag:s14], $0x4000  }
0x78: {  	[sflag:s14] =	ssyncset.done $0x0  }
0x79: {  	[sflag:s14] =	ssyncadd.s32 $0xFFFFC000  }
0x7a: {  	_ =	swait.ge [sflag:s20], $0x4000  }
0x7b: {  	[sflag:s20] =	ssyncset.done $0x0  }
0x7c: {  	[sflag:s20] =	ssyncadd.s32 $0xFFFFC000  }
0x7d: {  	[spmem:s3] =	stream.indirect.scatter.add.f32 [tilespmem:s17], [sflag:$0x3], $0x80, s0, s16, $0xb8;
	[tilespmem:$0x1C400] =	vst v63  }
0x7e: {  	_ =	swait.ge [sflag:s14], $0x4000  }
0x7f: {  	s7 =	simm.s32 $0x80;
	s8 =	simm.s32 $0x100;
	[sflag:s14] =	ssyncset.done $0x0  }
.LBB2_4:
0x80: {  	s10 =	sadd.s32 s7, s12  }
0x81: {  	[sflag:s14] =	ssyncadd.s32 $0xFFFFC000;
	s5 =	smov.u32 s8;
	s9 =	sadd.s32 $0x80, s8  }
0x82: {  	[tilespmem:s4], [sflag:$0x3] =	stream.linear.gather [hbm4b:s10+s4], $0x400, $0x38;
	[tilespmem:$0x1C400] =	vst v63  }
0x83: {  	p0 =	sne.s32 s8, $0x400;
	_ =	swait.ge [sflag:s14], $0x400  }
0x84: {  	[sflag:s14] =	ssyncset.done $0x0  }
0x85: {  	s8 =	sadd.s32 s7, s11;
	s7 =	smov.u32 s5;
	[sflag:s14] =	ssyncadd.s32 $0xFFFFFC00  }
0x86: {  	[tilespmem:s15], [sflag:$0x3] =	stream.linear.gather [hbm4b:s8+s4], $0x400, $0x38;
	[tilespmem:$0x1C400] =	vst v63  }
0x87: {  	_ =	swait.ge [sflag:s14], $0x400  }
0x88: {  	[sflag:s14] =	ssyncset.done $0x0  }
0x89: {  	[sflag:s14] =	ssyncadd.s32 $0xFFFFFC00  }
0x8a: {  	[tilespmem:s13], [sflag:$0x1] =	stream.indirect.gather [hbm4b:s1+s16], $0x80, s4, s16, $0xb8;
	[tilespmem:$0x1C400] =	vst v63  }
0x8b: {  	_ = 	snop  }
0x8c: {  	[tilespmem:s17], [sflag:$0x2] =	stream.indirect.gather [hbm4b:s1+s16], $0x80, s16, s16, $0xb8;
	[tilespmem:$0x1C400] =	vst v63  }
0x8d: {  	_ =	swait.ge [sflag:s18], $0x4000  }
0x8e: {  	[sflag:s18] =	ssyncset.done $0x0  }
0x8f: {  	[sflag:s18] =	ssyncadd.s32 $0xFFFFC000  }
0x90: {  	[spmem:s3] =	stream.indirect.scatter.add.f32 [tilespmem:s13], [sflag:$0x3], $0x80, s15, s16, $0xb8;
	[tilespmem:$0x1C400] =	vst v63  }
0x91: {  	_ =	swait.ge [sflag:s14], $0x4000  }
0x92: {  	[sflag:s14] =	ssyncset.done $0x0  }
0x93: {  	[sflag:s14] =	ssyncadd.s32 $0xFFFFC000  }
0x94: {  	[tilespmem:s13], [sflag:$0x1] =	stream.indirect.gather [hbm4b:s1+s16], $0x80, s19, s16, $0xb8;
	[tilespmem:$0x1C400] =	vst v63  }
0x95: {  	_ =	swait.ge [sflag:s20], $0x4000  }
0x96: {  	[sflag:s20] =	ssyncset.done $0x0  }
0x97: {  	[sflag:s20] =	ssyncadd.s32 $0xFFFFC000  }
0x98: {  	[spmem:s3] =	stream.indirect.scatter.add.f32 [tilespmem:s17], [sflag:$0x3], $0x80, s21, s16, $0xb8;
	[tilespmem:$0x1C400] =	vst v63  }
0x99: {  	_ =	swait.ge [sflag:s14], $0x4000  }
0x9a: {  	[sflag:s14] =	ssyncset.done $0x0  }
0x9b: {  	[sflag:s14] =	ssyncadd.s32 $0xFFFFC000  }
0x9c: {  	[tilespmem:s17], [sflag:$0x2] =	stream.indirect.gather [hbm4b:s1+s16], $0x80, s22, s16, $0xb8;
	[tilespmem:$0x1C400] =	vst v63  }
0x9d: {  	_ =	swait.ge [sflag:s18], $0x4000  }
0x9e: {  	[sflag:s18] =	ssyncset.done $0x0  }
0x9f: {  	[sflag:s18] =	ssyncadd.s32 $0xFFFFC000  }
0xa0: {  	[spmem:s3] =	stream.indirect.scatter.add.f32 [tilespmem:s13], [sflag:$0x3], $0x80, s23, s16, $0xb8;
	[tilespmem:$0x1C400] =	vst v63  }
0xa1: {  	_ =	swait.ge [sflag:s14], $0x4000  }
0xa2: {  	[sflag:s14] =	ssyncset.done $0x0  }
0xa3: {  	[sflag:s14] =	ssyncadd.s32 $0xFFFFC000  }
0xa4: {  	[tilespmem:s13], [sflag:$0x1] =	stream.indirect.gather [hbm4b:s1+s16], $0x80, s24, s16, $0xb8;
	[tilespmem:$0x1C400] =	vst v63  }
0xa5: {  	_ =	swait.ge [sflag:s20], $0x4000  }
0xa6: {  	[sflag:s20] =	ssyncset.done $0x0  }
0xa7: {  	[sflag:s20] =	ssyncadd.s32 $0xFFFFC000  }
0xa8: {  	[spmem:s3] =	stream.indirect.scatter.add.f32 [tilespmem:s17], [sflag:$0x3], $0x80, s25, s16, $0xb8;
	[tilespmem:$0x1C400] =	vst v63  }
0xa9: {  	_ =	swait.ge [sflag:s14], $0x4000  }
0xaa: {  	[sflag:s14] =	ssyncset.done $0x0  }
0xab: {  	[sflag:s14] =	ssyncadd.s32 $0xFFFFC000  }
0xac: {  	[tilespmem:s17], [sflag:$0x2] =	stream.indirect.gather [hbm4b:s1+s16], $0x80, s26, s16, $0xb8;
	[tilespmem:$0x1C400] =	vst v63  }
0xad: {  	_ =	swait.ge [sflag:s18], $0x4000  }
0xae: {  	[sflag:s18] =	ssyncset.done $0x0  }
0xaf: {  	[sflag:s18] =	ssyncadd.s32 $0xFFFFC000  }
0xb0: {  	[spmem:s3] =	stream.indirect.scatter.add.f32 [tilespmem:s13], [sflag:$0x3], $0x80, s28, s16, $0xb8;
	[tilespmem:$0x1C400] =	vst v63  }
0xb1: {  	_ =	swait.ge [sflag:s14], $0x4000  }
0xb2: {  	[sflag:s14] =	ssyncset.done $0x0  }
0xb3: {  	[sflag:s14] =	ssyncadd.s32 $0xFFFFC000  }
0xb4: {  	[tilespmem:s13], [sflag:$0x1] =	stream.indirect.gather [hbm4b:s1+s16], $0x80, s29, s16, $0xb8;
	[tilespmem:$0x1C400] =	vst v63  }
0xb5: {  	_ =	swait.ge [sflag:s20], $0x4000  }
0xb6: {  	[sflag:s20] =	ssyncset.done $0x0  }
0xb7: {  	[sflag:s20] =	ssyncadd.s32 $0xFFFFC000  }
0xb8: {  	[spmem:s3] =	stream.indirect.scatter.add.f32 [tilespmem:s17], [sflag:$0x3], $0x80, s30, s16, $0xb8;
	[tilespmem:$0x1C400] =	vst v63  }
0xb9: {  	_ =	swait.ge [sflag:s14], $0x4000  }
0xba: {  	[sflag:s14] =	ssyncset.done $0x0  }
0xbb: {  	[sflag:s14] =	ssyncadd.s32 $0xFFFFC000  }
0xbc: {  	[tilespmem:s17], [sflag:$0x2] =	stream.indirect.gather [hbm4b:s1+s16], $0x80, s31, s16, $0xb8;
	[tilespmem:$0x1C400] =	vst v63  }
0xbd: {  	_ =	swait.ge [sflag:s18], $0x4000  }
0xbe: {  	[sflag:s18] =	ssyncset.done $0x0  }
0xbf: {  	[sflag:s18] =	ssyncadd.s32 $0xFFFFC000  }
0xc0: {  	[spmem:s3] =	stream.indirect.scatter.add.f32 [tilespmem:s13], [sflag:$0x3], $0x80, s2, s16, $0xb8;
	[tilespmem:$0x1C400] =	vst v63  }
0xc1: {  	_ =	swait.ge [sflag:s14], $0x4000  }
0xc2: {  	[sflag:s14] =	ssyncset.done $0x0  }
0xc3: {  	[sflag:s14] =	ssyncadd.s32 $0xFFFFC000  }
0xc4: {  	_ =	swait.ge [sflag:s20], $0x4000  }
.Ltmp1:
0xc5: {  	[sflag:s20] =	ssyncset.done $0x0;
	(pc) =	sbr.rel @p0 .LBB2_4-.Ltmp1, $4  }
0xc6: {  	[sflag:s20] =	ssyncadd.s32 $0xFFFFC000  }
0xc7: {  	[spmem:s3] =	stream.indirect.scatter.add.f32 [tilespmem:s17], [sflag:$0x3], $0x80, s0, s16, $0xb8;
	[tilespmem:$0x1C400] =	vst v63  }
0xc8: {  	_ =	swait.ge [sflag:s14], $0x4000  }
0xc9: {  	s8 =	smov.u32 s9;
	[sflag:s14] =	ssyncset.done $0x0  }
0xca: {  	s5 =	sadd.s32 s7, s12;
	[sflag:s14] =	ssyncadd.s32 $0xFFFFC000  }
0xcb: {  	[tilespmem:s4], [sflag:$0x3] =	stream.linear.gather [hbm4b:s5+s4], $0x400, $0x38;
	[tilespmem:$0x1C400] =	vst v63  }
0xcc: {  	_ =	swait.ge [sflag:s14], $0x400  }
0xcd: {  	[sflag:s14] =	ssyncset.done $0x0  }
0xce: {  	s7 =	sadd.s32 s7, s11;
	[sflag:s14] =	ssyncadd.s32 $0xFFFFFC00  }
0xcf: {  	[tilespmem:s15], [sflag:$0x3] =	stream.linear.gather [hbm4b:s7+s4], $0x400, $0x38;
	[tilespmem:$0x1C400] =	vst v63  }
0xd0: {  	_ =	swait.ge [sflag:s14], $0x400  }
0xd1: {  	[sflag:s14] =	ssyncset.done $0x0  }
0xd2: {  	[sflag:s14] =	ssyncadd.s32 $0xFFFFFC00  }
0xd3: {  	[tilespmem:s13], [sflag:$0x1] =	stream.indirect.gather [hbm4b:s1+s16], $0x80, s4, s16, $0xb8;
	[tilespmem:$0x1C400] =	vst v63  }
0xd4: {  	_ = 	snop  }
0xd5: {  	[tilespmem:s17], [sflag:$0x2] =	stream.indirect.gather [hbm4b:s1+s16], $0x80, s16, s16, $0xb8;
	[tilespmem:$0x1C400] =	vst v63  }
0xd6: {  	_ =	swait.ge [sflag:s18], $0x4000  }
0xd7: {  	[sflag:s18] =	ssyncset.done $0x0  }
0xd8: {  	[sflag:s18] =	ssyncadd.s32 $0xFFFFC000  }
0xd9: {  	[spmem:s3] =	stream.indirect.scatter.add.f32 [tilespmem:s13], [sflag:$0x3], $0x80, s15, s16, $0xb8;
	[tilespmem:$0x1C400] =	vst v63  }
0xda: {  	_ =	swait.ge [sflag:s14], $0x4000  }
0xdb: {  	[sflag:s14] =	ssyncset.done $0x0  }
0xdc: {  	[sflag:s14] =	ssyncadd.s32 $0xFFFFC000  }
0xdd: {  	[tilespmem:s13], [sflag:$0x1] =	stream.indirect.gather [hbm4b:s1+s16], $0x80, s19, s16, $0xb8;
	[tilespmem:$0x1C400] =	vst v63  }
0xde: {  	_ =	swait.ge [sflag:s20], $0x4000  }
0xdf: {  	[sflag:s20] =	ssyncset.done $0x0  }
0xe0: {  	[sflag:s20] =	ssyncadd.s32 $0xFFFFC000  }
0xe1: {  	[spmem:s3] =	stream.indirect.scatter.add.f32 [tilespmem:s17], [sflag:$0x3], $0x80, s21, s16, $0xb8;
	[tilespmem:$0x1C400] =	vst v63  }
0xe2: {  	_ =	swait.ge [sflag:s14], $0x4000  }
0xe3: {  	[sflag:s14] =	ssyncset.done $0x0  }
0xe4: {  	[sflag:s14] =	ssyncadd.s32 $0xFFFFC000  }
0xe5: {  	[tilespmem:s17], [sflag:$0x2] =	stream.indirect.gather [hbm4b:s1+s16], $0x80, s22, s16, $0xb8;
	[tilespmem:$0x1C400] =	vst v63  }
0xe6: {  	_ =	swait.ge [sflag:s18], $0x4000  }
0xe7: {  	[sflag:s18] =	ssyncset.done $0x0  }
0xe8: {  	[sflag:s18] =	ssyncadd.s32 $0xFFFFC000  }
0xe9: {  	[spmem:s3] =	stream.indirect.scatter.add.f32 [tilespmem:s13], [sflag:$0x3], $0x80, s23, s16, $0xb8;
	[tilespmem:$0x1C400] =	vst v63  }
0xea: {  	_ =	swait.ge [sflag:s14], $0x4000  }
0xeb: {  	[sflag:s14] =	ssyncset.done $0x0  }
0xec: {  	[sflag:s14] =	ssyncadd.s32 $0xFFFFC000  }
0xed: {  	[tilespmem:s13], [sflag:$0x1] =	stream.indirect.gather [hbm4b:s1+s16], $0x80, s24, s16, $0xb8;
	[tilespmem:$0x1C400] =	vst v63  }
0xee: {  	_ =	swait.ge [sflag:s20], $0x4000  }
0xef: {  	[sflag:s20] =	ssyncset.done $0x0  }
0xf0: {  	[sflag:s20] =	ssyncadd.s32 $0xFFFFC000  }
0xf1: {  	[spmem:s3] =	stream.indirect.scatter.add.f32 [tilespmem:s17], [sflag:$0x3], $0x80, s25, s16, $0xb8;
	[tilespmem:$0x1C400] =	vst v63  }
0xf2: {  	_ =	swait.ge [sflag:s14], $0x4000  }
0xf3: {  	[sflag:s14] =	ssyncset.done $0x0  }
0xf4: {  	[sflag:s14] =	ssyncadd.s32 $0xFFFFC000  }
0xf5: {  	[tilespmem:s17], [sflag:$0x2] =	stream.indirect.gather [hbm4b:s1+s16], $0x80, s26, s16, $0xb8;
	[tilespmem:$0x1C400] =	vst v63  }
0xf6: {  	_ =	swait.ge [sflag:s18], $0x4000  }
0xf7: {  	[sflag:s18] =	ssyncset.done $0x0  }
0xf8: {  	[sflag:s18] =	ssyncadd.s32 $0xFFFFC000  }
0xf9: {  	[spmem:s3] =	stream.indirect.scatter.add.f32 [tilespmem:s13], [sflag:$0x3], $0x80, s28, s16, $0xb8;
	[tilespmem:$0x1C400] =	vst v63  }
0xfa: {  	_ =	swait.ge [sflag:s14], $0x4000  }
0xfb: {  	[sflag:s14] =	ssyncset.done $0x0  }
0xfc: {  	[sflag:s14] =	ssyncadd.s32 $0xFFFFC000  }
0xfd: {  	[tilespmem:s13], [sflag:$0x1] =	stream.indirect.gather [hbm4b:s1+s16], $0x80, s29, s16, $0xb8;
	[tilespmem:$0x1C400] =	vst v63  }
0xfe: {  	_ =	swait.ge [sflag:s20], $0x4000  }
0xff: {  	[sflag:s20] =	ssyncset.done $0x0  }
0x100: {  	[sflag:s20] =	ssyncadd.s32 $0xFFFFC000  }
0x101: {  	[spmem:s3] =	stream.indirect.scatter.add.f32 [tilespmem:s17], [sflag:$0x3], $0x80, s30, s16, $0xb8;
	[tilespmem:$0x1C400] =	vst v63  }
0x102: {  	_ =	swait.ge [sflag:s14], $0x4000  }
0x103: {  	[sflag:s14] =	ssyncset.done $0x0  }
0x104: {  	[sflag:s14] =	ssyncadd.s32 $0xFFFFC000  }
0x105: {  	[tilespmem:s17], [sflag:$0x2] =	stream.indirect.gather [hbm4b:s1+s16], $0x80, s31, s16, $0xb8;
	[tilespmem:$0x1C400] =	vst v63  }
0x106: {  	_ =	swait.ge [sflag:s18], $0x4000  }
0x107: {  	[sflag:s18] =	ssyncset.done $0x0  }
0x108: {  	[sflag:s18] =	ssyncadd.s32 $0xFFFFC000  }
0x109: {  	[spmem:s3] =	stream.indirect.scatter.add.f32 [tilespmem:s13], [sflag:$0x3], $0x80, s2, s16, $0xb8;
	[tilespmem:$0x1C400] =	vst v63  }
0x10a: {  	_ =	swait.ge [sflag:s14], $0x4000  }
0x10b: {  	[sflag:s14] =	ssyncset.done $0x0  }
0x10c: {  	[sflag:s14] =	ssyncadd.s32 $0xFFFFC000  }
0x10d: {  	_ =	swait.ge [sflag:s20], $0x4000  }
0x10e: {  	[sflag:s20] =	ssyncset.done $0x0  }
0x10f: {  	[sflag:s20] =	ssyncadd.s32 $0xFFFFC000  }
0x110: {  	[spmem:s3] =	stream.indirect.scatter.add.f32 [tilespmem:s17], [sflag:$0x3], $0x80, s0, s16, $0xb8;
	[tilespmem:$0x1C400] =	vst v63  }
0x111: {  	_ =	swait.ge [sflag:s14], $0x4000  }
0x112: {  	[sflag:s14] =	ssyncset.done $0x0  }
0x113: {  	[sflag:s14] =	ssyncadd.s32 $0xFFFFC000  }
0x114: {  	s8 =	stileid.u32;
	[bflag:$0x0] =	sbarrier.arrive $0xFFFF  }
0x115: {  	s5 =	sshll.u32 s8, $0x6;
	s10 =	rddreg [dreg:$0x4]  }
0x116: {  	s5 =	sor.u32 $0x1C03, s5;
	s8 =	rddreg [dreg:$0x8];
	s9 =	sshrl.u32 s10, $0x3  }
0x117: {  	[hbm:s8], [sflag:s5] =	dma.local [spmem:s9], $0x2780  }
0x118: {  	_ =	swait.ge [sflag:s14], $0x2780  }
0x119: {  	s6 =	sadd.s32 $0x1, s6;
	s9 =	rddreg [dreg:$0x9]  }
0x11a: {  	p0 =	sne.s32 s6, s9  }
.Ltmp2:
0x11b: {  	_ = 	snop;
	(pc) =	sbr.rel @p0 .LBB2_1-.Ltmp2, $3  }
0x11c: {  	_ =	sdelay $0x1  }
0x11d: {  	[sflag:s14] =	ssyncset.done $0x0  }
0x11e: {  	[sflag:s14] =	ssyncadd.s32 $0xFFFFD880  }
0x11f: {  	_ =	sfence.sel $0x180000  }
0x120: {  	[bflag:$0x0] =	sbarrier.arrive $0xFFFF  }
0x121: {  	_ =	strace $0x9000004D  }
0x122: {  	s0 =	stileid.u32;
	[bflag:$0x2] =	sbarrier.arrive $0xFFFF  }
0x123: {  	p0 =	sne.s32 s0, $0x0;
	s0 =	rddreg [dreg:$0x3]  }
0x124: {  	s0 =	sadd.s32 @!p0 $0x100000, s0  }
0x125: {  	[sflag:s0] =	ssyncadd.tile.s32 @!p0 $0x1;
	_ =	shalt  }
.Lfunc_end2:
_tile_overlayer_lowered:
.L_overlay_start_2:
0x126: {  	(tag) =	ssettag $0x2  }
0x127: {  	s0 =	rddreg [dreg:$0x0];
	s2 =	stileid.u32  }
0x128: {  	s1 =	rddreg [dreg:$0x1];
	p0 =	sne.s32 s2, $0x0  }
0x129: {  	s3 =	rddreg [dreg:$0x2];
	[bflag:$0x3] =	sbarrier.arrive $0xFFFF;
	s2 =	simm.s32 @!p0 $0x1C03  }
0x12a: {  	[timem:s3], [sflag:s2] =	dma.local @!p0 [hbm:s0], s1  }
0x12b: {  	s0 =	simm.s32 @!p0 $0x3  }
0x12c: {  	_ =	swait.ge @!p0 [sflag:s0], s1  }
0x12d: {  	s1 =	ssub.s32 @!p0 $0x0, s1;
	[sflag:s0] =	ssyncset.done @!p0 $0x0  }
0x12e: {  	[sflag:s0] =	ssyncadd.s32 @!p0 s1  }
0x12f: {  	[bflag:$0x3] =	sbarrier.arrive $0xFFFF  }
0x130: {  	_ =	shalt  }

// kernel: kernel.8.cloned.1.call-start
scs
__scs_entry_jumppad:
0x0: {  	(pc) =	sbr.rel $0x88, $3  }
0x1: {  	(tag) =	ssettag $0x0;
	lr =	simm.s32 $0x1  }
0x2: {  	[smem:$0x3F97] =	sst lr;
	_ =	strace $0xD0000000  }
0x3: {  	_ = 	snop  }
0x4: {  	_ = 	snop  }
0x5: {  	_ = 	snop  }
0x6: {  	_ = 	snop  }
0x7: {  	_ = 	snop  }
__scs_overlays_trampoline_lowered:
0x8: {  	[smem:$0x3FA6] =	sst s0  }
0x9: {  	[smem:$0x3FA7] =	sst s1  }
0xa: {  	[smem:$0x3FA8] =	sst s2  }
0xb: {  	[smem:$0x3FA9] =	sst s3  }
0xc: {  	[smem:$0x3FAA] =	sst s4  }
0xd: {  	[smem:$0x3FAB] =	sst s5  }
0xe: {  	[smem:$0x3FAC] =	sst s6  }
0xf: {  	[smem:$0x3FAD] =	sst s7  }
0x10: {  	[smem:$0x3FAE] =	sst s8  }
0x11: {  	[smem:$0x3FAF] =	sst s9;
	s0 =	simm.s32 @!p0 $0x0  }
0x12: {  	s1 =	sld [smem:$0x3F95];
	s0 =	simm.s32 @p0 $0x1  }
0x13: {  	[smem:$0x3FB0] =	sst s0;
	s0 =	simm.s32 @!p1 $0x0  }
0x14: {  	s2 =	sld [smem:$0x3F94];
	s0 =	simm.s32 @p1 $0x1  }
0x15: {  	[smem:$0x3FB1] =	sst s0;
	s0 =	simm.s32 @!p2 $0x0  }
0x16: {  	s3 =	sld [smem:$0x3FDB];
	s0 =	simm.s32 @p2 $0x1  }
0x17: {  	s4 =	simm.s32 $0x1BF5;
	[smem:$0x3FB3] =	sst s0  }
0x18: {  	s0 =	sld [smem:$0x3F96];
	_ =	swait.ge [sflag:s4], $0x0  }
0x19: {  	s7 =	sld [smem:$0x3F97]  }
0x1a: {  	s8 =	sadd.s32 $0xFFFFE003, lr  }
0x1b: {  	s9 =	sadd.s32 $0xFFFFFEF7, lr;
	s5 =	simm.s32 $0xFFFFFFFF;
	p2 =	slt.u32 s8, $0xFFFFF086  }
0x1c: {  	p1 =	slt.u32 s9, $0xF7A;
	s5 =	simm.s32 @!p2 $0x0  }
0x1d: {  	s5 =	simm.s32 @p1 $0x1;
	p0 =	seq.s32 s7, s2  }
0x1e: {  	s7 =	smul.u32 @!p0 $0xF7A, s2;
	p2 =	seq.s32 @!p0 s5, $0x0  }
0x1f: {  	s9 =	smul.u32 $0xF7A, s1;
	s8 =	simm.s32 @!p0 $0x1BF5;
	p2 =	por !p2, p0  }
0x20: {  	[sflag:s8] =	ssyncset.s32 @!p0 $0xFFFFF086;
	s6 =	sadd.s32 @!p0 s3, s7;
	s7 =	simm.s32 @!p0 $0x108  }
0x21: {  	s3 =	sadd.s32 s3, s9;
	s6 =	sadd.s32 @!p0 $0x88, s6;
	s7 =	simm.s32 @p2 $0x1082  }
0x22: {  	[simem:s7], [sflag:s8] =	dma.local @!p0 [hbm:s6], $0xF7A  }
0x23: {  	s9 =	sor.u32 $0xD0000000, s2;
	s6 =	simm.s32 $0x108;
	_ =	swait.ge @!p0 [sflag:s8], $0x0  }
0x24: {  	s3 =	sadd.s32 $0x88, s3;
	s6 =	simm.s32 @!p1 $0x1082;
	[sflag:s4] =	ssyncset.s32 $0xFFFFF086  }
0x25: {  	[simem:s6], [sflag:s4] =	dma.local [hbm:s3], $0xF7A  }
0x26: {  	[smem:$0x3F97] =	sst s1;
	(tag) =	ssettag s2;
	_ =	strace s9  }
0x27: {  	s1 =	sld [smem:$0x3FA7]  }
0x28: {  	s2 =	sld [smem:$0x3FA8]  }
0x29: {  	s4 =	sld [smem:$0x3FAA]  }
0x2a: {  	p0 =	seq.s32 s5, $0x0;
	s5 =	sld [smem:$0x3FAB]  }
0x2b: {  	s6 =	sld [smem:$0x3FAC]  }
0x2c: {  	s7 =	sld [smem:$0x3FAD]  }
0x2d: {  	s3 =	simm.s32 $0x108;
	s8 =	sld [smem:$0x3FAE]  }
0x2e: {  	s3 =	simm.s32 @!p0 $0x1082;
	s9 =	sld [smem:$0x3FAF]  }
0x2f: {  	lr =	sadd.s32 s0, s3;
	s0 =	sld [smem:$0x3FA6]  }
0x30: {  	s3 =	sld [smem:$0x3FA9]  }
0x31: {  	[smem:$0x3FB2] =	sst s10  }
0x32: {  	s10 =	sld [smem:$0x3FB0];
	_ =	sdelay $0x3  }
0x33: {  	p0 =	seq.s32 s10, $0x1;
	s10 =	sld [smem:$0x3FB2];
	_ =	sdelay $0x3  }
0x34: {  	[smem:$0x3FB2] =	sst s10  }
0x35: {  	s10 =	sld [smem:$0x3FB1];
	_ =	sdelay $0x3  }
0x36: {  	p1 =	seq.s32 s10, $0x1;
	s10 =	sld [smem:$0x3FB2];
	_ =	sdelay $0x3  }
0x37: {  	[smem:$0x3FB2] =	sst s10  }
0x38: {  	s10 =	sld [smem:$0x3FB3]  }
0x39: {  	_ = 	snop;
	(pc) =	sbr.ind lr, $3  }
0x3a: {  	_ = 	snop  }
0x3b: {  	_ = 	snop  }
0x3c: {  	p2 =	seq.s32 s10, $0x1;
	s10 =	sld [smem:$0x3FB2]  }
0x3d: {  	_ =	shalt  }
0x3e: {  	_ =	shalt  }
0x3f: {  	_ =	shalt  }
0x40: {  	_ =	shalt  }
0x41: {  	_ =	shalt  }
0x42: {  	_ =	shalt  }
0x43: {  	_ =	shalt  }
0x44: {  	_ =	shalt  }
0x45: {  	_ =	shalt  }
0x46: {  	_ =	shalt  }
0x47: {  	_ =	shalt  }
0x48: {  	_ =	shalt  }
0x49: {  	_ =	shalt  }
0x4a: {  	_ =	shalt  }
0x4b: {  	_ =	shalt  }
0x4c: {  	_ =	shalt  }
0x4d: {  	_ =	shalt  }
0x4e: {  	_ =	shalt  }
0x4f: {  	_ =	shalt  }
0x50: {  	_ =	shalt  }
0x51: {  	_ =	shalt  }
0x52: {  	_ =	shalt  }
0x53: {  	_ =	shalt  }
0x54: {  	_ =	shalt  }
0x55: {  	_ =	shalt  }
0x56: {  	_ =	shalt  }
0x57: {  	_ =	shalt  }
0x58: {  	_ =	shalt  }
0x59: {  	_ =	shalt  }
0x5a: {  	_ =	shalt  }
0x5b: {  	_ =	shalt  }
0x5c: {  	_ =	shalt  }
0x5d: {  	_ =	shalt  }
0x5e: {  	_ =	shalt  }
0x5f: {  	_ =	shalt  }
0x60: {  	_ =	shalt  }
0x61: {  	_ =	shalt  }
0x62: {  	_ =	shalt  }
0x63: {  	_ =	shalt  }
0x64: {  	_ =	shalt  }
0x65: {  	_ =	shalt  }
0x66: {  	_ =	shalt  }
0x67: {  	_ =	shalt  }
0x68: {  	_ =	shalt  }
0x69: {  	_ =	shalt  }
0x6a: {  	_ =	shalt  }
0x6b: {  	_ =	shalt  }
0x6c: {  	_ =	shalt  }
0x6d: {  	_ =	shalt  }
0x6e: {  	_ =	shalt  }
0x6f: {  	_ =	shalt  }
0x70: {  	_ =	shalt  }
0x71: {  	_ =	shalt  }
0x72: {  	_ =	shalt  }
0x73: {  	_ =	shalt  }
0x74: {  	_ =	shalt  }
0x75: {  	_ =	shalt  }
0x76: {  	_ =	shalt  }
0x77: {  	_ =	shalt  }
0x78: {  	_ =	shalt  }
0x79: {  	_ =	shalt  }
0x7a: {  	_ =	shalt  }
0x7b: {  	_ =	shalt  }
0x7c: {  	_ =	shalt  }
0x7d: {  	_ =	shalt  }
0x7e: {  	_ =	shalt  }
0x7f: {  	_ =	shalt  }
0x80: {  	_ =	shalt  }
0x81: {  	_ =	shalt  }
0x82: {  	_ =	shalt  }
0x83: {  	_ =	shalt  }
0x84: {  	_ =	shalt  }
0x85: {  	_ =	shalt  }
0x86: {  	_ =	shalt  }
0x87: {  	_ =	shalt  }
.Lfunc_end0:
.L_simem_size_0:
called_computation_lowered:
.L_overlay_start_0:
0x88: {  	s2 =	sld [smem:$0x3FD9]  }
0x89: {  	s3 =	sld [smem:$0x3FFE];
	_ =	sdelay $0x1  }
0x8a: {  	s1 =	srdreg.scid  }
0x8b: {  	s0 =	sand.u32 $0x1, s1  }
0x8c: {  	s16 =	sshll.u32 s0, $0xA;
	s2 =	sadd.s32 s3, s2  }
0x8d: {  	s2 =	sadd.s32 s2, s16  }
0x8e: {  	[smem:$0x3FBE] =	sst s2  }
0x8f: {  	_ = 	snop  }
0x90: {  	(tm) =	ssettm $0x1  }
0x91: {  	s17 =	sld [smem:$0x3FFB];
	_ =	sdelay $0x3  }
0x92: {  	_ =	strace s17  }
0x93: {  	s2 =	sld [smem:$0x3FFC];
	_ =	sdelay $0x3  }
0x94: {  	_ =	strace s2  }
0x95: {  	s2 =	sld [smem:$0x3FFD];
	_ =	sdelay $0x3  }
0x96: {  	_ =	strace s2  }
0x97: {  	_ =	strace $0x8FFFFFFF  }
0x98: {  	s18 =	sld [smem:$0x3FDB];
	_ =	sdelay $0x1  }
0x99: {  	s19 =	simm.s32 $_scs_section_size  }
0x9a: {  	s4 =	simm.s32 $_size__tile_overlayer_lowered;
	s5 =	simm.s32 $_tile_overlayer_lowered  }
0x9b: {  	s22 =	simm.s32 $0x1BFF;
	s21 =	sshll.u32 s5, $0x1;
	s2 =	sadd.s32 s19, s18  }
0x9c: {  	s6 =	simm.s32 $0x0;
	s20 =	sshll.u32 s4, $0x1;
	s4 =	sadd.s32 s21, s2  }
0x9d: {  	[timem:s6], [sflag:s22] =	dma.local [hbm:s4], s20  }
0x9e: {  	_ =	swait.ge [sflag:s22], s20  }
0x9f: {  	s3 =	ssub.s32 $0x0, s20;
	[sflag:s22] =	ssyncset.done $0x0  }
0xa0: {  	[sflag:s22] =	ssyncadd.s32 s3;
	_ =	sdelay $0x1  }
0xa1: {  	s23 =	simm.s32 $0x1B8B  }
0xa2: {  	_ =	swait.ge [sflag:s23], $0x1  }
0xa3: {  	[sflag:s23] =	ssyncset.done $0x0  }
0xa4: {  	s25 =	simm.s32 $0x1B8E;
	s24 =	sld [smem:$0x3FFE];
	[sflag:s23] =	ssyncadd.s32 $0xFFFFFFFF  }
0xa5: {  	s26 =	simm.s32 $execute0_lowered;
	[smem:$0x3FD2] =	sst s25  }
0xa6: {  	s4 =	sshll.u32 s26, $0x1;
	_ =	strace $0x80000046;
	[dreg:$0x1] =	wrdreg $0xFFFFFFFF  }
0xa7: {  	s28 =	simm.s32 $_size_execute0_lowered;
	s2 =	sadd.s32 s2, s4;
	[dreg:$0x0] =	wrdreg $0x0  }
0xa8: {  	s4 =	sshll.u32 s28, $0x1;
	[dreg:$0x2] =	wrdreg s2  }
0xa9: {  	[dreg:$0x3] =	wrdreg s4  }
0xaa: {  	[dreg:$0x4] =	wrdreg $0xC0  }
0xab: {  	_ =	task [dreg:s6], $0x5FFFF  }
0xac: {  	[dreg:$0x1] =	wrdreg $0xFFFFFFFF  }
0xad: {  	[dreg:$0x0] =	wrdreg $0x60  }
0xae: {  	[dreg:$0x2] =	wrdreg s24  }
0xaf: {  	[dreg:$0x3] =	wrdreg $0xA8000  }
0xb0: {  	[dreg:$0x4] =	wrdreg $0x9  }
0xb1: {  	_ =	task.clear_ibuf [dreg:s6], $0x5FFFF;
	_ =	strace $0x90000046  }
0xb2: {  	s29 =	simm.s32 $0x9;
	_ =	strace $0x80000048  }
0xb3: {  	_ =	swait.ge [sflag:s29], $0x1  }
0xb4: {  	[sflag:s29] =	ssyncadd.s32 $0xFFFFFFFF  }
0xb5: {  	_ =	strace $0x90000048  }
0xb6: {  	_ =	sfence  }
0xb7: {  	s30 =	sld [smem:$0x0];
	_ =	sdelay $0x2  }
0xb8: {  	s31 =	sshll.u32 s1, $0xD;
	s1 =	sshrl.u32 s1, $0x2  }
0xb9: {  	s3 =	sand.u32 $0x4000, s31;
	s1 =	sadd.s32 s1, s30  }
0xba: {  	s0 =	sor.u32 s3, s0;
	s1 =	sshll.u32 s1, $0x11  }
0xbb: {  	s0 =	sor.u32 s1, s0  }
0xbc: {  	s0 =	sadd.s32 $0x8F2B, s0  }
0xbd: {  	[sflag:s0] =	ssyncadd.remote.s32 $0x1  }
0xbe: {  	_ =	sfence.sel $0xFFFF  }
0xbf: {  	[dreg:$0x0] =	wrdreg $0xFFFFFFFF;
	(pc) =	sbr.abs _section_cstart, $3  }
0xc0: {  	[dreg:$0x1] =	wrdreg $0xFFFFFFFF  }
0xc1: {  	_ =	task.clear_ibuf [dreg:s6], $0x2FFFF;
	_ =	strace $0x9FFFFFFF  }
0xc2: {  	(tm) =	ssettm $0x7FFFFFFF  }
0xc3: {  	_ =	shalt  }
tec
execute0_lowered:
.L_overlay_start_1:
0x0: {  	(tag) =	ssettag $0x1  }
0x1: {  	s0 =	srdreg.scid;
	s5 =	rddreg [dreg:$0x0]  }
0x2: {  	s2 =	rddreg [dreg:$0x1];
	s3 =	simm.s32 $0x0;
	s11 =	simm.s32 $0x1  }
0x3: {  	s12 =	simm.s32 $0x6800;
	s13 =	simm.s32 $0x80;
	s4 =	sand.u32 $0x1, s0  }
0x4: {  	s14 =	simm.s32 $0x2800;
	s0 =	stileid.u32;
	s7 =	smul.u32 $0x13C000, s4  }
0x5: {  	s17 =	simm.s32 $0x0;
	[smem:$0x7FF] =	sst s3;
	s8 =	smul.u32 $0x13C00, s0  }
0x6: {  	s1 =	sshll.u32 s4, $0x4;
	s9 =	smul.u32 $0x4F000, s0;
	s28 =	ssub.s32 $0x2, s4  }
0x7: {  	s15 =	sshll.u32 s0, $0x6;
	s1 =	sor.u32 s0, s1;
	s31 =	sshrl.u32 s28, $0x1  }
0x8: {  	s15 =	sor.u32 $0x1C01, s15;
	s6 =	smul.u32 $0x500, s1;
	s1 =	rddreg [dreg:$0x2]  }
0x9: {  	_ =	strace $0x80000047;
	s7 =	sadd.s32 s8, s7;
	s29 =	sshrl.u32 s9, $0x2  }
0xa: {  	s10 =	ssub.s32 s28, s31;
	s7 =	sshrl.u32 s7, $0x3;
	s4 =	sadd.s32 s29, s2  }
0xb: {  	s10 =	smax.u32 s10, $0x1;
	s6 =	sadd.s32 s6, s5;
	s30 =	sadd.s32 s7, s5  }
0xc: {  	s7 =	sadd.s32 $0x8000, s4;
	s8 =	sadd.s32 $0xC000, s4;
	s16 =	sshrl.u32 s4, $0x3  }
0xd: {  	v0 =	vimm.f32 $1.000000000e+00;
	v1 =	vimm.f32 $0.0e+00;
	s5 =	sadd.s32 $0x2A00, s6;
	s6 =	sadd.s32 $0x4000, s4;
	s9 =	sadd.s32 $0xCA00, s30  }
.LBB2_1:
0xe: {  	[tilespmem:s3], [sflag:$0x1] =	stream.linear.gather [hbm4b:s5+s3], $0x2780, $0x38;
	[tilespmem:$0xCF80] =	vst v63  }
0xf: {  	_ =	swait.ge [sflag:s11], $0x2780  }
0x10: {  	[sflag:s11] =	ssyncset.done $0x0  }
0x11: {  	s18 =	simm.s32 $0x0;
	[sflag:s11] =	ssyncadd.s32 $0xFFFFD880  }
.LBB2_2:
0x12: {  	p0 =	sne.s32 s18, $0xFE00  }
.Ltmp0:
0x13: {  	_ = 	snop;
	(pc) =	sbr.rel @p0 .LBB2_2-.Ltmp0, $3  }
0x14: {  	_ =	sdelay $0x1  }
0x15: {  	s19 =	sshra.s32 s18, $0x2  }
0x16: {  	s18 =	sadd.s32 $0x200, s18;
	[tilespmem:s19+$0x2800] =	vst v0  }
0x17: {  	s18 =	simm.s32 $0x200;
	s19 =	simm.s32 $0x0  }
.LBB2_4:
0x18: {  	p0 =	sne.s32 s18, $0xFE00;
	[tilespmem:s19+$0x6800] =	vst v1;
	s19 =	smov.u32 s18;
	s18 =	sadd.s32 $0x200, s18  }
.Ltmp1:
0x19: {  	(pc) =	sbr.rel @p0 .LBB2_4-.Ltmp1, $2  }
0x1a: {  	_ =	sdelay $0x2  }
0x1b: {  	s19 =	sshra.s32 s19, $0x2  }
0x1c: {  	[tilespmem:s19+$0x6800] =	vst v1  }
0x1d: {  	[spmem:s4] =	stream.linear.scatter [tilespmem:s12], [sflag:$0x1], $0x4000, $0x38;
	[tilespmem:$0xCF80] =	vst v63  }
0x1e: {  	_ =	swait.ge [sflag:s11], $0x4000  }
0x1f: {  	[sflag:s11] =	ssyncset.done $0x0  }
0x20: {  	[sflag:s11] =	ssyncadd.s32 $0xFFFFC000  }
0x21: {  	[spmem:s6] =	stream.linear.scatter [tilespmem:s12], [sflag:$0x1], $0x4000, $0x38;
	[tilespmem:$0xCF80] =	vst v63  }
0x22: {  	_ =	swait.ge [sflag:s11], $0x4000  }
0x23: {  	[sflag:s11] =	ssyncset.done $0x0  }
0x24: {  	[sflag:s11] =	ssyncadd.s32 $0xFFFFC000  }
0x25: {  	[spmem:s7] =	stream.linear.scatter [tilespmem:s12], [sflag:$0x1], $0x4000, $0x38;
	[tilespmem:$0xCF80] =	vst v63  }
0x26: {  	_ =	swait.ge [sflag:s11], $0x4000  }
0x27: {  	[sflag:s11] =	ssyncset.done $0x0  }
0x28: {  	[sflag:s11] =	ssyncadd.s32 $0xFFFFC000  }
0x29: {  	[spmem:s8] =	stream.linear.scatter [tilespmem:s12], [sflag:$0x1], $0x4000, $0x38;
	[tilespmem:$0xCF80] =	vst v63  }
0x2a: {  	_ =	swait.ge [sflag:s11], $0x4000  }
0x2b: {  	[sflag:s11] =	ssyncset.done $0x0  }
0x2c: {  	[sflag:s11] =	ssyncadd.s32 $0xFFFFC000  }
0x2d: {  	s18 =	simm.s32 $0x0;
	[bflag:$0x0] =	sbarrier.arrive $0xFFFF  }
0x2e: {  	[spmem:s2] =	stream.indirect.scatter.add.f32 [tilespmem:s14], [sflag:$0x1], $0x10, s18, s13, $0xb8;
	[tilespmem:$0xCF80] =	vst v63  }
0x2f: {  	_ =	swait.ge [sflag:s11], $0x800  }
0x30: {  	s18 =	simm.s32 $0x200;
	[sflag:s11] =	ssyncset.done $0x0  }
.LBB2_6:
0x31: {  	s19 =	sshra.s32 s18, $0x2;
	[sflag:s11] =	ssyncadd.s32 $0xFFFFF800;
	p0 =	sne.s32 s18, $0x9C00  }
0x32: {  	[spmem:s2] =	stream.indirect.scatter.add.f32 [tilespmem:s14], [sflag:$0x1], $0x10, s19, s13, $0xb8;
	[tilespmem:$0xCF80] =	vst v63  }
.Ltmp2:
0x33: {  	_ = 	snop;
	(pc) =	sbr.rel @p0 .LBB2_6-.Ltmp2, $4  }
0x34: {  	_ = 	snop  }
0x35: {  	s18 =	sadd.s32 $0x200, s18  }
0x36: {  	_ =	swait.ge [sflag:s11], $0x800  }
0x37: {  	[sflag:s11] =	ssyncset.done $0x0  }
0x38: {  	s17 =	sadd.s32 $0x1, s17  }
0x39: {  	[sflag:s11] =	ssyncadd.s32 $0xFFFFF800;
	p0 =	sne.s32 s17, s10  }
.Ltmp3:
0x3a: {  	[bflag:$0x0] =	sbarrier.arrive $0xFFFF;
	(pc) =	sbr.rel @p0 .LBB2_1-.Ltmp3, $4  }
0x3b: {  	[hbm:s9], [sflag:s15] =	dma.local [spmem:s16], $0x2780  }
0x3c: {  	_ =	swait.ge [sflag:s11], $0x2780  }
0x3d: {  	[sflag:s11] =	ssyncset.done $0x0  }
0x3e: {  	[sflag:s11] =	ssyncadd.s32 $0xFFFFD880  }
0x3f: {  	_ =	sfence.sel $0x180000  }
0x40: {  	[bflag:$0x0] =	sbarrier.arrive $0xFFFF  }
0x41: {  	p0 =	sne.s32 s0, $0x0;
	_ =	strace $0x90000047  }
0x42: {  	s0 =	sadd.s32 @!p0 $0x100000, s1;
	[bflag:$0x2] =	sbarrier.arrive $0xFFFF  }
0x43: {  	[sflag:s0] =	ssyncadd.tile.s32 @!p0 $0x1;
	_ =	shalt  }
.Lfunc_end2:
_tile_overlayer_lowered:
.L_overlay_start_2:
0x44: {  	(tag) =	ssettag $0x2  }
0x45: {  	s0 =	rddreg [dreg:$0x0];
	s2 =	stileid.u32  }
0x46: {  	s1 =	rddreg [dreg:$0x1];
	p0 =	sne.s32 s2, $0x0  }
0x47: {  	s3 =	rddreg [dreg:$0x2];
	[bflag:$0x3] =	sbarrier.arrive $0xFFFF;
	s2 =	simm.s32 @!p0 $0x1C01  }
0x48: {  	[timem:s3], [sflag:s2] =	dma.local @!p0 [hbm:s0], s1  }
0x49: {  	s0 =	simm.s32 @!p0 $0x1  }
0x4a: {  	_ =	swait.ge @!p0 [sflag:s0], s1  }
0x4b: {  	s1 =	ssub.s32 @!p0 $0x0, s1;
	[sflag:s0] =	ssyncset.done @!p0 $0x0  }
0x4c: {  	[sflag:s0] =	ssyncadd.s32 @!p0 s1  }
0x4d: {  	[bflag:$0x3] =	sbarrier.arrive $0xFFFF  }
0x4e: {  	_ =	shalt  }

</sc_bundles>
